<compile_context>
chip_gen: v7x
topology: tpu7x:2x2x1
jax: 0.10.2.dev20260603
libtpu: 0.0.44.dev20260713+nightly
codegen_flags: <defaults>
</compile_context>

<pallas_src>
import jax
import jax.numpy as jnp
from jax import lax
from jax.experimental import pallas as pl
from jax.experimental.pallas import tpu as pltpu
from jax.experimental.pallas import tpu_sc as plsc

NC = 2
NS = 16
L = 16
NW = NC * NS

DIM = 64
BLK = 128
NBUF = 4
LOOKAHEAD = 2


def _sc_body(xt_hbm, table_hbm, out_hbm, idx_v, gbufs, obufs, gsems, osems):
    wid = lax.axis_index("s") * NC + lax.axis_index("c")
    fields = xt_hbm.shape[0]
    batches = xt_hbm.shape[1]
    blocks_per_w = batches // (BLK * NW)
    n_chunks = blocks_per_w * fields
    base_blk = wid * blocks_per_w

    pltpu.sync_copy(xt_hbm.at[:, pl.ds(base_blk * BLK, blocks_per_w * BLK)], idx_v)

    lane = lax.iota(jnp.int32, L)
    chi_sel = [lax.div(lane + j * L, 8) for j in range(4)]
    clo_sel = lax.rem(lane, 8)

    def fire_gather(c, b):
        f = lax.rem(c, fields)
        bl = lax.div(c, fields)
        pltpu.async_copy(
            table_hbm.at[idx_v.at[f, pl.ds(bl * BLK, BLK)]], gbufs[b], gsems[b]
        )

    def wait_gather(b):
        pltpu.make_async_copy(
            table_hbm.at[idx_v.at[0, pl.ds(0, BLK)]], gbufs[b], gsems[b]
        ).wait()

    def fire_out(c, b):
        f = lax.rem(c, fields)
        bl = lax.div(c, fields)
        pltpu.async_copy(
            obufs[b].at[:, :, pl.ds(0, BLK)],
            out_hbm.at[f, :, base_blk + bl, :, :],
            osems[b],
        )

    def wait_out(b):
        pltpu.make_async_copy(
            obufs[b].at[:, :, pl.ds(0, BLK)], out_hbm.at[0, :, 0, :, :], osems[b]
        ).wait()

    def compute(b):
        gbuf, obuf = gbufs[b], obufs[b]

        @plsc.parallel_loop(0, BLK, unroll=2)
        def _(r):
            bvec = jnp.full((L,), r, jnp.int32)
            for j in range(4):
                v = gbuf[r, pl.ds(j * L, L)]
                s = v / (1.0 + jnp.exp(-v))
                plsc.store_scatter(obuf, [chi_sel[j], clo_sel, bvec], s)

    for c in range(LOOKAHEAD):
        fire_gather(c, c % NBUF)

    def group_body(g, _):
        for b in range(NBUF):
            c = g * NBUF + b
            wait_gather(b)

            @pl.when(c >= NBUF)
            def _():
                wait_out(b)

            compute(b)
            fire_out(c, b)

            @pl.when(c + LOOKAHEAD < n_chunks)
            def _():
                fire_gather(c + LOOKAHEAD, (b + LOOKAHEAD) % NBUF)

        return 0

    lax.fori_loop(0, n_chunks // NBUF, group_body, 0)

    for k in range(NBUF):
        wait_out((n_chunks - NBUF + k) % NBUF)


@jax.jit
def kernel(x, emb_weight):
    batch, fields = x.shape
    dim = emb_weight.shape[1]
    assert batch % (NW * BLK) == 0 and dim == DIM
    xt = x.T.astype(jnp.int32)

    mesh = plsc.VectorSubcoreMesh(
        core_axis_name="c", subcore_axis_name="s", num_cores=NC, num_subcores=NS
    )
    run = pl.kernel(
        _sc_body,
        out_type=jax.ShapeDtypeStruct(
            (fields, dim // 8, batch // BLK, 8, BLK), jnp.float32
        ),
        mesh=mesh,
        scratch_types=[
            pltpu.VMEM((fields, batch // NW), jnp.int32),
            [pltpu.VMEM((BLK, dim), jnp.float32) for _ in range(NBUF)],
            [pltpu.VMEM((dim // 8, 8, BLK + 1), jnp.float32) for _ in range(NBUF)],
            [pltpu.SemaphoreType.DMA for _ in range(NBUF)],
            [pltpu.SemaphoreType.DMA for _ in range(NBUF)],
        ],
        compiler_params=pltpu.CompilerParams(
            use_tc_tiling_on_sc=False, needs_layout_passes=False
        ),
    )
    e = run(xt, emb_weight)
    return e.transpose(2, 4, 0, 1, 3).reshape(batch, fields, dim)

# --- scband reference (transcript-rebuilt; emitter-appended) ---
"""Pipeline reference for scband-embedding-block-69114613727527 (READ-ONLY COPY).

The authoritative reference and input builder live on the scoring server;
editing this copy changes nothing except your own understanding.
"""

import jax, jax.numpy as jnp
import numpy as np
import math

VOCAB = 1000000
DIM = 64
BATCH = 16384
FIELDS = 26


def setup_inputs(seed: int = 0) -> dict:
    key = jax.random.key(seed)
    k1, k2 = jax.random.split(key)
    x = jax.random.randint(k1, (BATCH, FIELDS), 0, VOCAB, dtype=jnp.int64 if jax.config.read('jax_enable_x64') else jnp.int32)
    bound = 1.0 / math.sqrt(DIM)
    emb_weight = jax.random.uniform(k2, (VOCAB, DIM), dtype=jnp.float32, minval=-bound, maxval=bound)
    return {"x": x, "emb_weight": emb_weight}


def reference(x, emb_weight):
    # nn.Embedding lookup -> gather rows
    h = jnp.take(emb_weight, x, axis=0)
    # swish activation: x * sigmoid(x)
    return h * jax.nn.sigmoid(h)

if __name__ == "__main__":
    import jax
    _d = setup_inputs()
    print(jax.jit(kernel)(*tuple(_d.values())))

</pallas_src>

<mosaic_0001>
#map = affine_map<(d0, d1) -> (0, 0)>
#map1 = affine_map<(d0, d1) -> (0, 0, 0, 0, 0)>
module attributes {stable_mosaic.version = 14 : i64} {
  func.func @_sc_body(%arg0: i32, %arg1: i32, %arg2: memref<26x16384xi32, #tpu.memory_space<hbm>>, %arg3: memref<1000000x64xf32, #tpu.memory_space<hbm>>, %arg4: memref<26x8x128x8x128xf32, #tpu.memory_space<hbm>>, %arg5: memref<26x512xi32, #tpu.memory_space<vmem>>, %arg6: memref<128x64xf32, #tpu.memory_space<vmem>>, %arg7: memref<128x64xf32, #tpu.memory_space<vmem>>, %arg8: memref<128x64xf32, #tpu.memory_space<vmem>>, %arg9: memref<128x64xf32, #tpu.memory_space<vmem>>, %arg10: memref<8x8x129xf32, #tpu.memory_space<vmem>>, %arg11: memref<8x8x129xf32, #tpu.memory_space<vmem>>, %arg12: memref<8x8x129xf32, #tpu.memory_space<vmem>>, %arg13: memref<8x8x129xf32, #tpu.memory_space<vmem>>, %arg14: memref<!tpu.dma_semaphore, #tpu.memory_space<semaphore_mem>>, %arg15: memref<!tpu.dma_semaphore, #tpu.memory_space<semaphore_mem>>, %arg16: memref<!tpu.dma_semaphore, #tpu.memory_space<semaphore_mem>>, %arg17: memref<!tpu.dma_semaphore, #tpu.memory_space<semaphore_mem>>, %arg18: memref<!tpu.dma_semaphore, #tpu.memory_space<semaphore_mem>>, %arg19: memref<!tpu.dma_semaphore, #tpu.memory_space<semaphore_mem>>, %arg20: memref<!tpu.dma_semaphore, #tpu.memory_space<semaphore_mem>>, %arg21: memref<!tpu.dma_semaphore, #tpu.memory_space<semaphore_mem>>) attributes {dimension_semantics = [#tpu.dimension_semantics<core_parallel>, #tpu.dimension_semantics<subcore_parallel>], iteration_bounds = array<i64: 2, 16>, scalar_prefetch = 0 : i64, scratch_operands = 17 : i64, tpu.core_type = #tpu.core_type<sc_vector_subcore>, window_params = [{transform_indices = #map}, {transform_indices = #map}, {transform_indices = #map1}]} {
    %mul3A = arith.constant 2 : i32
    %mul3A_0 = arith.muli %arg1, %mul3A : i32
    %add3A = arith.addi %mul3A_0, %arg0 : i32
    %mul3A_1 = arith.constant 4 : i32
    %mul3A_2 = arith.muli %add3A, %mul3A_1 : i32
    %mul3A_3 = arith.constant 128 : i32
    %mul3A_4 = arith.muli %mul3A_2, %mul3A_3 : i32
    "tpu.region"() ({
      %run_scoped3A = tpu.sem_alloc : memref<!tpu.dma_semaphore, #tpu.memory_space<semaphore_mem>>
      %dma_start3A_140 = arith.constant 0 : i32
      %dma_start3A_141 = tpu.memref_slice %arg2[%dma_start3A_140, %mul3A_4] : memref<26x16384xi32, #tpu.memory_space<hbm>> -> memref<26x512xi32, #tpu.memory_space<hbm>>
      %dma_start3A_142 = arith.constant 0 : i32
      %dma_start3A_143 = tpu.memref_slice %arg2[%dma_start3A_142, %mul3A_4] : memref<26x16384xi32, #tpu.memory_space<hbm>> -> memref<26x512xi32, #tpu.memory_space<hbm>>
      tpu.enqueue_dma source(%dma_start3A_143 : memref<26x512xi32, #tpu.memory_space<hbm>>) target(%arg5 : memref<26x512xi32, #tpu.memory_space<vmem>>) target_semaphore(%run_scoped3A : memref<!tpu.dma_semaphore, #tpu.memory_space<semaphore_mem>>)
      %dma_wait3A_144 = arith.constant 0 : i32
      %dma_wait3A_145 = tpu.memref_slice %arg2[%dma_wait3A_144, %mul3A_4] : memref<26x16384xi32, #tpu.memory_space<hbm>> -> memref<26x512xi32, #tpu.memory_space<hbm>>
      %dma_wait3A_146 = arith.constant 0 : i32
      %dma_wait3A_147 = tpu.memref_slice %arg2[%dma_wait3A_146, %mul3A_4] : memref<26x16384xi32, #tpu.memory_space<hbm>> -> memref<26x512xi32, #tpu.memory_space<hbm>>
      tpu.wait_dma2 semaphore(%run_scoped3A : memref<!tpu.dma_semaphore, #tpu.memory_space<semaphore_mem>>) src(%dma_wait3A_147 : memref<26x512xi32, #tpu.memory_space<hbm>>) dst(%arg5 : memref<26x512xi32, #tpu.memory_space<vmem>>)
      tpu.yield
    }) : () -> ()
    %iota3A = tpu.iota {dimensions = array<i32: 0>} : vector<16xi32>
    %add3A_5 = arith.constant 0 : i32
    %add3A_6 = vector.broadcast %add3A_5 : i32 to vector<16xi32>
    %add3A_7 = arith.addi %iota3A, %add3A_6 : vector<16xi32>
    %div3A = arith.constant 8 : i32
    %div3A_8 = vector.broadcast %div3A : i32 to vector<16xi32>
    %div3A_9 = arith.divsi %add3A_7, %div3A_8 : vector<16xi32>
    %add3A_10 = arith.constant 16 : i32
    %add3A_11 = vector.broadcast %add3A_10 : i32 to vector<16xi32>
    %add3A_12 = arith.addi %iota3A, %add3A_11 : vector<16xi32>
    %div3A_13 = arith.constant 8 : i32
    %div3A_14 = vector.broadcast %div3A_13 : i32 to vector<16xi32>
    %div3A_15 = arith.divsi %add3A_12, %div3A_14 : vector<16xi32>
    %add3A_16 = arith.constant 32 : i32
    %add3A_17 = vector.broadcast %add3A_16 : i32 to vector<16xi32>
    %add3A_18 = arith.addi %iota3A, %add3A_17 : vector<16xi32>
    %div3A_19 = arith.constant 8 : i32
    %div3A_20 = vector.broadcast %div3A_19 : i32 to vector<16xi32>
    %div3A_21 = arith.divsi %add3A_18, %div3A_20 : vector<16xi32>
    %add3A_22 = arith.constant 48 : i32
    %add3A_23 = vector.broadcast %add3A_22 : i32 to vector<16xi32>
    %add3A_24 = arith.addi %iota3A, %add3A_23 : vector<16xi32>
    %div3A_25 = arith.constant 8 : i32
    %div3A_26 = vector.broadcast %div3A_25 : i32 to vector<16xi32>
    %div3A_27 = arith.divsi %add3A_24, %div3A_26 : vector<16xi32>
    %rem3A = arith.constant 8 : i32
    %rem3A_28 = vector.broadcast %rem3A : i32 to vector<16xi32>
    %rem3A_29 = arith.remsi %iota3A, %rem3A_28 : vector<16xi32>
    %rem3A_30 = arith.constant 0 : i32
    %rem3A_31 = arith.constant 26 : i32
    %rem3A_32 = arith.remsi %rem3A_30, %rem3A_31 : i32
    %div3A_33 = arith.constant 0 : i32
    %div3A_34 = arith.constant 26 : i32
    %div3A_35 = arith.divsi %div3A_33, %div3A_34 : i32
    %mul3A_36 = arith.constant 128 : i32
    %mul3A_37 = arith.muli %div3A_35, %mul3A_36 : i32
    %dma_start3A = tpu.memref_slice %arg5[%rem3A_32, %mul3A_37] : memref<26x512xi32, #tpu.memory_space<vmem>> -> memref<1x128xi32, #tpu.memory_space<vmem>>
    %dma_start3A_38 = tpu.memref_squeeze %dma_start3A : memref<1x128xi32, #tpu.memory_space<vmem>> -> memref<128xi32, #tpu.memory_space<vmem>>
    %dma_start3A_39 = arith.constant 0 : i32
    %dma_start3A_40 = arith.constant 0 : i32
    %dma_start3A_41 = tpu.memref_slice %arg3[%dma_start3A_39, %dma_start3A_40] : memref<1000000x64xf32, #tpu.memory_space<hbm>> -> memref<1000000x64xf32, #tpu.memory_space<hbm>>
    tpu.enqueue_indirect_dma source(%dma_start3A_41 : memref<1000000x64xf32, #tpu.memory_space<hbm>>) target(%arg6 : memref<128x64xf32, #tpu.memory_space<vmem>>) offsets(%dma_start3A_38 : memref<128xi32, #tpu.memory_space<vmem>>) semaphore(%arg14 : memref<!tpu.dma_semaphore, #tpu.memory_space<semaphore_mem>>)
    %rem3A_42 = arith.constant 1 : i32
    %rem3A_43 = arith.constant 26 : i32
    %rem3A_44 = arith.remsi %rem3A_42, %rem3A_43 : i32
    %div3A_45 = arith.constant 1 : i32
    %div3A_46 = arith.constant 26 : i32
    %div3A_47 = arith.divsi %div3A_45, %div3A_46 : i32
    %mul3A_48 = arith.constant 128 : i32
    %mul3A_49 = arith.muli %div3A_47, %mul3A_48 : i32
    %dma_start3A_50 = tpu.memref_slice %arg5[%rem3A_44, %mul3A_49] : memref<26x512xi32, #tpu.memory_space<vmem>> -> memref<1x128xi32, #tpu.memory_space<vmem>>
    %dma_start3A_51 = tpu.memref_squeeze %dma_start3A_50 : memref<1x128xi32, #tpu.memory_space<vmem>> -> memref<128xi32, #tpu.memory_space<vmem>>
    %dma_start3A_52 = arith.constant 0 : i32
    %dma_start3A_53 = arith.constant 0 : i32
    %dma_start3A_54 = tpu.memref_slice %arg3[%dma_start3A_52, %dma_start3A_53] : memref<1000000x64xf32, #tpu.memory_space<hbm>> -> memref<1000000x64xf32, #tpu.memory_space<hbm>>
    tpu.enqueue_indirect_dma source(%dma_start3A_54 : memref<1000000x64xf32, #tpu.memory_space<hbm>>) target(%arg7 : memref<128x64xf32, #tpu.memory_space<vmem>>) offsets(%dma_start3A_51 : memref<128xi32, #tpu.memory_space<vmem>>) semaphore(%arg15 : memref<!tpu.dma_semaphore, #tpu.memory_space<semaphore_mem>>)
    %scan3A = arith.constant 0 : i32
    %scan3A_55 = arith.constant 0 : i32
    %scan3A_56 = arith.constant 26 : i32
    %scan3A_57 = arith.addi %scan3A_55, %scan3A_56 : i32
    %scan3A_58 = arith.constant 1 : i32
    %scan3A_59 = scf.for %scan3A_140 = %scan3A_55 to %scan3A_57 step %scan3A_58 iter_args(%scan3A_141 = %scan3A) -> (i32)  : i32 {
      %mul3A_142 = arith.constant 4 : i32
      %mul3A_143 = arith.muli %scan3A_140, %mul3A_142 : i32
      %add3A_144 = arith.constant 0 : i32
      %add3A_145 = arith.addi %mul3A_143, %add3A_144 : i32
      %dma_wait3A_146 = arith.constant 0 : i32
      %dma_wait3A_147 = arith.constant 0 : i32
      %dma_wait3A_148 = tpu.memref_slice %arg5[%dma_wait3A_146, %dma_wait3A_147] : memref<26x512xi32, #tpu.memory_space<vmem>> -> memref<1x128xi32, #tpu.memory_space<vmem>>
      %dma_wait3A_149 = tpu.memref_squeeze %dma_wait3A_148 : memref<1x128xi32, #tpu.memory_space<vmem>> -> memref<128xi32, #tpu.memory_space<vmem>>
      %dma_wait3A_150 = arith.constant 0 : i32
      %dma_wait3A_151 = arith.constant 0 : i32
      %dma_wait3A_152 = tpu.memref_slice %arg3[%dma_wait3A_150, %dma_wait3A_151] : memref<1000000x64xf32, #tpu.memory_space<hbm>> -> memref<1000000x64xf32, #tpu.memory_space<hbm>>
      tpu.wait_indirect_dma semaphore(%arg14 : memref<!tpu.dma_semaphore, #tpu.memory_space<semaphore_mem>>) src(%dma_wait3A_152 : memref<1000000x64xf32, #tpu.memory_space<hbm>>) dst(%arg6 : memref<128x64xf32, #tpu.memory_space<vmem>>)
      %ge3A = arith.constant 4 : i32
      %ge3A_153 = arith.cmpi sge, %add3A_145, %ge3A : i32
      %convert_element_type3A = arith.extui %ge3A_153 : i1 to i32
      %cond3A = arith.constant 0 : i32
      %cond3A_154 = arith.cmpi ne, %convert_element_type3A, %cond3A : i32
      scf.if %cond3A_154 {
        %dma_wait3A_334 = arith.constant 0 : i32
        %dma_wait3A_335 = arith.constant 0 : i32
        %dma_wait3A_336 = arith.constant 0 : i32
        %dma_wait3A_337 = arith.constant 0 : i32
        %dma_wait3A_338 = arith.constant 0 : i32
        %dma_wait3A_339 = tpu.memref_slice %arg10[%dma_wait3A_336, %dma_wait3A_337, %dma_wait3A_338] : memref<8x8x129xf32, #tpu.memory_space<vmem>> -> memref<8x8x128xf32, #tpu.memory_space<vmem>>
        %dma_wait3A_340 = arith.constant 0 : i32
        %dma_wait3A_341 = arith.constant 0 : i32
        %dma_wait3A_342 = arith.constant 0 : i32
        %dma_wait3A_343 = tpu.memref_slice %arg4[%dma_wait3A_334, %dma_wait3A_340, %dma_wait3A_335, %dma_wait3A_341, %dma_wait3A_342] : memref<26x8x128x8x128xf32, #tpu.memory_space<hbm>> -> memref<1x8x1x8x128xf32, #tpu.memory_space<hbm>>
        %dma_wait3A_344 = tpu.memref_squeeze %dma_wait3A_343 : memref<1x8x1x8x128xf32, #tpu.memory_space<hbm>> -> memref<8x8x128xf32, #tpu.memory_space<hbm>>
        %dma_wait3A_345 = arith.constant 0 : i32
        %dma_wait3A_346 = arith.constant 0 : i32
        %dma_wait3A_347 = arith.constant 0 : i32
        %dma_wait3A_348 = tpu.memref_slice %arg4[%dma_wait3A_334, %dma_wait3A_345, %dma_wait3A_335, %dma_wait3A_346, %dma_wait3A_347] : memref<26x8x128x8x128xf32, #tpu.memory_space<hbm>> -> memref<1x8x1x8x128xf32, #tpu.memory_space<hbm>>
        %dma_wait3A_349 = tpu.memref_squeeze %dma_wait3A_348 : memref<1x8x1x8x128xf32, #tpu.memory_space<hbm>> -> memref<8x8x128xf32, #tpu.memory_space<hbm>>
        %dma_wait3A_350 = arith.constant 0 : i32
        %dma_wait3A_351 = arith.constant 0 : i32
        %dma_wait3A_352 = arith.constant 0 : i32
        %dma_wait3A_353 = tpu.memref_slice %arg10[%dma_wait3A_350, %dma_wait3A_351, %dma_wait3A_352] : memref<8x8x129xf32, #tpu.memory_space<vmem>> -> memref<8x8x128xf32, #tpu.memory_space<vmem>>
        tpu.wait_dma2 semaphore(%arg18 : memref<!tpu.dma_semaphore, #tpu.memory_space<semaphore_mem>>) src(%dma_wait3A_353 : memref<8x8x128xf32, #tpu.memory_space<vmem>>) dst(%dma_wait3A_349 : memref<8x8x128xf32, #tpu.memory_space<hbm>>)
      } else {
      }
      %parallel_loop3A = arith.constant 0 : i32
      %parallel_loop3A_155 = arith.constant 128 : i32
      %parallel_loop3A_156 = arith.constant 1 : i32
      scf.for %parallel_loop3A_334 = %parallel_loop3A to %parallel_loop3A_155 step %parallel_loop3A_156  : i32 {
        %parallel_loop3A_335 = vector.broadcast %parallel_loop3A_334 : i32 to vector<16xi32>
        %parallel_loop3A_336 = arith.index_cast %parallel_loop3A_334 : i32 to index
        %parallel_loop3A_337 = arith.constant 0 : index
        %parallel_loop3A_338 = tpu.vector_load %arg6[%parallel_loop3A_336, %parallel_loop3A_337] {strides = array<i32>} : memref<128x64xf32, #tpu.memory_space<vmem>>, vector<16xf32>,
        %parallel_loop3A_339 = arith.constant 0.000000e+00 : f32
        %parallel_loop3A_340 = vector.broadcast %parallel_loop3A_339 : f32 to vector<16xf32>
        %parallel_loop3A_341 = arith.subf %parallel_loop3A_340, %parallel_loop3A_338 : vector<16xf32>
        %parallel_loop3A_342 = math.exp %parallel_loop3A_341 : vector<16xf32>
        %parallel_loop3A_343 = arith.constant 1.000000e+00 : f32
        %parallel_loop3A_344 = vector.broadcast %parallel_loop3A_343 : f32 to vector<16xf32>
        %parallel_loop3A_345 = arith.addf %parallel_loop3A_344, %parallel_loop3A_342 : vector<16xf32>
        %parallel_loop3A_346 = arith.divf %parallel_loop3A_338, %parallel_loop3A_345 : vector<16xf32>
        tpu.vector_store_idx %arg10[%div3A_9, %rem3A_29, %parallel_loop3A_335], %parallel_loop3A_346 : memref<8x8x129xf32, #tpu.memory_space<vmem>>[vector<16xi32>, vector<16xi32>, vector<16xi32>], vector<16xf32>,
        %parallel_loop3A_347 = arith.index_cast %parallel_loop3A_334 : i32 to index
        %parallel_loop3A_348 = arith.constant 16 : index
        %parallel_loop3A_349 = tpu.vector_load %arg6[%parallel_loop3A_347, %parallel_loop3A_348] {strides = array<i32>} : memref<128x64xf32, #tpu.memory_space<vmem>>, vector<16xf32>,
        %parallel_loop3A_350 = arith.constant 0.000000e+00 : f32
        %parallel_loop3A_351 = vector.broadcast %parallel_loop3A_350 : f32 to vector<16xf32>
        %parallel_loop3A_352 = arith.subf %parallel_loop3A_351, %parallel_loop3A_349 : vector<16xf32>
        %parallel_loop3A_353 = math.exp %parallel_loop3A_352 : vector<16xf32>
        %parallel_loop3A_354 = arith.constant 1.000000e+00 : f32
        %parallel_loop3A_355 = vector.broadcast %parallel_loop3A_354 : f32 to vector<16xf32>
        %parallel_loop3A_356 = arith.addf %parallel_loop3A_355, %parallel_loop3A_353 : vector<16xf32>
        %parallel_loop3A_357 = arith.divf %parallel_loop3A_349, %parallel_loop3A_356 : vector<16xf32>
        tpu.vector_store_idx %arg10[%div3A_15, %rem3A_29, %parallel_loop3A_335], %parallel_loop3A_357 : memref<8x8x129xf32, #tpu.memory_space<vmem>>[vector<16xi32>, vector<16xi32>, vector<16xi32>], vector<16xf32>,
        %parallel_loop3A_358 = arith.index_cast %parallel_loop3A_334 : i32 to index
        %parallel_loop3A_359 = arith.constant 32 : index
        %parallel_loop3A_360 = tpu.vector_load %arg6[%parallel_loop3A_358, %parallel_loop3A_359] {strides = array<i32>} : memref<128x64xf32, #tpu.memory_space<vmem>>, vector<16xf32>,
        %parallel_loop3A_361 = arith.constant 0.000000e+00 : f32
        %parallel_loop3A_362 = vector.broadcast %parallel_loop3A_361 : f32 to vector<16xf32>
        %parallel_loop3A_363 = arith.subf %parallel_loop3A_362, %parallel_loop3A_360 : vector<16xf32>
        %parallel_loop3A_364 = math.exp %parallel_loop3A_363 : vector<16xf32>
        %parallel_loop3A_365 = arith.constant 1.000000e+00 : f32
        %parallel_loop3A_366 = vector.broadcast %parallel_loop3A_365 : f32 to vector<16xf32>
        %parallel_loop3A_367 = arith.addf %parallel_loop3A_366, %parallel_loop3A_364 : vector<16xf32>
        %parallel_loop3A_368 = arith.divf %parallel_loop3A_360, %parallel_loop3A_367 : vector<16xf32>
        tpu.vector_store_idx %arg10[%div3A_21, %rem3A_29, %parallel_loop3A_335], %parallel_loop3A_368 : memref<8x8x129xf32, #tpu.memory_space<vmem>>[vector<16xi32>, vector<16xi32>, vector<16xi32>], vector<16xf32>,
        %parallel_loop3A_369 = arith.index_cast %parallel_loop3A_334 : i32 to index
        %parallel_loop3A_370 = arith.constant 48 : index
        %parallel_loop3A_371 = tpu.vector_load %arg6[%parallel_loop3A_369, %parallel_loop3A_370] {strides = array<i32>} : memref<128x64xf32, #tpu.memory_space<vmem>>, vector<16xf32>,
        %parallel_loop3A_372 = arith.constant 0.000000e+00 : f32
        %parallel_loop3A_373 = vector.broadcast %parallel_loop3A_372 : f32 to vector<16xf32>
        %parallel_loop3A_374 = arith.subf %parallel_loop3A_373, %parallel_loop3A_371 : vector<16xf32>
        %parallel_loop3A_375 = math.exp %parallel_loop3A_374 : vector<16xf32>
        %parallel_loop3A_376 = arith.constant 1.000000e+00 : f32
        %parallel_loop3A_377 = vector.broadcast %parallel_loop3A_376 : f32 to vector<16xf32>
        %parallel_loop3A_378 = arith.addf %parallel_loop3A_377, %parallel_loop3A_375 : vector<16xf32>
        %parallel_loop3A_379 = arith.divf %parallel_loop3A_371, %parallel_loop3A_378 : vector<16xf32>
        tpu.vector_store_idx %arg10[%div3A_27, %rem3A_29, %parallel_loop3A_335], %parallel_loop3A_379 : memref<8x8x129xf32, #tpu.memory_space<vmem>>[vector<16xi32>, vector<16xi32>, vector<16xi32>], vector<16xf32>,
      } {sc.loop_unroll_factor = 2 : i64, sc.parallel_access}
      %rem3A_157 = arith.constant 26 : i32
      %rem3A_158 = arith.remsi %add3A_145, %rem3A_157 : i32
      %div3A_159 = arith.constant 26 : i32
      %div3A_160 = arith.divsi %add3A_145, %div3A_159 : i32
      %add3A_161 = arith.addi %mul3A_2, %div3A_160 : i32
      %dma_start3A_162 = arith.constant 0 : i32
      %dma_start3A_163 = arith.constant 0 : i32
      %dma_start3A_164 = arith.constant 0 : i32
      %dma_start3A_165 = tpu.memref_slice %arg10[%dma_start3A_162, %dma_start3A_163, %dma_start3A_164] : memref<8x8x129xf32, #tpu.memory_space<vmem>> -> memref<8x8x128xf32, #tpu.memory_space<vmem>>
      %dma_start3A_166 = arith.constant 0 : i32
      %dma_start3A_167 = arith.constant 0 : i32
      %dma_start3A_168 = arith.constant 0 : i32
      %dma_start3A_169 = tpu.memref_slice %arg4[%rem3A_158, %dma_start3A_166, %add3A_161, %dma_start3A_167, %dma_start3A_168] : memref<26x8x128x8x128xf32, #tpu.memory_space<hbm>> -> memref<1x8x1x8x128xf32, #tpu.memory_space<hbm>>
      %dma_start3A_170 = tpu.memref_squeeze %dma_start3A_169 : memref<1x8x1x8x128xf32, #tpu.memory_space<hbm>> -> memref<8x8x128xf32, #tpu.memory_space<hbm>>
      %dma_start3A_171 = arith.constant 0 : i32
      %dma_start3A_172 = arith.constant 0 : i32
      %dma_start3A_173 = arith.constant 0 : i32
      %dma_start3A_174 = tpu.memref_slice %arg4[%rem3A_158, %dma_start3A_171, %add3A_161, %dma_start3A_172, %dma_start3A_173] : memref<26x8x128x8x128xf32, #tpu.memory_space<hbm>> -> memref<1x8x1x8x128xf32, #tpu.memory_space<hbm>>
      %dma_start3A_175 = tpu.memref_squeeze %dma_start3A_174 : memref<1x8x1x8x128xf32, #tpu.memory_space<hbm>> -> memref<8x8x128xf32, #tpu.memory_space<hbm>>
      %dma_start3A_176 = arith.constant 0 : i32
      %dma_start3A_177 = arith.constant 0 : i32
      %dma_start3A_178 = arith.constant 0 : i32
      %dma_start3A_179 = tpu.memref_slice %arg10[%dma_start3A_176, %dma_start3A_177, %dma_start3A_178] : memref<8x8x129xf32, #tpu.memory_space<vmem>> -> memref<8x8x128xf32, #tpu.memory_space<vmem>>
      tpu.enqueue_dma source(%dma_start3A_179 : memref<8x8x128xf32, #tpu.memory_space<vmem>>) target(%dma_start3A_175 : memref<8x8x128xf32, #tpu.memory_space<hbm>>) target_semaphore(%arg18 : memref<!tpu.dma_semaphore, #tpu.memory_space<semaphore_mem>>)
      %add3A_180 = arith.constant 2 : i32
      %add3A_181 = arith.addi %add3A_145, %add3A_180 : i32
      %lt3A = arith.constant 104 : i32
      %lt3A_182 = arith.cmpi slt, %add3A_181, %lt3A : i32
      %convert_element_type3A_183 = arith.extui %lt3A_182 : i1 to i32
      %cond3A_184 = arith.constant 0 : i32
      %cond3A_185 = arith.cmpi ne, %convert_element_type3A_183, %cond3A_184 : i32
      scf.if %cond3A_185 {
        %add3A_334 = arith.constant 2 : i32
        %add3A_335 = arith.addi %add3A_145, %add3A_334 : i32
        %rem3A_336 = arith.constant 26 : i32
        %rem3A_337 = arith.remsi %add3A_335, %rem3A_336 : i32
        %div3A_338 = arith.constant 26 : i32
        %div3A_339 = arith.divsi %add3A_335, %div3A_338 : i32
        %mul3A_340 = arith.constant 128 : i32
        %mul3A_341 = arith.muli %div3A_339, %mul3A_340 : i32
        %dma_start3A_342 = tpu.memref_slice %arg5[%rem3A_337, %mul3A_341] : memref<26x512xi32, #tpu.memory_space<vmem>> -> memref<1x128xi32, #tpu.memory_space<vmem>>
        %dma_start3A_343 = tpu.memref_squeeze %dma_start3A_342 : memref<1x128xi32, #tpu.memory_space<vmem>> -> memref<128xi32, #tpu.memory_space<vmem>>
        %dma_start3A_344 = arith.constant 0 : i32
        %dma_start3A_345 = arith.constant 0 : i32
        %dma_start3A_346 = tpu.memref_slice %arg3[%dma_start3A_344, %dma_start3A_345] : memref<1000000x64xf32, #tpu.memory_space<hbm>> -> memref<1000000x64xf32, #tpu.memory_space<hbm>>
        tpu.enqueue_indirect_dma source(%dma_start3A_346 : memref<1000000x64xf32, #tpu.memory_space<hbm>>) target(%arg8 : memref<128x64xf32, #tpu.memory_space<vmem>>) offsets(%dma_start3A_343 : memref<128xi32, #tpu.memory_space<vmem>>) semaphore(%arg16 : memref<!tpu.dma_semaphore, #tpu.memory_space<semaphore_mem>>)
      } else {
      }
      %mul3A_186 = arith.constant 4 : i32
      %mul3A_187 = arith.muli %scan3A_140, %mul3A_186 : i32
      %add3A_188 = arith.constant 1 : i32
      %add3A_189 = arith.addi %mul3A_187, %add3A_188 : i32
      %dma_wait3A_190 = arith.constant 0 : i32
      %dma_wait3A_191 = arith.constant 0 : i32
      %dma_wait3A_192 = tpu.memref_slice %arg5[%dma_wait3A_190, %dma_wait3A_191] : memref<26x512xi32, #tpu.memory_space<vmem>> -> memref<1x128xi32, #tpu.memory_space<vmem>>
      %dma_wait3A_193 = tpu.memref_squeeze %dma_wait3A_192 : memref<1x128xi32, #tpu.memory_space<vmem>> -> memref<128xi32, #tpu.memory_space<vmem>>
      %dma_wait3A_194 = arith.constant 0 : i32
      %dma_wait3A_195 = arith.constant 0 : i32
      %dma_wait3A_196 = tpu.memref_slice %arg3[%dma_wait3A_194, %dma_wait3A_195] : memref<1000000x64xf32, #tpu.memory_space<hbm>> -> memref<1000000x64xf32, #tpu.memory_space<hbm>>
      tpu.wait_indirect_dma semaphore(%arg15 : memref<!tpu.dma_semaphore, #tpu.memory_space<semaphore_mem>>) src(%dma_wait3A_196 : memref<1000000x64xf32, #tpu.memory_space<hbm>>) dst(%arg7 : memref<128x64xf32, #tpu.memory_space<vmem>>)
      %ge3A_197 = arith.constant 4 : i32
      %ge3A_198 = arith.cmpi sge, %add3A_189, %ge3A_197 : i32
      %convert_element_type3A_199 = arith.extui %ge3A_198 : i1 to i32
      %cond3A_200 = arith.constant 0 : i32
      %cond3A_201 = arith.cmpi ne, %convert_element_type3A_199, %cond3A_200 : i32
      scf.if %cond3A_201 {
        %dma_wait3A_334 = arith.constant 0 : i32
        %dma_wait3A_335 = arith.constant 0 : i32
        %dma_wait3A_336 = arith.constant 0 : i32
        %dma_wait3A_337 = arith.constant 0 : i32
        %dma_wait3A_338 = arith.constant 0 : i32
        %dma_wait3A_339 = tpu.memref_slice %arg11[%dma_wait3A_336, %dma_wait3A_337, %dma_wait3A_338] : memref<8x8x129xf32, #tpu.memory_space<vmem>> -> memref<8x8x128xf32, #tpu.memory_space<vmem>>
        %dma_wait3A_340 = arith.constant 0 : i32
        %dma_wait3A_341 = arith.constant 0 : i32
        %dma_wait3A_342 = arith.constant 0 : i32
        %dma_wait3A_343 = tpu.memref_slice %arg4[%dma_wait3A_334, %dma_wait3A_340, %dma_wait3A_335, %dma_wait3A_341, %dma_wait3A_342] : memref<26x8x128x8x128xf32, #tpu.memory_space<hbm>> -> memref<1x8x1x8x128xf32, #tpu.memory_space<hbm>>
        %dma_wait3A_344 = tpu.memref_squeeze %dma_wait3A_343 : memref<1x8x1x8x128xf32, #tpu.memory_space<hbm>> -> memref<8x8x128xf32, #tpu.memory_space<hbm>>
        %dma_wait3A_345 = arith.constant 0 : i32
        %dma_wait3A_346 = arith.constant 0 : i32
        %dma_wait3A_347 = arith.constant 0 : i32
        %dma_wait3A_348 = tpu.memref_slice %arg4[%dma_wait3A_334, %dma_wait3A_345, %dma_wait3A_335, %dma_wait3A_346, %dma_wait3A_347] : memref<26x8x128x8x128xf32, #tpu.memory_space<hbm>> -> memref<1x8x1x8x128xf32, #tpu.memory_space<hbm>>
        %dma_wait3A_349 = tpu.memref_squeeze %dma_wait3A_348 : memref<1x8x1x8x128xf32, #tpu.memory_space<hbm>> -> memref<8x8x128xf32, #tpu.memory_space<hbm>>
        %dma_wait3A_350 = arith.constant 0 : i32
        %dma_wait3A_351 = arith.constant 0 : i32
        %dma_wait3A_352 = arith.constant 0 : i32
        %dma_wait3A_353 = tpu.memref_slice %arg11[%dma_wait3A_350, %dma_wait3A_351, %dma_wait3A_352] : memref<8x8x129xf32, #tpu.memory_space<vmem>> -> memref<8x8x128xf32, #tpu.memory_space<vmem>>
        tpu.wait_dma2 semaphore(%arg19 : memref<!tpu.dma_semaphore, #tpu.memory_space<semaphore_mem>>) src(%dma_wait3A_353 : memref<8x8x128xf32, #tpu.memory_space<vmem>>) dst(%dma_wait3A_349 : memref<8x8x128xf32, #tpu.memory_space<hbm>>)
      } else {
      }
      %parallel_loop3A_202 = arith.constant 0 : i32
      %parallel_loop3A_203 = arith.constant 128 : i32
      %parallel_loop3A_204 = arith.constant 1 : i32
      scf.for %parallel_loop3A_334 = %parallel_loop3A_202 to %parallel_loop3A_203 step %parallel_loop3A_204  : i32 {
        %parallel_loop3A_335 = vector.broadcast %parallel_loop3A_334 : i32 to vector<16xi32>
        %parallel_loop3A_336 = arith.index_cast %parallel_loop3A_334 : i32 to index
        %parallel_loop3A_337 = arith.constant 0 : index
        %parallel_loop3A_338 = tpu.vector_load %arg7[%parallel_loop3A_336, %parallel_loop3A_337] {strides = array<i32>} : memref<128x64xf32, #tpu.memory_space<vmem>>, vector<16xf32>,
        %parallel_loop3A_339 = arith.constant 0.000000e+00 : f32
        %parallel_loop3A_340 = vector.broadcast %parallel_loop3A_339 : f32 to vector<16xf32>
        %parallel_loop3A_341 = arith.subf %parallel_loop3A_340, %parallel_loop3A_338 : vector<16xf32>
        %parallel_loop3A_342 = math.exp %parallel_loop3A_341 : vector<16xf32>
        %parallel_loop3A_343 = arith.constant 1.000000e+00 : f32
        %parallel_loop3A_344 = vector.broadcast %parallel_loop3A_343 : f32 to vector<16xf32>
        %parallel_loop3A_345 = arith.addf %parallel_loop3A_344, %parallel_loop3A_342 : vector<16xf32>
        %parallel_loop3A_346 = arith.divf %parallel_loop3A_338, %parallel_loop3A_345 : vector<16xf32>
        tpu.vector_store_idx %arg11[%div3A_9, %rem3A_29, %parallel_loop3A_335], %parallel_loop3A_346 : memref<8x8x129xf32, #tpu.memory_space<vmem>>[vector<16xi32>, vector<16xi32>, vector<16xi32>], vector<16xf32>,
        %parallel_loop3A_347 = arith.index_cast %parallel_loop3A_334 : i32 to index
        %parallel_loop3A_348 = arith.constant 16 : index
        %parallel_loop3A_349 = tpu.vector_load %arg7[%parallel_loop3A_347, %parallel_loop3A_348] {strides = array<i32>} : memref<128x64xf32, #tpu.memory_space<vmem>>, vector<16xf32>,
        %parallel_loop3A_350 = arith.constant 0.000000e+00 : f32
        %parallel_loop3A_351 = vector.broadcast %parallel_loop3A_350 : f32 to vector<16xf32>
        %parallel_loop3A_352 = arith.subf %parallel_loop3A_351, %parallel_loop3A_349 : vector<16xf32>
        %parallel_loop3A_353 = math.exp %parallel_loop3A_352 : vector<16xf32>
        %parallel_loop3A_354 = arith.constant 1.000000e+00 : f32
        %parallel_loop3A_355 = vector.broadcast %parallel_loop3A_354 : f32 to vector<16xf32>
        %parallel_loop3A_356 = arith.addf %parallel_loop3A_355, %parallel_loop3A_353 : vector<16xf32>
        %parallel_loop3A_357 = arith.divf %parallel_loop3A_349, %parallel_loop3A_356 : vector<16xf32>
        tpu.vector_store_idx %arg11[%div3A_15, %rem3A_29, %parallel_loop3A_335], %parallel_loop3A_357 : memref<8x8x129xf32, #tpu.memory_space<vmem>>[vector<16xi32>, vector<16xi32>, vector<16xi32>], vector<16xf32>,
        %parallel_loop3A_358 = arith.index_cast %parallel_loop3A_334 : i32 to index
        %parallel_loop3A_359 = arith.constant 32 : index
        %parallel_loop3A_360 = tpu.vector_load %arg7[%parallel_loop3A_358, %parallel_loop3A_359] {strides = array<i32>} : memref<128x64xf32, #tpu.memory_space<vmem>>, vector<16xf32>,
        %parallel_loop3A_361 = arith.constant 0.000000e+00 : f32
        %parallel_loop3A_362 = vector.broadcast %parallel_loop3A_361 : f32 to vector<16xf32>
        %parallel_loop3A_363 = arith.subf %parallel_loop3A_362, %parallel_loop3A_360 : vector<16xf32>
        %parallel_loop3A_364 = math.exp %parallel_loop3A_363 : vector<16xf32>
        %parallel_loop3A_365 = arith.constant 1.000000e+00 : f32
        %parallel_loop3A_366 = vector.broadcast %parallel_loop3A_365 : f32 to vector<16xf32>
        %parallel_loop3A_367 = arith.addf %parallel_loop3A_366, %parallel_loop3A_364 : vector<16xf32>
        %parallel_loop3A_368 = arith.divf %parallel_loop3A_360, %parallel_loop3A_367 : vector<16xf32>
        tpu.vector_store_idx %arg11[%div3A_21, %rem3A_29, %parallel_loop3A_335], %parallel_loop3A_368 : memref<8x8x129xf32, #tpu.memory_space<vmem>>[vector<16xi32>, vector<16xi32>, vector<16xi32>], vector<16xf32>,
        %parallel_loop3A_369 = arith.index_cast %parallel_loop3A_334 : i32 to index
        %parallel_loop3A_370 = arith.constant 48 : index
        %parallel_loop3A_371 = tpu.vector_load %arg7[%parallel_loop3A_369, %parallel_loop3A_370] {strides = array<i32>} : memref<128x64xf32, #tpu.memory_space<vmem>>, vector<16xf32>,
        %parallel_loop3A_372 = arith.constant 0.000000e+00 : f32
        %parallel_loop3A_373 = vector.broadcast %parallel_loop3A_372 : f32 to vector<16xf32>
        %parallel_loop3A_374 = arith.subf %parallel_loop3A_373, %parallel_loop3A_371 : vector<16xf32>
        %parallel_loop3A_375 = math.exp %parallel_loop3A_374 : vector<16xf32>
        %parallel_loop3A_376 = arith.constant 1.000000e+00 : f32
        %parallel_loop3A_377 = vector.broadcast %parallel_loop3A_376 : f32 to vector<16xf32>
        %parallel_loop3A_378 = arith.addf %parallel_loop3A_377, %parallel_loop3A_375 : vector<16xf32>
        %parallel_loop3A_379 = arith.divf %parallel_loop3A_371, %parallel_loop3A_378 : vector<16xf32>
        tpu.vector_store_idx %arg11[%div3A_27, %rem3A_29, %parallel_loop3A_335], %parallel_loop3A_379 : memref<8x8x129xf32, #tpu.memory_space<vmem>>[vector<16xi32>, vector<16xi32>, vector<16xi32>], vector<16xf32>,
      } {sc.loop_unroll_factor = 2 : i64, sc.parallel_access}
      %rem3A_205 = arith.constant 26 : i32
      %rem3A_206 = arith.remsi %add3A_189, %rem3A_205 : i32
      %div3A_207 = arith.constant 26 : i32
      %div3A_208 = arith.divsi %add3A_189, %div3A_207 : i32
      %add3A_209 = arith.addi %mul3A_2, %div3A_208 : i32
      %dma_start3A_210 = arith.constant 0 : i32
      %dma_start3A_211 = arith.constant 0 : i32
      %dma_start3A_212 = arith.constant 0 : i32
      %dma_start3A_213 = tpu.memref_slice %arg11[%dma_start3A_210, %dma_start3A_211, %dma_start3A_212] : memref<8x8x129xf32, #tpu.memory_space<vmem>> -> memref<8x8x128xf32, #tpu.memory_space<vmem>>
      %dma_start3A_214 = arith.constant 0 : i32
      %dma_start3A_215 = arith.constant 0 : i32
      %dma_start3A_216 = arith.constant 0 : i32
      %dma_start3A_217 = tpu.memref_slice %arg4[%rem3A_206, %dma_start3A_214, %add3A_209, %dma_start3A_215, %dma_start3A_216] : memref<26x8x128x8x128xf32, #tpu.memory_space<hbm>> -> memref<1x8x1x8x128xf32, #tpu.memory_space<hbm>>
      %dma_start3A_218 = tpu.memref_squeeze %dma_start3A_217 : memref<1x8x1x8x128xf32, #tpu.memory_space<hbm>> -> memref<8x8x128xf32, #tpu.memory_space<hbm>>
      %dma_start3A_219 = arith.constant 0 : i32
      %dma_start3A_220 = arith.constant 0 : i32
      %dma_start3A_221 = arith.constant 0 : i32
      %dma_start3A_222 = tpu.memref_slice %arg4[%rem3A_206, %dma_start3A_219, %add3A_209, %dma_start3A_220, %dma_start3A_221] : memref<26x8x128x8x128xf32, #tpu.memory_space<hbm>> -> memref<1x8x1x8x128xf32, #tpu.memory_space<hbm>>
      %dma_start3A_223 = tpu.memref_squeeze %dma_start3A_222 : memref<1x8x1x8x128xf32, #tpu.memory_space<hbm>> -> memref<8x8x128xf32, #tpu.memory_space<hbm>>
      %dma_start3A_224 = arith.constant 0 : i32
      %dma_start3A_225 = arith.constant 0 : i32
      %dma_start3A_226 = arith.constant 0 : i32
      %dma_start3A_227 = tpu.memref_slice %arg11[%dma_start3A_224, %dma_start3A_225, %dma_start3A_226] : memref<8x8x129xf32, #tpu.memory_space<vmem>> -> memref<8x8x128xf32, #tpu.memory_space<vmem>>
      tpu.enqueue_dma source(%dma_start3A_227 : memref<8x8x128xf32, #tpu.memory_space<vmem>>) target(%dma_start3A_223 : memref<8x8x128xf32, #tpu.memory_space<hbm>>) target_semaphore(%arg19 : memref<!tpu.dma_semaphore, #tpu.memory_space<semaphore_mem>>)
      %add3A_228 = arith.constant 2 : i32
      %add3A_229 = arith.addi %add3A_189, %add3A_228 : i32
      %lt3A_230 = arith.constant 104 : i32
      %lt3A_231 = arith.cmpi slt, %add3A_229, %lt3A_230 : i32
      %convert_element_type3A_232 = arith.extui %lt3A_231 : i1 to i32
      %cond3A_233 = arith.constant 0 : i32
      %cond3A_234 = arith.cmpi ne, %convert_element_type3A_232, %cond3A_233 : i32
      scf.if %cond3A_234 {
        %add3A_334 = arith.constant 2 : i32
        %add3A_335 = arith.addi %add3A_189, %add3A_334 : i32
        %rem3A_336 = arith.constant 26 : i32
        %rem3A_337 = arith.remsi %add3A_335, %rem3A_336 : i32
        %div3A_338 = arith.constant 26 : i32
        %div3A_339 = arith.divsi %add3A_335, %div3A_338 : i32
        %mul3A_340 = arith.constant 128 : i32
        %mul3A_341 = arith.muli %div3A_339, %mul3A_340 : i32
        %dma_start3A_342 = tpu.memref_slice %arg5[%rem3A_337, %mul3A_341] : memref<26x512xi32, #tpu.memory_space<vmem>> -> memref<1x128xi32, #tpu.memory_space<vmem>>
        %dma_start3A_343 = tpu.memref_squeeze %dma_start3A_342 : memref<1x128xi32, #tpu.memory_space<vmem>> -> memref<128xi32, #tpu.memory_space<vmem>>
        %dma_start3A_344 = arith.constant 0 : i32
        %dma_start3A_345 = arith.constant 0 : i32
        %dma_start3A_346 = tpu.memref_slice %arg3[%dma_start3A_344, %dma_start3A_345] : memref<1000000x64xf32, #tpu.memory_space<hbm>> -> memref<1000000x64xf32, #tpu.memory_space<hbm>>
        tpu.enqueue_indirect_dma source(%dma_start3A_346 : memref<1000000x64xf32, #tpu.memory_space<hbm>>) target(%arg9 : memref<128x64xf32, #tpu.memory_space<vmem>>) offsets(%dma_start3A_343 : memref<128xi32, #tpu.memory_space<vmem>>) semaphore(%arg17 : memref<!tpu.dma_semaphore, #tpu.memory_space<semaphore_mem>>)
      } else {
      }
      %mul3A_235 = arith.constant 4 : i32
      %mul3A_236 = arith.muli %scan3A_140, %mul3A_235 : i32
      %add3A_237 = arith.constant 2 : i32
      %add3A_238 = arith.addi %mul3A_236, %add3A_237 : i32
      %dma_wait3A_239 = arith.constant 0 : i32
      %dma_wait3A_240 = arith.constant 0 : i32
      %dma_wait3A_241 = tpu.memref_slice %arg5[%dma_wait3A_239, %dma_wait3A_240] : memref<26x512xi32, #tpu.memory_space<vmem>> -> memref<1x128xi32, #tpu.memory_space<vmem>>
      %dma_wait3A_242 = tpu.memref_squeeze %dma_wait3A_241 : memref<1x128xi32, #tpu.memory_space<vmem>> -> memref<128xi32, #tpu.memory_space<vmem>>
      %dma_wait3A_243 = arith.constant 0 : i32
      %dma_wait3A_244 = arith.constant 0 : i32
      %dma_wait3A_245 = tpu.memref_slice %arg3[%dma_wait3A_243, %dma_wait3A_244] : memref<1000000x64xf32, #tpu.memory_space<hbm>> -> memref<1000000x64xf32, #tpu.memory_space<hbm>>
      tpu.wait_indirect_dma semaphore(%arg16 : memref<!tpu.dma_semaphore, #tpu.memory_space<semaphore_mem>>) src(%dma_wait3A_245 : memref<1000000x64xf32, #tpu.memory_space<hbm>>) dst(%arg8 : memref<128x64xf32, #tpu.memory_space<vmem>>)
      %ge3A_246 = arith.constant 4 : i32
      %ge3A_247 = arith.cmpi sge, %add3A_238, %ge3A_246 : i32
      %convert_element_type3A_248 = arith.extui %ge3A_247 : i1 to i32
      %cond3A_249 = arith.constant 0 : i32
      %cond3A_250 = arith.cmpi ne, %convert_element_type3A_248, %cond3A_249 : i32
      scf.if %cond3A_250 {
        %dma_wait3A_334 = arith.constant 0 : i32
        %dma_wait3A_335 = arith.constant 0 : i32
        %dma_wait3A_336 = arith.constant 0 : i32
        %dma_wait3A_337 = arith.constant 0 : i32
        %dma_wait3A_338 = arith.constant 0 : i32
        %dma_wait3A_339 = tpu.memref_slice %arg12[%dma_wait3A_336, %dma_wait3A_337, %dma_wait3A_338] : memref<8x8x129xf32, #tpu.memory_space<vmem>> -> memref<8x8x128xf32, #tpu.memory_space<vmem>>
        %dma_wait3A_340 = arith.constant 0 : i32
        %dma_wait3A_341 = arith.constant 0 : i32
        %dma_wait3A_342 = arith.constant 0 : i32
        %dma_wait3A_343 = tpu.memref_slice %arg4[%dma_wait3A_334, %dma_wait3A_340, %dma_wait3A_335, %dma_wait3A_341, %dma_wait3A_342] : memref<26x8x128x8x128xf32, #tpu.memory_space<hbm>> -> memref<1x8x1x8x128xf32, #tpu.memory_space<hbm>>
        %dma_wait3A_344 = tpu.memref_squeeze %dma_wait3A_343 : memref<1x8x1x8x128xf32, #tpu.memory_space<hbm>> -> memref<8x8x128xf32, #tpu.memory_space<hbm>>
        %dma_wait3A_345 = arith.constant 0 : i32
        %dma_wait3A_346 = arith.constant 0 : i32
        %dma_wait3A_347 = arith.constant 0 : i32
        %dma_wait3A_348 = tpu.memref_slice %arg4[%dma_wait3A_334, %dma_wait3A_345, %dma_wait3A_335, %dma_wait3A_346, %dma_wait3A_347] : memref<26x8x128x8x128xf32, #tpu.memory_space<hbm>> -> memref<1x8x1x8x128xf32, #tpu.memory_space<hbm>>
        %dma_wait3A_349 = tpu.memref_squeeze %dma_wait3A_348 : memref<1x8x1x8x128xf32, #tpu.memory_space<hbm>> -> memref<8x8x128xf32, #tpu.memory_space<hbm>>
        %dma_wait3A_350 = arith.constant 0 : i32
        %dma_wait3A_351 = arith.constant 0 : i32
        %dma_wait3A_352 = arith.constant 0 : i32
        %dma_wait3A_353 = tpu.memref_slice %arg12[%dma_wait3A_350, %dma_wait3A_351, %dma_wait3A_352] : memref<8x8x129xf32, #tpu.memory_space<vmem>> -> memref<8x8x128xf32, #tpu.memory_space<vmem>>
        tpu.wait_dma2 semaphore(%arg20 : memref<!tpu.dma_semaphore, #tpu.memory_space<semaphore_mem>>) src(%dma_wait3A_353 : memref<8x8x128xf32, #tpu.memory_space<vmem>>) dst(%dma_wait3A_349 : memref<8x8x128xf32, #tpu.memory_space<hbm>>)
      } else {
      }
      %parallel_loop3A_251 = arith.constant 0 : i32
      %parallel_loop3A_252 = arith.constant 128 : i32
      %parallel_loop3A_253 = arith.constant 1 : i32
      scf.for %parallel_loop3A_334 = %parallel_loop3A_251 to %parallel_loop3A_252 step %parallel_loop3A_253  : i32 {
        %parallel_loop3A_335 = vector.broadcast %parallel_loop3A_334 : i32 to vector<16xi32>
        %parallel_loop3A_336 = arith.index_cast %parallel_loop3A_334 : i32 to index
        %parallel_loop3A_337 = arith.constant 0 : index
        %parallel_loop3A_338 = tpu.vector_load %arg8[%parallel_loop3A_336, %parallel_loop3A_337] {strides = array<i32>} : memref<128x64xf32, #tpu.memory_space<vmem>>, vector<16xf32>,
        %parallel_loop3A_339 = arith.constant 0.000000e+00 : f32
        %parallel_loop3A_340 = vector.broadcast %parallel_loop3A_339 : f32 to vector<16xf32>
        %parallel_loop3A_341 = arith.subf %parallel_loop3A_340, %parallel_loop3A_338 : vector<16xf32>
        %parallel_loop3A_342 = math.exp %parallel_loop3A_341 : vector<16xf32>
        %parallel_loop3A_343 = arith.constant 1.000000e+00 : f32
        %parallel_loop3A_344 = vector.broadcast %parallel_loop3A_343 : f32 to vector<16xf32>
        %parallel_loop3A_345 = arith.addf %parallel_loop3A_344, %parallel_loop3A_342 : vector<16xf32>
        %parallel_loop3A_346 = arith.divf %parallel_loop3A_338, %parallel_loop3A_345 : vector<16xf32>
        tpu.vector_store_idx %arg12[%div3A_9, %rem3A_29, %parallel_loop3A_335], %parallel_loop3A_346 : memref<8x8x129xf32, #tpu.memory_space<vmem>>[vector<16xi32>, vector<16xi32>, vector<16xi32>], vector<16xf32>,
        %parallel_loop3A_347 = arith.index_cast %parallel_loop3A_334 : i32 to index
        %parallel_loop3A_348 = arith.constant 16 : index
        %parallel_loop3A_349 = tpu.vector_load %arg8[%parallel_loop3A_347, %parallel_loop3A_348] {strides = array<i32>} : memref<128x64xf32, #tpu.memory_space<vmem>>, vector<16xf32>,
        %parallel_loop3A_350 = arith.constant 0.000000e+00 : f32
        %parallel_loop3A_351 = vector.broadcast %parallel_loop3A_350 : f32 to vector<16xf32>
        %parallel_loop3A_352 = arith.subf %parallel_loop3A_351, %parallel_loop3A_349 : vector<16xf32>
        %parallel_loop3A_353 = math.exp %parallel_loop3A_352 : vector<16xf32>
        %parallel_loop3A_354 = arith.constant 1.000000e+00 : f32
        %parallel_loop3A_355 = vector.broadcast %parallel_loop3A_354 : f32 to vector<16xf32>
        %parallel_loop3A_356 = arith.addf %parallel_loop3A_355, %parallel_loop3A_353 : vector<16xf32>
        %parallel_loop3A_357 = arith.divf %parallel_loop3A_349, %parallel_loop3A_356 : vector<16xf32>
        tpu.vector_store_idx %arg12[%div3A_15, %rem3A_29, %parallel_loop3A_335], %parallel_loop3A_357 : memref<8x8x129xf32, #tpu.memory_space<vmem>>[vector<16xi32>, vector<16xi32>, vector<16xi32>], vector<16xf32>,
        %parallel_loop3A_358 = arith.index_cast %parallel_loop3A_334 : i32 to index
        %parallel_loop3A_359 = arith.constant 32 : index
        %parallel_loop3A_360 = tpu.vector_load %arg8[%parallel_loop3A_358, %parallel_loop3A_359] {strides = array<i32>} : memref<128x64xf32, #tpu.memory_space<vmem>>, vector<16xf32>,
        %parallel_loop3A_361 = arith.constant 0.000000e+00 : f32
        %parallel_loop3A_362 = vector.broadcast %parallel_loop3A_361 : f32 to vector<16xf32>
        %parallel_loop3A_363 = arith.subf %parallel_loop3A_362, %parallel_loop3A_360 : vector<16xf32>
        %parallel_loop3A_364 = math.exp %parallel_loop3A_363 : vector<16xf32>
        %parallel_loop3A_365 = arith.constant 1.000000e+00 : f32
        %parallel_loop3A_366 = vector.broadcast %parallel_loop3A_365 : f32 to vector<16xf32>
        %parallel_loop3A_367 = arith.addf %parallel_loop3A_366, %parallel_loop3A_364 : vector<16xf32>
        %parallel_loop3A_368 = arith.divf %parallel_loop3A_360, %parallel_loop3A_367 : vector<16xf32>
        tpu.vector_store_idx %arg12[%div3A_21, %rem3A_29, %parallel_loop3A_335], %parallel_loop3A_368 : memref<8x8x129xf32, #tpu.memory_space<vmem>>[vector<16xi32>, vector<16xi32>, vector<16xi32>], vector<16xf32>,
        %parallel_loop3A_369 = arith.index_cast %parallel_loop3A_334 : i32 to index
        %parallel_loop3A_370 = arith.constant 48 : index
        %parallel_loop3A_371 = tpu.vector_load %arg8[%parallel_loop3A_369, %parallel_loop3A_370] {strides = array<i32>} : memref<128x64xf32, #tpu.memory_space<vmem>>, vector<16xf32>,
        %parallel_loop3A_372 = arith.constant 0.000000e+00 : f32
        %parallel_loop3A_373 = vector.broadcast %parallel_loop3A_372 : f32 to vector<16xf32>
        %parallel_loop3A_374 = arith.subf %parallel_loop3A_373, %parallel_loop3A_371 : vector<16xf32>
        %parallel_loop3A_375 = math.exp %parallel_loop3A_374 : vector<16xf32>
        %parallel_loop3A_376 = arith.constant 1.000000e+00 : f32
        %parallel_loop3A_377 = vector.broadcast %parallel_loop3A_376 : f32 to vector<16xf32>
        %parallel_loop3A_378 = arith.addf %parallel_loop3A_377, %parallel_loop3A_375 : vector<16xf32>
        %parallel_loop3A_379 = arith.divf %parallel_loop3A_371, %parallel_loop3A_378 : vector<16xf32>
        tpu.vector_store_idx %arg12[%div3A_27, %rem3A_29, %parallel_loop3A_335], %parallel_loop3A_379 : memref<8x8x129xf32, #tpu.memory_space<vmem>>[vector<16xi32>, vector<16xi32>, vector<16xi32>], vector<16xf32>,
      } {sc.loop_unroll_factor = 2 : i64, sc.parallel_access}
      %rem3A_254 = arith.constant 26 : i32
      %rem3A_255 = arith.remsi %add3A_238, %rem3A_254 : i32
      %div3A_256 = arith.constant 26 : i32
      %div3A_257 = arith.divsi %add3A_238, %div3A_256 : i32
      %add3A_258 = arith.addi %mul3A_2, %div3A_257 : i32
      %dma_start3A_259 = arith.constant 0 : i32
      %dma_start3A_260 = arith.constant 0 : i32
      %dma_start3A_261 = arith.constant 0 : i32
      %dma_start3A_262 = tpu.memref_slice %arg12[%dma_start3A_259, %dma_start3A_260, %dma_start3A_261] : memref<8x8x129xf32, #tpu.memory_space<vmem>> -> memref<8x8x128xf32, #tpu.memory_space<vmem>>
      %dma_start3A_263 = arith.constant 0 : i32
      %dma_start3A_264 = arith.constant 0 : i32
      %dma_start3A_265 = arith.constant 0 : i32
      %dma_start3A_266 = tpu.memref_slice %arg4[%rem3A_255, %dma_start3A_263, %add3A_258, %dma_start3A_264, %dma_start3A_265] : memref<26x8x128x8x128xf32, #tpu.memory_space<hbm>> -> memref<1x8x1x8x128xf32, #tpu.memory_space<hbm>>
      %dma_start3A_267 = tpu.memref_squeeze %dma_start3A_266 : memref<1x8x1x8x128xf32, #tpu.memory_space<hbm>> -> memref<8x8x128xf32, #tpu.memory_space<hbm>>
      %dma_start3A_268 = arith.constant 0 : i32
      %dma_start3A_269 = arith.constant 0 : i32
      %dma_start3A_270 = arith.constant 0 : i32
      %dma_start3A_271 = tpu.memref_slice %arg4[%rem3A_255, %dma_start3A_268, %add3A_258, %dma_start3A_269, %dma_start3A_270] : memref<26x8x128x8x128xf32, #tpu.memory_space<hbm>> -> memref<1x8x1x8x128xf32, #tpu.memory_space<hbm>>
      %dma_start3A_272 = tpu.memref_squeeze %dma_start3A_271 : memref<1x8x1x8x128xf32, #tpu.memory_space<hbm>> -> memref<8x8x128xf32, #tpu.memory_space<hbm>>
      %dma_start3A_273 = arith.constant 0 : i32
      %dma_start3A_274 = arith.constant 0 : i32
      %dma_start3A_275 = arith.constant 0 : i32
      %dma_start3A_276 = tpu.memref_slice %arg12[%dma_start3A_273, %dma_start3A_274, %dma_start3A_275] : memref<8x8x129xf32, #tpu.memory_space<vmem>> -> memref<8x8x128xf32, #tpu.memory_space<vmem>>
      tpu.enqueue_dma source(%dma_start3A_276 : memref<8x8x128xf32, #tpu.memory_space<vmem>>) target(%dma_start3A_272 : memref<8x8x128xf32, #tpu.memory_space<hbm>>) target_semaphore(%arg20 : memref<!tpu.dma_semaphore, #tpu.memory_space<semaphore_mem>>)
      %add3A_277 = arith.constant 2 : i32
      %add3A_278 = arith.addi %add3A_238, %add3A_277 : i32
      %lt3A_279 = arith.constant 104 : i32
      %lt3A_280 = arith.cmpi slt, %add3A_278, %lt3A_279 : i32
      %convert_element_type3A_281 = arith.extui %lt3A_280 : i1 to i32
      %cond3A_282 = arith.constant 0 : i32
      %cond3A_283 = arith.cmpi ne, %convert_element_type3A_281, %cond3A_282 : i32
      scf.if %cond3A_283 {
        %add3A_334 = arith.constant 2 : i32
        %add3A_335 = arith.addi %add3A_238, %add3A_334 : i32
        %rem3A_336 = arith.constant 26 : i32
        %rem3A_337 = arith.remsi %add3A_335, %rem3A_336 : i32
        %div3A_338 = arith.constant 26 : i32
        %div3A_339 = arith.divsi %add3A_335, %div3A_338 : i32
        %mul3A_340 = arith.constant 128 : i32
        %mul3A_341 = arith.muli %div3A_339, %mul3A_340 : i32
        %dma_start3A_342 = tpu.memref_slice %arg5[%rem3A_337, %mul3A_341] : memref<26x512xi32, #tpu.memory_space<vmem>> -> memref<1x128xi32, #tpu.memory_space<vmem>>
        %dma_start3A_343 = tpu.memref_squeeze %dma_start3A_342 : memref<1x128xi32, #tpu.memory_space<vmem>> -> memref<128xi32, #tpu.memory_space<vmem>>
        %dma_start3A_344 = arith.constant 0 : i32
        %dma_start3A_345 = arith.constant 0 : i32
        %dma_start3A_346 = tpu.memref_slice %arg3[%dma_start3A_344, %dma_start3A_345] : memref<1000000x64xf32, #tpu.memory_space<hbm>> -> memref<1000000x64xf32, #tpu.memory_space<hbm>>
        tpu.enqueue_indirect_dma source(%dma_start3A_346 : memref<1000000x64xf32, #tpu.memory_space<hbm>>) target(%arg6 : memref<128x64xf32, #tpu.memory_space<vmem>>) offsets(%dma_start3A_343 : memref<128xi32, #tpu.memory_space<vmem>>) semaphore(%arg14 : memref<!tpu.dma_semaphore, #tpu.memory_space<semaphore_mem>>)
      } else {
      }
      %mul3A_284 = arith.constant 4 : i32
      %mul3A_285 = arith.muli %scan3A_140, %mul3A_284 : i32
      %add3A_286 = arith.constant 3 : i32
      %add3A_287 = arith.addi %mul3A_285, %add3A_286 : i32
      %dma_wait3A_288 = arith.constant 0 : i32
      %dma_wait3A_289 = arith.constant 0 : i32
      %dma_wait3A_290 = tpu.memref_slice %arg5[%dma_wait3A_288, %dma_wait3A_289] : memref<26x512xi32, #tpu.memory_space<vmem>> -> memref<1x128xi32, #tpu.memory_space<vmem>>
      %dma_wait3A_291 = tpu.memref_squeeze %dma_wait3A_290 : memref<1x128xi32, #tpu.memory_space<vmem>> -> memref<128xi32, #tpu.memory_space<vmem>>
      %dma_wait3A_292 = arith.constant 0 : i32
      %dma_wait3A_293 = arith.constant 0 : i32
      %dma_wait3A_294 = tpu.memref_slice %arg3[%dma_wait3A_292, %dma_wait3A_293] : memref<1000000x64xf32, #tpu.memory_space<hbm>> -> memref<1000000x64xf32, #tpu.memory_space<hbm>>
      tpu.wait_indirect_dma semaphore(%arg17 : memref<!tpu.dma_semaphore, #tpu.memory_space<semaphore_mem>>) src(%dma_wait3A_294 : memref<1000000x64xf32, #tpu.memory_space<hbm>>) dst(%arg9 : memref<128x64xf32, #tpu.memory_space<vmem>>)
      %ge3A_295 = arith.constant 4 : i32
      %ge3A_296 = arith.cmpi sge, %add3A_287, %ge3A_295 : i32
      %convert_element_type3A_297 = arith.extui %ge3A_296 : i1 to i32
      %cond3A_298 = arith.constant 0 : i32
      %cond3A_299 = arith.cmpi ne, %convert_element_type3A_297, %cond3A_298 : i32
      scf.if %cond3A_299 {
        %dma_wait3A_334 = arith.constant 0 : i32
        %dma_wait3A_335 = arith.constant 0 : i32
        %dma_wait3A_336 = arith.constant 0 : i32
        %dma_wait3A_337 = arith.constant 0 : i32
        %dma_wait3A_338 = arith.constant 0 : i32
        %dma_wait3A_339 = tpu.memref_slice %arg13[%dma_wait3A_336, %dma_wait3A_337, %dma_wait3A_338] : memref<8x8x129xf32, #tpu.memory_space<vmem>> -> memref<8x8x128xf32, #tpu.memory_space<vmem>>
        %dma_wait3A_340 = arith.constant 0 : i32
        %dma_wait3A_341 = arith.constant 0 : i32
        %dma_wait3A_342 = arith.constant 0 : i32
        %dma_wait3A_343 = tpu.memref_slice %arg4[%dma_wait3A_334, %dma_wait3A_340, %dma_wait3A_335, %dma_wait3A_341, %dma_wait3A_342] : memref<26x8x128x8x128xf32, #tpu.memory_space<hbm>> -> memref<1x8x1x8x128xf32, #tpu.memory_space<hbm>>
        %dma_wait3A_344 = tpu.memref_squeeze %dma_wait3A_343 : memref<1x8x1x8x128xf32, #tpu.memory_space<hbm>> -> memref<8x8x128xf32, #tpu.memory_space<hbm>>
        %dma_wait3A_345 = arith.constant 0 : i32
        %dma_wait3A_346 = arith.constant 0 : i32
        %dma_wait3A_347 = arith.constant 0 : i32
        %dma_wait3A_348 = tpu.memref_slice %arg4[%dma_wait3A_334, %dma_wait3A_345, %dma_wait3A_335, %dma_wait3A_346, %dma_wait3A_347] : memref<26x8x128x8x128xf32, #tpu.memory_space<hbm>> -> memref<1x8x1x8x128xf32, #tpu.memory_space<hbm>>
        %dma_wait3A_349 = tpu.memref_squeeze %dma_wait3A_348 : memref<1x8x1x8x128xf32, #tpu.memory_space<hbm>> -> memref<8x8x128xf32, #tpu.memory_space<hbm>>
        %dma_wait3A_350 = arith.constant 0 : i32
        %dma_wait3A_351 = arith.constant 0 : i32
        %dma_wait3A_352 = arith.constant 0 : i32
        %dma_wait3A_353 = tpu.memref_slice %arg13[%dma_wait3A_350, %dma_wait3A_351, %dma_wait3A_352] : memref<8x8x129xf32, #tpu.memory_space<vmem>> -> memref<8x8x128xf32, #tpu.memory_space<vmem>>
        tpu.wait_dma2 semaphore(%arg21 : memref<!tpu.dma_semaphore, #tpu.memory_space<semaphore_mem>>) src(%dma_wait3A_353 : memref<8x8x128xf32, #tpu.memory_space<vmem>>) dst(%dma_wait3A_349 : memref<8x8x128xf32, #tpu.memory_space<hbm>>)
      } else {
      }
      %parallel_loop3A_300 = arith.constant 0 : i32
      %parallel_loop3A_301 = arith.constant 128 : i32
      %parallel_loop3A_302 = arith.constant 1 : i32
      scf.for %parallel_loop3A_334 = %parallel_loop3A_300 to %parallel_loop3A_301 step %parallel_loop3A_302  : i32 {
        %parallel_loop3A_335 = vector.broadcast %parallel_loop3A_334 : i32 to vector<16xi32>
        %parallel_loop3A_336 = arith.index_cast %parallel_loop3A_334 : i32 to index
        %parallel_loop3A_337 = arith.constant 0 : index
        %parallel_loop3A_338 = tpu.vector_load %arg9[%parallel_loop3A_336, %parallel_loop3A_337] {strides = array<i32>} : memref<128x64xf32, #tpu.memory_space<vmem>>, vector<16xf32>,
        %parallel_loop3A_339 = arith.constant 0.000000e+00 : f32
        %parallel_loop3A_340 = vector.broadcast %parallel_loop3A_339 : f32 to vector<16xf32>
        %parallel_loop3A_341 = arith.subf %parallel_loop3A_340, %parallel_loop3A_338 : vector<16xf32>
        %parallel_loop3A_342 = math.exp %parallel_loop3A_341 : vector<16xf32>
        %parallel_loop3A_343 = arith.constant 1.000000e+00 : f32
        %parallel_loop3A_344 = vector.broadcast %parallel_loop3A_343 : f32 to vector<16xf32>
        %parallel_loop3A_345 = arith.addf %parallel_loop3A_344, %parallel_loop3A_342 : vector<16xf32>
        %parallel_loop3A_346 = arith.divf %parallel_loop3A_338, %parallel_loop3A_345 : vector<16xf32>
        tpu.vector_store_idx %arg13[%div3A_9, %rem3A_29, %parallel_loop3A_335], %parallel_loop3A_346 : memref<8x8x129xf32, #tpu.memory_space<vmem>>[vector<16xi32>, vector<16xi32>, vector<16xi32>], vector<16xf32>,
        %parallel_loop3A_347 = arith.index_cast %parallel_loop3A_334 : i32 to index
        %parallel_loop3A_348 = arith.constant 16 : index
        %parallel_loop3A_349 = tpu.vector_load %arg9[%parallel_loop3A_347, %parallel_loop3A_348] {strides = array<i32>} : memref<128x64xf32, #tpu.memory_space<vmem>>, vector<16xf32>,
        %parallel_loop3A_350 = arith.constant 0.000000e+00 : f32
        %parallel_loop3A_351 = vector.broadcast %parallel_loop3A_350 : f32 to vector<16xf32>
        %parallel_loop3A_352 = arith.subf %parallel_loop3A_351, %parallel_loop3A_349 : vector<16xf32>
        %parallel_loop3A_353 = math.exp %parallel_loop3A_352 : vector<16xf32>
        %parallel_loop3A_354 = arith.constant 1.000000e+00 : f32
        %parallel_loop3A_355 = vector.broadcast %parallel_loop3A_354 : f32 to vector<16xf32>
        %parallel_loop3A_356 = arith.addf %parallel_loop3A_355, %parallel_loop3A_353 : vector<16xf32>
        %parallel_loop3A_357 = arith.divf %parallel_loop3A_349, %parallel_loop3A_356 : vector<16xf32>
        tpu.vector_store_idx %arg13[%div3A_15, %rem3A_29, %parallel_loop3A_335], %parallel_loop3A_357 : memref<8x8x129xf32, #tpu.memory_space<vmem>>[vector<16xi32>, vector<16xi32>, vector<16xi32>], vector<16xf32>,
        %parallel_loop3A_358 = arith.index_cast %parallel_loop3A_334 : i32 to index
        %parallel_loop3A_359 = arith.constant 32 : index
        %parallel_loop3A_360 = tpu.vector_load %arg9[%parallel_loop3A_358, %parallel_loop3A_359] {strides = array<i32>} : memref<128x64xf32, #tpu.memory_space<vmem>>, vector<16xf32>,
        %parallel_loop3A_361 = arith.constant 0.000000e+00 : f32
        %parallel_loop3A_362 = vector.broadcast %parallel_loop3A_361 : f32 to vector<16xf32>
        %parallel_loop3A_363 = arith.subf %parallel_loop3A_362, %parallel_loop3A_360 : vector<16xf32>
        %parallel_loop3A_364 = math.exp %parallel_loop3A_363 : vector<16xf32>
        %parallel_loop3A_365 = arith.constant 1.000000e+00 : f32
        %parallel_loop3A_366 = vector.broadcast %parallel_loop3A_365 : f32 to vector<16xf32>
        %parallel_loop3A_367 = arith.addf %parallel_loop3A_366, %parallel_loop3A_364 : vector<16xf32>
        %parallel_loop3A_368 = arith.divf %parallel_loop3A_360, %parallel_loop3A_367 : vector<16xf32>
        tpu.vector_store_idx %arg13[%div3A_21, %rem3A_29, %parallel_loop3A_335], %parallel_loop3A_368 : memref<8x8x129xf32, #tpu.memory_space<vmem>>[vector<16xi32>, vector<16xi32>, vector<16xi32>], vector<16xf32>,
        %parallel_loop3A_369 = arith.index_cast %parallel_loop3A_334 : i32 to index
        %parallel_loop3A_370 = arith.constant 48 : index
        %parallel_loop3A_371 = tpu.vector_load %arg9[%parallel_loop3A_369, %parallel_loop3A_370] {strides = array<i32>} : memref<128x64xf32, #tpu.memory_space<vmem>>, vector<16xf32>,
        %parallel_loop3A_372 = arith.constant 0.000000e+00 : f32
        %parallel_loop3A_373 = vector.broadcast %parallel_loop3A_372 : f32 to vector<16xf32>
        %parallel_loop3A_374 = arith.subf %parallel_loop3A_373, %parallel_loop3A_371 : vector<16xf32>
        %parallel_loop3A_375 = math.exp %parallel_loop3A_374 : vector<16xf32>
        %parallel_loop3A_376 = arith.constant 1.000000e+00 : f32
        %parallel_loop3A_377 = vector.broadcast %parallel_loop3A_376 : f32 to vector<16xf32>
        %parallel_loop3A_378 = arith.addf %parallel_loop3A_377, %parallel_loop3A_375 : vector<16xf32>
        %parallel_loop3A_379 = arith.divf %parallel_loop3A_371, %parallel_loop3A_378 : vector<16xf32>
        tpu.vector_store_idx %arg13[%div3A_27, %rem3A_29, %parallel_loop3A_335], %parallel_loop3A_379 : memref<8x8x129xf32, #tpu.memory_space<vmem>>[vector<16xi32>, vector<16xi32>, vector<16xi32>], vector<16xf32>,
      } {sc.loop_unroll_factor = 2 : i64, sc.parallel_access}
      %rem3A_303 = arith.constant 26 : i32
      %rem3A_304 = arith.remsi %add3A_287, %rem3A_303 : i32
      %div3A_305 = arith.constant 26 : i32
      %div3A_306 = arith.divsi %add3A_287, %div3A_305 : i32
      %add3A_307 = arith.addi %mul3A_2, %div3A_306 : i32
      %dma_start3A_308 = arith.constant 0 : i32
      %dma_start3A_309 = arith.constant 0 : i32
      %dma_start3A_310 = arith.constant 0 : i32
      %dma_start3A_311 = tpu.memref_slice %arg13[%dma_start3A_308, %dma_start3A_309, %dma_start3A_310] : memref<8x8x129xf32, #tpu.memory_space<vmem>> -> memref<8x8x128xf32, #tpu.memory_space<vmem>>
      %dma_start3A_312 = arith.constant 0 : i32
      %dma_start3A_313 = arith.constant 0 : i32
      %dma_start3A_314 = arith.constant 0 : i32
      %dma_start3A_315 = tpu.memref_slice %arg4[%rem3A_304, %dma_start3A_312, %add3A_307, %dma_start3A_313, %dma_start3A_314] : memref<26x8x128x8x128xf32, #tpu.memory_space<hbm>> -> memref<1x8x1x8x128xf32, #tpu.memory_space<hbm>>
      %dma_start3A_316 = tpu.memref_squeeze %dma_start3A_315 : memref<1x8x1x8x128xf32, #tpu.memory_space<hbm>> -> memref<8x8x128xf32, #tpu.memory_space<hbm>>
      %dma_start3A_317 = arith.constant 0 : i32
      %dma_start3A_318 = arith.constant 0 : i32
      %dma_start3A_319 = arith.constant 0 : i32
      %dma_start3A_320 = tpu.memref_slice %arg4[%rem3A_304, %dma_start3A_317, %add3A_307, %dma_start3A_318, %dma_start3A_319] : memref<26x8x128x8x128xf32, #tpu.memory_space<hbm>> -> memref<1x8x1x8x128xf32, #tpu.memory_space<hbm>>
      %dma_start3A_321 = tpu.memref_squeeze %dma_start3A_320 : memref<1x8x1x8x128xf32, #tpu.memory_space<hbm>> -> memref<8x8x128xf32, #tpu.memory_space<hbm>>
      %dma_start3A_322 = arith.constant 0 : i32
      %dma_start3A_323 = arith.constant 0 : i32
      %dma_start3A_324 = arith.constant 0 : i32
      %dma_start3A_325 = tpu.memref_slice %arg13[%dma_start3A_322, %dma_start3A_323, %dma_start3A_324] : memref<8x8x129xf32, #tpu.memory_space<vmem>> -> memref<8x8x128xf32, #tpu.memory_space<vmem>>
      tpu.enqueue_dma source(%dma_start3A_325 : memref<8x8x128xf32, #tpu.memory_space<vmem>>) target(%dma_start3A_321 : memref<8x8x128xf32, #tpu.memory_space<hbm>>) target_semaphore(%arg21 : memref<!tpu.dma_semaphore, #tpu.memory_space<semaphore_mem>>)
      %add3A_326 = arith.constant 2 : i32
      %add3A_327 = arith.addi %add3A_287, %add3A_326 : i32
      %lt3A_328 = arith.constant 104 : i32
      %lt3A_329 = arith.cmpi slt, %add3A_327, %lt3A_328 : i32
      %convert_element_type3A_330 = arith.extui %lt3A_329 : i1 to i32
      %cond3A_331 = arith.constant 0 : i32
      %cond3A_332 = arith.cmpi ne, %convert_element_type3A_330, %cond3A_331 : i32
      scf.if %cond3A_332 {
        %add3A_334 = arith.constant 2 : i32
        %add3A_335 = arith.addi %add3A_287, %add3A_334 : i32
        %rem3A_336 = arith.constant 26 : i32
        %rem3A_337 = arith.remsi %add3A_335, %rem3A_336 : i32
        %div3A_338 = arith.constant 26 : i32
        %div3A_339 = arith.divsi %add3A_335, %div3A_338 : i32
        %mul3A_340 = arith.constant 128 : i32
        %mul3A_341 = arith.muli %div3A_339, %mul3A_340 : i32
        %dma_start3A_342 = tpu.memref_slice %arg5[%rem3A_337, %mul3A_341] : memref<26x512xi32, #tpu.memory_space<vmem>> -> memref<1x128xi32, #tpu.memory_space<vmem>>
        %dma_start3A_343 = tpu.memref_squeeze %dma_start3A_342 : memref<1x128xi32, #tpu.memory_space<vmem>> -> memref<128xi32, #tpu.memory_space<vmem>>
        %dma_start3A_344 = arith.constant 0 : i32
        %dma_start3A_345 = arith.constant 0 : i32
        %dma_start3A_346 = tpu.memref_slice %arg3[%dma_start3A_344, %dma_start3A_345] : memref<1000000x64xf32, #tpu.memory_space<hbm>> -> memref<1000000x64xf32, #tpu.memory_space<hbm>>
        tpu.enqueue_indirect_dma source(%dma_start3A_346 : memref<1000000x64xf32, #tpu.memory_space<hbm>>) target(%arg7 : memref<128x64xf32, #tpu.memory_space<vmem>>) offsets(%dma_start3A_343 : memref<128xi32, #tpu.memory_space<vmem>>) semaphore(%arg15 : memref<!tpu.dma_semaphore, #tpu.memory_space<semaphore_mem>>)
      } else {
      }
      %scan3A_333 = arith.constant 0 : i32
      scf.yield %scan3A_333 : i32
    }
    %scan3A_60 = arith.constant 26 : i32
    %dma_wait3A = arith.constant 0 : i32
    %dma_wait3A_61 = arith.constant 0 : i32
    %dma_wait3A_62 = arith.constant 0 : i32
    %dma_wait3A_63 = arith.constant 0 : i32
    %dma_wait3A_64 = arith.constant 0 : i32
    %dma_wait3A_65 = tpu.memref_slice %arg10[%dma_wait3A_62, %dma_wait3A_63, %dma_wait3A_64] : memref<8x8x129xf32, #tpu.memory_space<vmem>> -> memref<8x8x128xf32, #tpu.memory_space<vmem>>
    %dma_wait3A_66 = arith.constant 0 : i32
    %dma_wait3A_67 = arith.constant 0 : i32
    %dma_wait3A_68 = arith.constant 0 : i32
    %dma_wait3A_69 = tpu.memref_slice %arg4[%dma_wait3A, %dma_wait3A_66, %dma_wait3A_61, %dma_wait3A_67, %dma_wait3A_68] : memref<26x8x128x8x128xf32, #tpu.memory_space<hbm>> -> memref<1x8x1x8x128xf32, #tpu.memory_space<hbm>>
    %dma_wait3A_70 = tpu.memref_squeeze %dma_wait3A_69 : memref<1x8x1x8x128xf32, #tpu.memory_space<hbm>> -> memref<8x8x128xf32, #tpu.memory_space<hbm>>
    %dma_wait3A_71 = arith.constant 0 : i32
    %dma_wait3A_72 = arith.constant 0 : i32
    %dma_wait3A_73 = arith.constant 0 : i32
    %dma_wait3A_74 = tpu.memref_slice %arg4[%dma_wait3A, %dma_wait3A_71, %dma_wait3A_61, %dma_wait3A_72, %dma_wait3A_73] : memref<26x8x128x8x128xf32, #tpu.memory_space<hbm>> -> memref<1x8x1x8x128xf32, #tpu.memory_space<hbm>>
    %dma_wait3A_75 = tpu.memref_squeeze %dma_wait3A_74 : memref<1x8x1x8x128xf32, #tpu.memory_space<hbm>> -> memref<8x8x128xf32, #tpu.memory_space<hbm>>
    %dma_wait3A_76 = arith.constant 0 : i32
    %dma_wait3A_77 = arith.constant 0 : i32
    %dma_wait3A_78 = arith.constant 0 : i32
    %dma_wait3A_79 = tpu.memref_slice %arg10[%dma_wait3A_76, %dma_wait3A_77, %dma_wait3A_78] : memref<8x8x129xf32, #tpu.memory_space<vmem>> -> memref<8x8x128xf32, #tpu.memory_space<vmem>>
    tpu.wait_dma2 semaphore(%arg18 : memref<!tpu.dma_semaphore, #tpu.memory_space<semaphore_mem>>) src(%dma_wait3A_79 : memref<8x8x128xf32, #tpu.memory_space<vmem>>) dst(%dma_wait3A_75 : memref<8x8x128xf32, #tpu.memory_space<hbm>>)
    %dma_wait3A_80 = arith.constant 0 : i32
    %dma_wait3A_81 = arith.constant 0 : i32
    %dma_wait3A_82 = arith.constant 0 : i32
    %dma_wait3A_83 = arith.constant 0 : i32
    %dma_wait3A_84 = arith.constant 0 : i32
    %dma_wait3A_85 = tpu.memref_slice %arg11[%dma_wait3A_82, %dma_wait3A_83, %dma_wait3A_84] : memref<8x8x129xf32, #tpu.memory_space<vmem>> -> memref<8x8x128xf32, #tpu.memory_space<vmem>>
    %dma_wait3A_86 = arith.constant 0 : i32
    %dma_wait3A_87 = arith.constant 0 : i32
    %dma_wait3A_88 = arith.constant 0 : i32
    %dma_wait3A_89 = tpu.memref_slice %arg4[%dma_wait3A_80, %dma_wait3A_86, %dma_wait3A_81, %dma_wait3A_87, %dma_wait3A_88] : memref<26x8x128x8x128xf32, #tpu.memory_space<hbm>> -> memref<1x8x1x8x128xf32, #tpu.memory_space<hbm>>
    %dma_wait3A_90 = tpu.memref_squeeze %dma_wait3A_89 : memref<1x8x1x8x128xf32, #tpu.memory_space<hbm>> -> memref<8x8x128xf32, #tpu.memory_space<hbm>>
    %dma_wait3A_91 = arith.constant 0 : i32
    %dma_wait3A_92 = arith.constant 0 : i32
    %dma_wait3A_93 = arith.constant 0 : i32
    %dma_wait3A_94 = tpu.memref_slice %arg4[%dma_wait3A_80, %dma_wait3A_91, %dma_wait3A_81, %dma_wait3A_92, %dma_wait3A_93] : memref<26x8x128x8x128xf32, #tpu.memory_space<hbm>> -> memref<1x8x1x8x128xf32, #tpu.memory_space<hbm>>
    %dma_wait3A_95 = tpu.memref_squeeze %dma_wait3A_94 : memref<1x8x1x8x128xf32, #tpu.memory_space<hbm>> -> memref<8x8x128xf32, #tpu.memory_space<hbm>>
    %dma_wait3A_96 = arith.constant 0 : i32
    %dma_wait3A_97 = arith.constant 0 : i32
    %dma_wait3A_98 = arith.constant 0 : i32
    %dma_wait3A_99 = tpu.memref_slice %arg11[%dma_wait3A_96, %dma_wait3A_97, %dma_wait3A_98] : memref<8x8x129xf32, #tpu.memory_space<vmem>> -> memref<8x8x128xf32, #tpu.memory_space<vmem>>
    tpu.wait_dma2 semaphore(%arg19 : memref<!tpu.dma_semaphore, #tpu.memory_space<semaphore_mem>>) src(%dma_wait3A_99 : memref<8x8x128xf32, #tpu.memory_space<vmem>>) dst(%dma_wait3A_95 : memref<8x8x128xf32, #tpu.memory_space<hbm>>)
    %dma_wait3A_100 = arith.constant 0 : i32
    %dma_wait3A_101 = arith.constant 0 : i32
    %dma_wait3A_102 = arith.constant 0 : i32
    %dma_wait3A_103 = arith.constant 0 : i32
    %dma_wait3A_104 = arith.constant 0 : i32
    %dma_wait3A_105 = tpu.memref_slice %arg12[%dma_wait3A_102, %dma_wait3A_103, %dma_wait3A_104] : memref<8x8x129xf32, #tpu.memory_space<vmem>> -> memref<8x8x128xf32, #tpu.memory_space<vmem>>
    %dma_wait3A_106 = arith.constant 0 : i32
    %dma_wait3A_107 = arith.constant 0 : i32
    %dma_wait3A_108 = arith.constant 0 : i32
    %dma_wait3A_109 = tpu.memref_slice %arg4[%dma_wait3A_100, %dma_wait3A_106, %dma_wait3A_101, %dma_wait3A_107, %dma_wait3A_108] : memref<26x8x128x8x128xf32, #tpu.memory_space<hbm>> -> memref<1x8x1x8x128xf32, #tpu.memory_space<hbm>>
    %dma_wait3A_110 = tpu.memref_squeeze %dma_wait3A_109 : memref<1x8x1x8x128xf32, #tpu.memory_space<hbm>> -> memref<8x8x128xf32, #tpu.memory_space<hbm>>
    %dma_wait3A_111 = arith.constant 0 : i32
    %dma_wait3A_112 = arith.constant 0 : i32
    %dma_wait3A_113 = arith.constant 0 : i32
    %dma_wait3A_114 = tpu.memref_slice %arg4[%dma_wait3A_100, %dma_wait3A_111, %dma_wait3A_101, %dma_wait3A_112, %dma_wait3A_113] : memref<26x8x128x8x128xf32, #tpu.memory_space<hbm>> -> memref<1x8x1x8x128xf32, #tpu.memory_space<hbm>>
    %dma_wait3A_115 = tpu.memref_squeeze %dma_wait3A_114 : memref<1x8x1x8x128xf32, #tpu.memory_space<hbm>> -> memref<8x8x128xf32, #tpu.memory_space<hbm>>
    %dma_wait3A_116 = arith.constant 0 : i32
    %dma_wait3A_117 = arith.constant 0 : i32
    %dma_wait3A_118 = arith.constant 0 : i32
    %dma_wait3A_119 = tpu.memref_slice %arg12[%dma_wait3A_116, %dma_wait3A_117, %dma_wait3A_118] : memref<8x8x129xf32, #tpu.memory_space<vmem>> -> memref<8x8x128xf32, #tpu.memory_space<vmem>>
    tpu.wait_dma2 semaphore(%arg20 : memref<!tpu.dma_semaphore, #tpu.memory_space<semaphore_mem>>) src(%dma_wait3A_119 : memref<8x8x128xf32, #tpu.memory_space<vmem>>) dst(%dma_wait3A_115 : memref<8x8x128xf32, #tpu.memory_space<hbm>>)
    %dma_wait3A_120 = arith.constant 0 : i32
    %dma_wait3A_121 = arith.constant 0 : i32
    %dma_wait3A_122 = arith.constant 0 : i32
    %dma_wait3A_123 = arith.constant 0 : i32
    %dma_wait3A_124 = arith.constant 0 : i32
    %dma_wait3A_125 = tpu.memref_slice %arg13[%dma_wait3A_122, %dma_wait3A_123, %dma_wait3A_124] : memref<8x8x129xf32, #tpu.memory_space<vmem>> -> memref<8x8x128xf32, #tpu.memory_space<vmem>>
    %dma_wait3A_126 = arith.constant 0 : i32
    %dma_wait3A_127 = arith.constant 0 : i32
    %dma_wait3A_128 = arith.constant 0 : i32
    %dma_wait3A_129 = tpu.memref_slice %arg4[%dma_wait3A_120, %dma_wait3A_126, %dma_wait3A_121, %dma_wait3A_127, %dma_wait3A_128] : memref<26x8x128x8x128xf32, #tpu.memory_space<hbm>> -> memref<1x8x1x8x128xf32, #tpu.memory_space<hbm>>
    %dma_wait3A_130 = tpu.memref_squeeze %dma_wait3A_129 : memref<1x8x1x8x128xf32, #tpu.memory_space<hbm>> -> memref<8x8x128xf32, #tpu.memory_space<hbm>>
    %dma_wait3A_131 = arith.constant 0 : i32
    %dma_wait3A_132 = arith.constant 0 : i32
    %dma_wait3A_133 = arith.constant 0 : i32
    %dma_wait3A_134 = tpu.memref_slice %arg4[%dma_wait3A_120, %dma_wait3A_131, %dma_wait3A_121, %dma_wait3A_132, %dma_wait3A_133] : memref<26x8x128x8x128xf32, #tpu.memory_space<hbm>> -> memref<1x8x1x8x128xf32, #tpu.memory_space<hbm>>
    %dma_wait3A_135 = tpu.memref_squeeze %dma_wait3A_134 : memref<1x8x1x8x128xf32, #tpu.memory_space<hbm>> -> memref<8x8x128xf32, #tpu.memory_space<hbm>>
    %dma_wait3A_136 = arith.constant 0 : i32
    %dma_wait3A_137 = arith.constant 0 : i32
    %dma_wait3A_138 = arith.constant 0 : i32
    %dma_wait3A_139 = tpu.memref_slice %arg13[%dma_wait3A_136, %dma_wait3A_137, %dma_wait3A_138] : memref<8x8x129xf32, #tpu.memory_space<vmem>> -> memref<8x8x128xf32, #tpu.memory_space<vmem>>
    tpu.wait_dma2 semaphore(%arg21 : memref<!tpu.dma_semaphore, #tpu.memory_space<semaphore_mem>>) src(%dma_wait3A_139 : memref<8x8x128xf32, #tpu.memory_space<vmem>>) dst(%dma_wait3A_135 : memref<8x8x128xf32, #tpu.memory_space<hbm>>)
    return
  }
}

</mosaic_0001>

<sc_bundles>
// kernel: kernel.3.cloned.1.call-start
scs
__scs_entry_jumppad:
0x0: {  	(pc) =	sbr.rel $0x88, $3  }
0x1: {  	(tag) =	ssettag $0x0;
	lr =	simm.s32 $0x1  }
0x2: {  	[smem:$0x3F9F] =	sst lr;
	_ =	strace $0xD0000000  }
0x3: {  	_ = 	snop  }
0x4: {  	_ = 	snop  }
0x5: {  	_ = 	snop  }
0x6: {  	_ = 	snop  }
0x7: {  	_ = 	snop  }
__scs_overlays_trampoline_lowered:
0x8: {  	[smem:$0x3FAE] =	sst s0  }
0x9: {  	[smem:$0x3FAF] =	sst s1  }
0xa: {  	[smem:$0x3FB0] =	sst s2  }
0xb: {  	[smem:$0x3FB1] =	sst s3  }
0xc: {  	[smem:$0x3FB2] =	sst s4  }
0xd: {  	[smem:$0x3FB3] =	sst s5  }
0xe: {  	[smem:$0x3FB4] =	sst s6  }
0xf: {  	[smem:$0x3FB5] =	sst s7  }
0x10: {  	[smem:$0x3FB6] =	sst s8  }
0x11: {  	[smem:$0x3FB7] =	sst s9;
	s0 =	simm.s32 @!p0 $0x0  }
0x12: {  	s1 =	sld [smem:$0x3F9D];
	s0 =	simm.s32 @p0 $0x1  }
0x13: {  	[smem:$0x3FB8] =	sst s0;
	s0 =	simm.s32 @!p1 $0x0  }
0x14: {  	s2 =	sld [smem:$0x3F9C];
	s0 =	simm.s32 @p1 $0x1  }
0x15: {  	[smem:$0x3FB9] =	sst s0;
	s0 =	simm.s32 @!p2 $0x0  }
0x16: {  	s3 =	sld [smem:$0x3FDB];
	s0 =	simm.s32 @p2 $0x1  }
0x17: {  	s4 =	simm.s32 $0x1BF5;
	[smem:$0x3FBB] =	sst s0  }
0x18: {  	s0 =	sld [smem:$0x3F9E];
	_ =	swait.ge [sflag:s4], $0x0  }
0x19: {  	s7 =	sld [smem:$0x3F9F]  }
0x1a: {  	s8 =	sadd.s32 $0xFFFFE003, lr  }
0x1b: {  	s9 =	sadd.s32 $0xFFFFFEF7, lr;
	s5 =	simm.s32 $0xFFFFFFFF;
	p2 =	slt.u32 s8, $0xFFFFF086  }
0x1c: {  	p1 =	slt.u32 s9, $0xF7A;
	s5 =	simm.s32 @!p2 $0x0  }
0x1d: {  	s5 =	simm.s32 @p1 $0x1;
	p0 =	seq.s32 s7, s2  }
0x1e: {  	s7 =	smul.u32 @!p0 $0xF7A, s2;
	p2 =	seq.s32 @!p0 s5, $0x0  }
0x1f: {  	s9 =	smul.u32 $0xF7A, s1;
	s8 =	simm.s32 @!p0 $0x1BF5;
	p2 =	por !p2, p0  }
0x20: {  	[sflag:s8] =	ssyncset.s32 @!p0 $0xFFFFF086;
	s6 =	sadd.s32 @!p0 s3, s7;
	s7 =	simm.s32 @!p0 $0x108  }
0x21: {  	s3 =	sadd.s32 s3, s9;
	s6 =	sadd.s32 @!p0 $0x88, s6;
	s7 =	simm.s32 @p2 $0x1082  }
0x22: {  	[simem:s7], [sflag:s8] =	dma.local @!p0 [hbm:s6], $0xF7A  }
0x23: {  	s9 =	sor.u32 $0xD0000000, s2;
	s6 =	simm.s32 $0x108;
	_ =	swait.ge @!p0 [sflag:s8], $0x0  }
0x24: {  	s3 =	sadd.s32 $0x88, s3;
	s6 =	simm.s32 @!p1 $0x1082;
	[sflag:s4] =	ssyncset.s32 $0xFFFFF086  }
0x25: {  	[simem:s6], [sflag:s4] =	dma.local [hbm:s3], $0xF7A  }
0x26: {  	[smem:$0x3F9F] =	sst s1;
	(tag) =	ssettag s2;
	_ =	strace s9  }
0x27: {  	s1 =	sld [smem:$0x3FAF]  }
0x28: {  	s2 =	sld [smem:$0x3FB0]  }
0x29: {  	s4 =	sld [smem:$0x3FB2]  }
0x2a: {  	p0 =	seq.s32 s5, $0x0;
	s5 =	sld [smem:$0x3FB3]  }
0x2b: {  	s6 =	sld [smem:$0x3FB4]  }
0x2c: {  	s7 =	sld [smem:$0x3FB5]  }
0x2d: {  	s3 =	simm.s32 $0x108;
	s8 =	sld [smem:$0x3FB6]  }
0x2e: {  	s3 =	simm.s32 @!p0 $0x1082;
	s9 =	sld [smem:$0x3FB7]  }
0x2f: {  	lr =	sadd.s32 s0, s3;
	s0 =	sld [smem:$0x3FAE]  }
0x30: {  	s3 =	sld [smem:$0x3FB1]  }
0x31: {  	[smem:$0x3FBA] =	sst s10  }
0x32: {  	s10 =	sld [smem:$0x3FB8];
	_ =	sdelay $0x3  }
0x33: {  	p0 =	seq.s32 s10, $0x1;
	s10 =	sld [smem:$0x3FBA];
	_ =	sdelay $0x3  }
0x34: {  	[smem:$0x3FBA] =	sst s10  }
0x35: {  	s10 =	sld [smem:$0x3FB9];
	_ =	sdelay $0x3  }
0x36: {  	p1 =	seq.s32 s10, $0x1;
	s10 =	sld [smem:$0x3FBA];
	_ =	sdelay $0x3  }
0x37: {  	[smem:$0x3FBA] =	sst s10  }
0x38: {  	s10 =	sld [smem:$0x3FBB]  }
0x39: {  	_ = 	snop;
	(pc) =	sbr.ind lr, $3  }
0x3a: {  	_ = 	snop  }
0x3b: {  	_ = 	snop  }
0x3c: {  	p2 =	seq.s32 s10, $0x1;
	s10 =	sld [smem:$0x3FBA]  }
0x3d: {  	_ =	shalt  }
0x3e: {  	_ =	shalt  }
0x3f: {  	_ =	shalt  }
0x40: {  	_ =	shalt  }
0x41: {  	_ =	shalt  }
0x42: {  	_ =	shalt  }
0x43: {  	_ =	shalt  }
0x44: {  	_ =	shalt  }
0x45: {  	_ =	shalt  }
0x46: {  	_ =	shalt  }
0x47: {  	_ =	shalt  }
0x48: {  	_ =	shalt  }
0x49: {  	_ =	shalt  }
0x4a: {  	_ =	shalt  }
0x4b: {  	_ =	shalt  }
0x4c: {  	_ =	shalt  }
0x4d: {  	_ =	shalt  }
0x4e: {  	_ =	shalt  }
0x4f: {  	_ =	shalt  }
0x50: {  	_ =	shalt  }
0x51: {  	_ =	shalt  }
0x52: {  	_ =	shalt  }
0x53: {  	_ =	shalt  }
0x54: {  	_ =	shalt  }
0x55: {  	_ =	shalt  }
0x56: {  	_ =	shalt  }
0x57: {  	_ =	shalt  }
0x58: {  	_ =	shalt  }
0x59: {  	_ =	shalt  }
0x5a: {  	_ =	shalt  }
0x5b: {  	_ =	shalt  }
0x5c: {  	_ =	shalt  }
0x5d: {  	_ =	shalt  }
0x5e: {  	_ =	shalt  }
0x5f: {  	_ =	shalt  }
0x60: {  	_ =	shalt  }
0x61: {  	_ =	shalt  }
0x62: {  	_ =	shalt  }
0x63: {  	_ =	shalt  }
0x64: {  	_ =	shalt  }
0x65: {  	_ =	shalt  }
0x66: {  	_ =	shalt  }
0x67: {  	_ =	shalt  }
0x68: {  	_ =	shalt  }
0x69: {  	_ =	shalt  }
0x6a: {  	_ =	shalt  }
0x6b: {  	_ =	shalt  }
0x6c: {  	_ =	shalt  }
0x6d: {  	_ =	shalt  }
0x6e: {  	_ =	shalt  }
0x6f: {  	_ =	shalt  }
0x70: {  	_ =	shalt  }
0x71: {  	_ =	shalt  }
0x72: {  	_ =	shalt  }
0x73: {  	_ =	shalt  }
0x74: {  	_ =	shalt  }
0x75: {  	_ =	shalt  }
0x76: {  	_ =	shalt  }
0x77: {  	_ =	shalt  }
0x78: {  	_ =	shalt  }
0x79: {  	_ =	shalt  }
0x7a: {  	_ =	shalt  }
0x7b: {  	_ =	shalt  }
0x7c: {  	_ =	shalt  }
0x7d: {  	_ =	shalt  }
0x7e: {  	_ =	shalt  }
0x7f: {  	_ =	shalt  }
0x80: {  	_ =	shalt  }
0x81: {  	_ =	shalt  }
0x82: {  	_ =	shalt  }
0x83: {  	_ =	shalt  }
0x84: {  	_ =	shalt  }
0x85: {  	_ =	shalt  }
0x86: {  	_ =	shalt  }
0x87: {  	_ =	shalt  }
.Lfunc_end0:
.L_simem_size_0:
called_computation_lowered:
.L_overlay_start_0:
0x88: {  	s2 =	sld [smem:$0x3FD9]  }
0x89: {  	s3 =	sld [smem:$0x3FFE];
	_ =	sdelay $0x1  }
0x8a: {  	s1 =	srdreg.scid  }
0x8b: {  	s0 =	sand.u32 $0x1, s1  }
0x8c: {  	s17 =	sshll.u32 s0, $0xA;
	s2 =	sadd.s32 s3, s2  }
0x8d: {  	s2 =	sadd.s32 s2, s17  }
0x8e: {  	[smem:$0x3FC6] =	sst s2  }
0x8f: {  	_ = 	snop  }
0x90: {  	s2 =	sld [smem:$0x3FD0];
	(tm) =	ssettm $0x1  }
0x91: {  	s18 =	sld [smem:$0x3FFB];
	_ =	sdelay $0x3  }
0x92: {  	_ =	strace s18  }
0x93: {  	s3 =	sld [smem:$0x3FFC];
	_ =	sdelay $0x3  }
0x94: {  	_ =	strace s3  }
0x95: {  	s3 =	sld [smem:$0x3FFD];
	_ =	sdelay $0x3  }
0x96: {  	_ =	strace s3  }
0x97: {  	_ =	strace $0x8FFFFFFF  }
0x98: {  	s19 =	sld [smem:$0x3FDB];
	_ =	sdelay $0x1  }
0x99: {  	s4 =	simm.s32 $_scs_section_size  }
0x9a: {  	s5 =	simm.s32 $_size__tile_overlayer_lowered;
	s6 =	simm.s32 $_tile_overlayer_lowered  }
0x9b: {  	s22 =	simm.s32 $0x1BFF;
	s21 =	sshll.u32 s6, $0x1;
	s3 =	sadd.s32 s4, s19  }
0x9c: {  	s7 =	simm.s32 $0x0;
	s20 =	sshll.u32 s5, $0x1;
	s5 =	sadd.s32 s21, s3  }
0x9d: {  	[timem:s7], [sflag:s22] =	dma.local [hbm:s5], s20  }
0x9e: {  	_ =	swait.ge [sflag:s22], s20  }
0x9f: {  	s4 =	ssub.s32 $0x0, s20;
	[sflag:s22] =	ssyncset.done $0x0  }
0xa0: {  	[sflag:s22] =	ssyncadd.s32 s4;
	_ =	sdelay $0x1  }
0xa1: {  	s23 =	simm.s32 $0x1B8B  }
0xa2: {  	_ =	swait.ge [sflag:s23], $0x1  }
0xa3: {  	[sflag:s23] =	ssyncset.done $0x0  }
0xa4: {  	s25 =	simm.s32 $0x1B8E;
	s24 =	sld [smem:$0x3FFE];
	[sflag:s23] =	ssyncadd.s32 $0xFFFFFFFF  }
0xa5: {  	s26 =	simm.s32 $execute0_lowered;
	[smem:$0x3FD2] =	sst s25  }
0xa6: {  	s5 =	sshll.u32 s26, $0x1;
	_ =	strace $0x80000046;
	[dreg:$0x1] =	wrdreg $0xFFFFFFFF  }
0xa7: {  	s28 =	simm.s32 $_size_execute0_lowered;
	s3 =	sadd.s32 s3, s5;
	[dreg:$0x0] =	wrdreg $0x0  }
0xa8: {  	s5 =	sshll.u32 s28, $0x1;
	[dreg:$0x2] =	wrdreg s3  }
0xa9: {  	[dreg:$0x3] =	wrdreg s5  }
0xaa: {  	[dreg:$0x4] =	wrdreg $0xC0  }
0xab: {  	_ =	task [dreg:s7], $0x5FFFF  }
0xac: {  	[dreg:$0x1] =	wrdreg $0xFFFFFFFF  }
0xad: {  	[dreg:$0x0] =	wrdreg $0x60  }
0xae: {  	[dreg:$0x2] =	wrdreg s24  }
0xaf: {  	[dreg:$0x3] =	wrdreg s2  }
0xb0: {  	[dreg:$0x4] =	wrdreg $0x9  }
0xb1: {  	_ =	task.clear_ibuf [dreg:s7], $0x5FFFF;
	_ =	strace $0x90000046  }
0xb2: {  	s29 =	simm.s32 $0x9;
	_ =	strace $0x80000048  }
0xb3: {  	_ =	swait.ge [sflag:s29], $0x1  }
0xb4: {  	[sflag:s29] =	ssyncadd.s32 $0xFFFFFFFF  }
0xb5: {  	_ =	strace $0x90000048  }
0xb6: {  	_ =	sfence  }
0xb7: {  	s30 =	sld [smem:$0x0];
	_ =	sdelay $0x2  }
0xb8: {  	s31 =	sshll.u32 s1, $0xD;
	s1 =	sshrl.u32 s1, $0x2  }
0xb9: {  	s3 =	sand.u32 $0x4000, s31;
	s1 =	sadd.s32 s1, s30  }
0xba: {  	s0 =	sor.u32 s3, s0;
	s1 =	sshll.u32 s1, $0x11  }
0xbb: {  	s0 =	sor.u32 s1, s0  }
0xbc: {  	s0 =	sadd.s32 $0x8F2B, s0  }
0xbd: {  	[sflag:s0] =	ssyncadd.remote.s32 $0x1  }
0xbe: {  	_ =	sfence.sel $0xFFFF  }
0xbf: {  	[dreg:$0x0] =	wrdreg $0xFFFFFFFF;
	(pc) =	sbr.abs _section_cstart, $3  }
0xc0: {  	[dreg:$0x1] =	wrdreg $0xFFFFFFFF  }
0xc1: {  	_ =	task.clear_ibuf [dreg:s7], $0x2FFFF;
	_ =	strace $0x9FFFFFFF  }
0xc2: {  	(tm) =	ssettm $0x7FFFFFFF  }
0xc3: {  	_ =	shalt  }
tec
execute0_lowered:
.L_overlay_start_1:
0x0: {  	(tag) =	ssettag $0x1  }
0x1: {  	s0 =	rddreg [dreg:$0x0]  }
0x2: {  	s2 =	rddreg [dreg:$0x1]  }
0x3: {  	s1 =	srdreg.scid;
	s4 =	stileid.u32  }
0x4: {  	s3 =	simm.s32 $0x0;
	s11 =	simm.s32 $0x80;
	s14 =	simm.s32 $0x1  }
0x5: {  	s15 =	simm.s32 $0xB400;
	s17 =	simm.s32 $0x2;
	s18 =	simm.s32 $0xD600  }
0x6: {  	s19 =	simm.s32 $0x9400;
	s20 =	simm.s32 $0x3;
	s21 =	simm.s32 $0xF800  }
0x7: {  	s22 =	simm.s32 $0x4;
	s1 =	sand.u32 $0x1, s1;
	s4 =	sshll.u32 s4, $0x1  }
0x8: {  	s23 =	simm.s32 $0x8;
	s24 =	simm.s32 $0x11A00;
	s5 =	sor.u32 s1, s4  }
.Ltmp0:
0x9: {  	s1 =	ssub.s32 $0x2, s1;
	s4 =	sshll.u32 s5, $0x6;
	(pc) =	sbr.rel .LBB2_1-.Ltmp0, $4  }
0xa: {  	v0 =	vlaneseq.u32;
	[smem:$0x7FF] =	sst s3;
	s6 =	sshrl.u32 s1, $0x1;
	s7 =	sadd.s32 s4, s0  }
0xb: {  	v0 =	vmul.u32 $0x88, v0;
	_ =	strace $0x80000047;
	s30 =	ssub.s32 s1, s6;
	s31 =	sadd.s32 $0x600, s7  }
0xc: {  	s4 =	sadd.s32 $0xF42A00, s0;
	s0 =	smax.u32 s30, $0x1;
	[dreg:$0x3] =	wrdreg s31  }
0xd: {  	s5 =	sshll.u32 s5, $0x2;
	v1 =	vadd.s32 $0x880, v0;
	v2 =	vadd.s32 $0x1100, v0;
	v3 =	vadd.s32 $0x1980, v0;
	s1 =	simm.s32 $0x0;
	[dreg:$0x4] =	wrdreg s0  }
.LBB2_24:
0xe: {  	s0 =	simm.s32 $0x5  }
0xf: {  	_ =	swait.ge [sflag:s0], $0x2000  }
0x10: {  	[sflag:s0] =	ssyncset.done $0x0  }
0x11: {  	s29 =	simm.s32 $0x6;
	[sflag:s0] =	ssyncadd.s32 $0xFFFFE000  }
0x12: {  	_ =	swait.ge [sflag:s29], $0x2000  }
0x13: {  	[sflag:s29] =	ssyncset.done $0x0  }
0x14: {  	s30 =	simm.s32 $0x7;
	[sflag:s29] =	ssyncadd.s32 $0xFFFFE000  }
0x15: {  	_ =	swait.ge [sflag:s30], $0x2000  }
0x16: {  	[sflag:s30] =	ssyncset.done $0x0  }
0x17: {  	[sflag:s30] =	ssyncadd.s32 $0xFFFFE000  }
0x18: {  	_ =	swait.ge [sflag:s23], $0x2000  }
0x19: {  	s1 =	rddreg [dreg:$0x5]  }
0x1a: {  	s31 =	rddreg [dreg:$0x4];
	s1 =	sadd.s32 $0x1, s1  }
0x1b: {  	p0 =	sne.s32 s1, s31  }
.Ltmp1:
0x1c: {  	_ = 	snop;
	(pc) =	sbr.rel @!p0 .LBB2_25-.Ltmp1, $3  }
0x1d: {  	_ =	sdelay $0x1  }
0x1e: {  	[sflag:s23] =	ssyncset.done $0x0  }
0x1f: {  	[sflag:s23] =	ssyncadd.s32 $0xFFFFE000  }
.LBB2_1:
0x20: {  	[dreg:$0x5] =	wrdreg s1  }
0x21: {  	s0 =	rddreg [dreg:$0x3]  }
0x22: {  	s26 =	simm.s32 $0x200;
	s6 =	simm.s32 $0x4000;
	s28 =	simm.s32 $0x9  }
0x23: {  	[tilespmem:s3], [sflag:$0x9] =	stream.strided.gather [hbm4b:s0+s26], $0x3400, s6, s26, $0x38;
	[tilespmem:$0x13C00] =	vst v63  }
0x24: {  	_ =	swait.ge [sflag:s28], $0x3400  }
0x25: {  	[sflag:s28] =	ssyncset.done $0x0  }
0x26: {  	s29 =	simm.s32 $0x3400;
	[sflag:s28] =	ssyncadd.s32 $0xFFFFCC00  }
0x27: {  	[tilespmem:s29], [sflag:$0x1] =	stream.indirect.gather [hbm4b:s4+s11], $0x40, s3, s11, $0xb8;
	[tilespmem:$0x13C00] =	vst v63  }
0x28: {  	s31 =	simm.s32 $0x5400;
	s30 =	simm.s32 $0x0  }
0x29: {  	[tilespmem:s31], [sflag:$0x2] =	stream.indirect.gather [hbm4b:s4+s11], $0x40, s26, s11, $0xb8;
	[tilespmem:$0x13C00] =	vst v63  }
.LBB2_2:
0x2a: {  	_ =	swait.ge [sflag:s14], $0x2000  }
0x2b: {  	p0 =	seq.s32 s30, $0x0;
	[sflag:s14] =	ssyncset.done $0x0  }
0x2c: {  	s0 =	simm.s32 @!p0 $0x5;
	[sflag:s14] =	ssyncadd.s32 $0xFFFFE000  }
0x2d: {  	_ =	swait.ge @!p0 [sflag:s0], $0x2000  }
0x2e: {  	[sflag:s0] =	ssyncset.done @!p0 $0x0  }
0x2f: {  	s9 =	simm.s32 $0x3440;
	[sflag:s0] =	ssyncadd.s32 @!p0 $0xFFFFE000  }
0x30: {  	v4 =	vld [tilespmem:s9+$0x0];
	_ =	sdelay $0x4  }
0x31: {  	v5 =	vsub.f32 $0.0e+00, v4;
	_ =	sdelay $0x1  }
0x32: {  	v6 =	vld [tilespmem:s9+$0xFFFFFFC0];
	v5 =	vmul.f32 $1.442695020e+00, v5;
	_ =	sdelay $0x1  }
0x33: {  	(erf) = vpow2.f32 v5;
	_ =	sdelay $0x2  }
0x34: {  	v5 =	vsub.f32 $0.0e+00, v6;
	_ =	sdelay $0x1  }
0x35: {  	v5 =	vmul.f32 $1.442695020e+00, v5;
	_ =	sdelay $0x1  }
0x36: {  	(erf) = vpow2.f32 v5;
	_ =	sdelay $0x1  }
0x37: {  	v5 =	vpop (erf)  }
0x38: {  	v5 =	vadd.f32 $1.000000000e+00, v5  }
0x39: {  	s8 =	simm.s32 $0x34C0  }
0x3a: {  	v7 =	vld [tilespmem:s8+$0x0];
	(erf) = vrcp.f32 v5;
	_ =	sdelay $0x3  }
0x3b: {  	s12 =	simm.s32 $0x1;
	v5 =	vpop (erf)  }
0x3c: {  	v9 =	vmov s12;
	v10 =	vld [tilespmem:s8+$0xFFFFFFC0];
	v8 =	vsub.f32 $0.0e+00, v7;
	v5 =	vadd.f32 $1.000000000e+00, v5  }
0x3d: {  	v16 =	vand.u32 $0x7F, v9  }
0x3e: {  	(erf) = vrcp.f32 v5;
	v5 =	vmul.f32 $1.442695020e+00, v8;
	v8 =	vadd.s32 v0, v16;
	_ =	sdelay $0x1  }
0x3f: {  	v9 =	vpop (erf)  }
0x40: {  	(erf) = vpow2.f32 v5;
	v5 =	vmul.f32 v9, v4;
	v9 =	vsub.f32 $0.0e+00, v10;
	_ =	sdelay $0x1  }
0x41: {  	s13 =	simm.s32 $0x0;
	[tilespmem:v8+s15+$0x0] =	vst.idx.msk $0xffff, v5;
	v5 =	vmul.f32 $1.442695020e+00, v9  }
0x42: {  	v4 =	vmov s13  }
0x43: {  	v4 =	vand.u32 $0x7E, v4  }
0x44: {  	v8 =	vadd.s32 v0, v4  }
0x45: {  	v9 =	vld [tilespmem:s9+$0x10];
	(erf) = vpow2.f32 v5;
	v5 =	vpop (erf)  }
0x46: {  	v5 =	vmul.f32 v5, v6;
	_ =	sdelay $0x2  }
0x47: {  	[tilespmem:v8+s15+$0x0] =	vst.idx.msk $0xffff, v5  }
0x48: {  	v6 =	vsub.f32 $0.0e+00, v9;
	v8 =	vld [tilespmem:s9+$0xFFFFFFD0];
	v5 =	vpop (erf)  }
0x49: {  	s6 =	simm.s32 $0x3540;
	v5 =	vadd.f32 $1.000000000e+00, v5  }
0x4a: {  	v11 =	vld [tilespmem:s6+$0x0];
	v6 =	vmul.f32 $1.442695020e+00, v6  }
0x4b: {  	(erf) = vrcp.f32 v5  }
0x4c: {  	(erf) = vpow2.f32 v6  }
0x4d: {  	v6 =	vsub.f32 $0.0e+00, v8;
	v5 =	vpop (erf)  }
0x4e: {  	v12 =	vld [tilespmem:s6+$0xFFFFFFC0];
	v5 =	vadd.f32 $1.000000000e+00, v5  }
0x4f: {  	s16 =	simm.s32 $0x3;
	v13 =	vsub.f32 $0.0e+00, v11;
	v6 =	vmul.f32 $1.442695020e+00, v6  }
0x50: {  	v14 =	vmov s16;
	(erf) = vrcp.f32 v5  }
0x51: {  	v5 =	vand.u32 $0x7F, v14;
	(erf) = vpow2.f32 v6;
	v6 =	vmul.f32 $1.442695020e+00, v13  }
0x52: {  	v13 =	vadd.s32 v0, v5  }
0x53: {  	v14 =	vsub.f32 $0.0e+00, v12;
	(erf) = vpow2.f32 v6  }
0x54: {  	s25 =	simm.s32 $0x2;
	v15 =	vpop (erf)  }
0x55: {  	v14 =	vmul.f32 $1.442695020e+00, v14;
	v6 =	vpop (erf);
	v7 =	vmul.f32 v15, v7;
	v15 =	vmov s25  }
0x56: {  	v17 =	vadd.f32 $1.000000000e+00, v6;
	v6 =	vand.u32 $0x7E, v15  }
0x57: {  	(erf) = vpow2.f32 v14;
	[tilespmem:v13+s15+$0x0] =	vst.idx.msk $0xffff, v7;
	v7 =	vadd.s32 v0, v6  }
0x58: {  	(erf) = vrcp.f32 v17;
	v13 =	vld [tilespmem:s8+$0x10]  }
0x59: {  	v14 =	vpop (erf)  }
0x5a: {  	v10 =	vmul.f32 v14, v10;
	v14 =	vpop (erf)  }
0x5b: {  	v14 =	vadd.f32 $1.000000000e+00, v14  }
0x5c: {  	[tilespmem:v7+s15+$0x0] =	vst.idx.msk $0xffff, v10;
	v7 =	vpop (erf)  }
0x5d: {  	v10 =	vsub.f32 $0.0e+00, v13;
	v15 =	vld [tilespmem:s8+$0xFFFFFFD0];
	(erf) = vrcp.f32 v14;
	v7 =	vadd.f32 $1.000000000e+00, v7;
	_ =	sdelay $0x1  }
0x5e: {  	s0 =	simm.s32 $0x35C0;
	v10 =	vmul.f32 $1.442695020e+00, v10  }
0x5f: {  	v18 =	vld [tilespmem:s0+$0x0];
	v14 =	vadd.s32 v1, v16;
	v17 =	vpop (erf);
	(erf) = vrcp.f32 v7  }
0x60: {  	v7 =	vpop (erf);
	(erf) = vpow2.f32 v10  }
0x61: {  	v10 =	vadd.f32 $1.000000000e+00, v17;
	v7 =	vmul.f32 v7, v9;
	v9 =	vsub.f32 $0.0e+00, v15  }
0x62: {  	v19 =	vld [tilespmem:s0+$0xFFFFFFC0]  }
0x63: {  	v17 =	vadd.s32 v1, v4;
	v9 =	vmul.f32 $1.442695020e+00, v9  }
0x64: {  	v20 =	vsub.f32 $0.0e+00, v18;
	(erf) = vrcp.f32 v10;
	[tilespmem:v14+s15+$0x0] =	vst.idx.msk $0xffff, v7  }
0x65: {  	v14 =	vld [tilespmem:s9+$0x20];
	v10 =	vpop (erf);
	(erf) = vpow2.f32 v9  }
0x66: {  	s1 =	simm.s32 $0x5;
	v9 =	vmul.f32 $1.442695020e+00, v20;
	v8 =	vmul.f32 v10, v8  }
0x67: {  	v21 =	vsub.f32 $0.0e+00, v19;
	v7 =	vmov s1  }
0x68: {  	v7 =	vand.u32 $0x7F, v7;
	v10 =	vpop (erf);
	(erf) = vpow2.f32 v9;
	[tilespmem:v17+s15+$0x0] =	vst.idx.msk $0xffff, v8  }
0x69: {  	v20 =	vadd.s32 v0, v7;
	v9 =	vmul.f32 $1.442695020e+00, v21;
	v10 =	vmul.f32 v10, v11;
	v11 =	vld [tilespmem:s9+$0xFFFFFFE0]  }
0x6a: {  	v17 =	vsub.f32 $0.0e+00, v14  }
0x6b: {  	s26 =	simm.s32 $0x4;
	(erf) = vpow2.f32 v9;
	v8 =	vpop (erf)  }
0x6c: {  	v21 =	vadd.f32 $1.000000000e+00, v8;
	v8 =	vmov s26;
	v9 =	vmul.f32 $1.442695020e+00, v17  }
0x6d: {  	v8 =	vand.u32 $0x7E, v8  }
0x6e: {  	[tilespmem:v20+s15+$0x0] =	vst.idx.msk $0xffff, v10;
	(erf) = vrcp.f32 v21;
	v10 =	vadd.s32 v0, v8;
	v21 =	vsub.f32 $0.0e+00, v11  }
0x6f: {  	v17 =	vld [tilespmem:s6+$0x10];
	(erf) = vpow2.f32 v9  }
0x70: {  	v9 =	vpop (erf)  }
0x71: {  	v20 =	vpop (erf);
	v9 =	vmul.f32 v9, v12  }
0x72: {  	v12 =	vadd.f32 $1.000000000e+00, v20;
	v20 =	vmul.f32 $1.442695020e+00, v21;
	v21 =	vpop (erf)  }
0x73: {  	[tilespmem:v10+s15+$0x0] =	vst.idx.msk $0xffff, v9;
	v9 =	vadd.f32 $1.000000000e+00, v21  }
0x74: {  	v22 =	vsub.f32 $0.0e+00, v17;
	v23 =	vld [tilespmem:s6+$0xFFFFFFD0]  }
0x75: {  	s1 =	simm.s32 $0x3640;
	(erf) = vrcp.f32 v12  }
0x76: {  	v26 =	vld [tilespmem:s1+$0xFFFFFFC0];
	v10 =	vmul.f32 $1.442695020e+00, v22;
	v12 =	vadd.s32 v1, v5;
	(erf) = vpow2.f32 v20;
	v20 =	vpop (erf)  }
0x77: {  	v25 =	vld [tilespmem:s1+$0x0];
	(erf) = vrcp.f32 v9;
	v9 =	vpop (erf)  }
0x78: {  	(erf) = vpow2.f32 v10;
	v10 =	vadd.f32 $1.000000000e+00, v20;
	v20 =	vpop (erf)  }
0x79: {  	v9 =	vmul.f32 v9, v13;
	v13 =	vadd.f32 $1.000000000e+00, v20;
	v20 =	vsub.f32 $0.0e+00, v23;
	_ =	sdelay $0x1  }
0x7a: {  	v21 =	vsub.f32 $0.0e+00, v26;
	(erf) = vrcp.f32 v10;
	[tilespmem:v12+s15+$0x0] =	vst.idx.msk $0xffff, v9;
	v12 =	vmul.f32 $1.442695020e+00, v20  }
0x7b: {  	s7 =	simm.s32 $0x7;
	v10 =	vadd.s32 v1, v6;
	(erf) = vrcp.f32 v13;
	v13 =	vsub.f32 $0.0e+00, v25  }
0x7c: {  	v9 =	vmov s7  }
0x7d: {  	v27 =	vld [tilespmem:s8+$0x20];
	v9 =	vand.u32 $0x7F, v9;
	v20 =	vpop (erf);
	v13 =	vmul.f32 $1.442695020e+00, v13  }
0x7e: {  	v22 =	vadd.s32 v0, v9;
	(erf) = vpow2.f32 v12;
	v15 =	vmul.f32 v20, v15;
	v12 =	vpop (erf)  }
0x7f: {  	v20 =	vmul.f32 $1.442695020e+00, v21;
	v21 =	vpop (erf);
	v12 =	vadd.f32 $1.000000000e+00, v12  }
0x80: {  	s28 =	simm.s32 $0x6;
	(erf) = vpow2.f32 v13;
	[tilespmem:v10+s15+$0x0] =	vst.idx.msk $0xffff, v15;
	v15 =	vmul.f32 v21, v18  }
0x81: {  	v24 =	vmov s28;
	v13 =	vpop (erf)  }
0x82: {  	v28 =	vsub.f32 $0.0e+00, v27;
	(erf) = vpow2.f32 v20;
	v18 =	vld [tilespmem:s8+$0xFFFFFFE0];
	v13 =	vadd.f32 $1.000000000e+00, v13  }
0x83: {  	v10 =	vand.u32 $0x7E, v24;
	v21 =	vadd.s32 v2, v16;
	(erf) = vrcp.f32 v12;
	[tilespmem:v22+s15+$0x0] =	vst.idx.msk $0xffff, v15;
	v12 =	vpop (erf)  }
0x84: {  	v20 =	vmul.f32 $1.442695020e+00, v28;
	(erf) = vrcp.f32 v13;
	v13 =	vadd.s32 v0, v10;
	v30 =	vld [tilespmem:s0+$0x10];
	v15 =	vpop (erf)  }
0x85: {  	v14 =	vmul.f32 v15, v14;
	v15 =	vmul.f32 v12, v19  }
0x86: {  	(erf) = vpow2.f32 v20  }
0x87: {  	v12 =	vpop (erf);
	v19 =	vsub.f32 $0.0e+00, v18  }
0x88: {  	[tilespmem:v21+s15+$0x0] =	vst.idx.msk $0xffff, v14;
	v14 =	vadd.f32 $1.000000000e+00, v12  }
0x89: {  	[tilespmem:v13+s15+$0x0] =	vst.idx.msk $0xffff, v15;
	v13 =	vmul.f32 $1.442695020e+00, v19;
	v19 =	vsub.f32 $0.0e+00, v30;
	v15 =	vpop (erf)  }
0x8a: {  	v12 =	vld [tilespmem:s9+$0x30];
	(erf) = vrcp.f32 v14;
	v15 =	vadd.f32 $1.000000000e+00, v15  }
0x8b: {  	v21 =	vld [tilespmem:s0+$0xFFFFFFD0];
	(erf) = vpow2.f32 v13;
	v13 =	vmul.f32 $1.442695020e+00, v19  }
0x8c: {  	v14 =	vadd.s32 v2, v4;
	v20 =	vpop (erf)  }
0x8d: {  	s7 =	simm.s32 $0x36C0;
	v22 =	vpop (erf)  }
0x8e: {  	v19 =	vadd.s32 v1, v7;
	(erf) = vrcp.f32 v15;
	v11 =	vmul.f32 v22, v11;
	v22 =	vld [tilespmem:s7+$0x0];
	v15 =	vpop (erf)  }
0x8f: {  	v24 =	vadd.f32 $1.000000000e+00, v20;
	v20 =	vld [tilespmem:s7+$0xFFFFFFC0];
	(erf) = vpow2.f32 v13;
	v28 =	vsub.f32 $0.0e+00, v12;
	v13 =	vpop (erf)  }
0x90: {  	v29 =	vsub.f32 $0.0e+00, v21;
	v15 =	vmul.f32 v15, v17;
	v17 =	vadd.f32 $1.000000000e+00, v13  }
0x91: {  	[tilespmem:v14+s15+$0x0] =	vst.idx.msk $0xffff, v11;
	(erf) = vrcp.f32 v24;
	v11 =	vmul.f32 $1.442695020e+00, v28  }
0x92: {  	s10 =	simm.s32 $0x8;
	(erf) = vrcp.f32 v17;
	v17 =	vmul.f32 $1.442695020e+00, v29  }
0x93: {  	v14 =	vmov s10;
	[tilespmem:v19+s15+$0x0] =	vst.idx.msk $0xffff, v15;
	v19 =	vsub.f32 $0.0e+00, v22;
	(erf) = vpow2.f32 v11  }
0x94: {  	s29 =	simm.s32 $0x9;
	v15 =	vadd.s32 v1, v8;
	v24 =	vld [tilespmem:s6+$0x20];
	(erf) = vpow2.f32 v17;
	v17 =	vsub.f32 $0.0e+00, v20  }
0x95: {  	v28 =	vpop (erf);
	v11 =	vand.u32 $0x7E, v14;
	v14 =	vmov s29;
	v19 =	vmul.f32 $1.442695020e+00, v19  }
0x96: {  	v13 =	vld [tilespmem:s9+$0xFFFFFFF0];
	v29 =	vpop (erf);
	v14 =	vand.u32 $0x7F, v14;
	v17 =	vmul.f32 $1.442695020e+00, v17  }
0x97: {  	v23 =	vmul.f32 v28, v23;
	v28 =	vadd.s32 v0, v14;
	v31 =	vpop (erf);
	(erf) = vpow2.f32 v19  }
0x98: {  	(erf) = vpow2.f32 v17;
	v17 =	vmul.f32 v31, v25  }
0x99: {  	[tilespmem:v15+s15+$0x0] =	vst.idx.msk $0xffff, v23;
	v15 =	vadd.s32 v0, v11;
	v33 =	vsub.f32 $0.0e+00, v24  }
0x9a: {  	v29 =	vadd.f32 $1.000000000e+00, v29;
	v19 =	vpop (erf)  }
0x9b: {  	v32 =	vsub.f32 $0.0e+00, v13;
	v23 =	vld [tilespmem:s6+$0xFFFFFFE0];
	v19 =	vadd.f32 $1.000000000e+00, v19;
	v25 =	vpop (erf);
	v31 =	vmul.f32 $1.442695020e+00, v33  }
0x9c: {  	(erf) = vrcp.f32 v29;
	v25 =	vmul.f32 v25, v26;
	[tilespmem:v28+s15+$0x0] =	vst.idx.msk $0xffff, v17;
	v17 =	vpop (erf)  }
0x9d: {  	v61 =	vadd.s32 v2, v5;
	(erf) = vrcp.f32 v19;
	v19 =	vmul.f32 $1.442695020e+00, v32;
	v28 =	vpop (erf)  }
0x9e: {  	v26 =	vld [tilespmem:s1+$0x10];
	[tilespmem:v15+s15+$0x0] =	vst.idx.msk $0xffff, v25;
	(erf) = vpow2.f32 v31;
	v15 =	vpop (erf)  }
0x9f: {  	(erf) = vpow2.f32 v19;
	v19 =	vadd.f32 $1.000000000e+00, v15  }
0xa0: {  	v17 =	vmul.f32 v17, v27;
	v27 =	vadd.f32 $1.000000000e+00, v28;
	v28 =	vsub.f32 $0.0e+00, v23;
	_ =	sdelay $0x1  }
0xa1: {  	v25 =	vld [tilespmem:s1+$0xFFFFFFD0];
	[tilespmem:v61+s15+$0x0] =	vst.idx.msk $0xffff, v17;
	(erf) = vrcp.f32 v27;
	v17 =	vmul.f32 $1.442695020e+00, v28  }
0xa2: {  	v15 =	vld [tilespmem:s8+$0x30];
	v27 =	vsub.f32 $0.0e+00, v26;
	(erf) = vrcp.f32 v19;
	v19 =	vpop (erf)  }
0xa3: {  	(erf) = vpow2.f32 v17;
	v17 =	vadd.f32 $1.000000000e+00, v19  }
0xa4: {  	v27 =	vmul.f32 $1.442695020e+00, v27  }
0xa5: {  	v31 =	vadd.s32 v2, v6;
	v19 =	vpop (erf)  }
0xa6: {  	v62 =	vadd.s32 v1, v9;
	v19 =	vadd.f32 $1.000000000e+00, v19;
	v28 =	vpop (erf)  }
0xa7: {  	s25 =	simm.s32 $0xA;
	v34 =	vsub.f32 $0.0e+00, v25;
	v63 =	vsub.f32 $0.0e+00, v15;
	(erf) = vrcp.f32 v17;
	v17 =	vpop (erf)  }
0xa8: {  	s10 =	simm.s32 $0x3740;
	v18 =	vmul.f32 v28, v18;
	v28 =	vmov s25;
	(erf) = vpow2.f32 v27;
	v27 =	vpop (erf)  }
0xa9: {  	v29 =	vld [tilespmem:s10+$0x0];
	v32 =	vmul.f32 $1.442695020e+00, v63;
	v35 =	vmul.f32 v17, v30;
	v36 =	vadd.f32 $1.000000000e+00, v27  }
0xaa: {  	s31 =	sshll.u32 s30, $0x2;
	[tilespmem:v31+s15+$0x0] =	vst.idx.msk $0xffff, v18;
	(erf) = vrcp.f32 v19;
	v18 =	vmul.f32 $1.442695020e+00, v34;
	v17 =	vadd.s32 v3, v16;
	v27 =	vld [tilespmem:s10+$0xFFFFFFC0];
	v19 =	vpop (erf)  }
0xab: {  	s12 =	simm.s32 $0xE;
	s9 =	simm.s32 $0xC;
	v30 =	vadd.s32 v1, v10;
	v16 =	vld [tilespmem:s8+$0xFFFFFFF0];
	s8 =	simm.s32 $0x3740;
	[tilespmem:v62+s15+$0x0] =	vst.idx.msk $0xffff, v35;
	v31 =	vadd.f32 $1.000000000e+00, v19;
	v19 =	vpop (erf);
	(erf) = vrcp.f32 v36  }
.LBB2_3:
0xac: {  	p1 =	slt.u32 s12, $0x7E;
	v28 =	vand.u32 $0x7E, v28;
	v34 =	vpop (erf);
	(erf) = vpow2.f32 v32;
	v36 =	vmul.f32 v19, v12  }
0xad: {  	s13 =	sadd.s32 $0x1, s25;
	v33 =	vld [tilespmem:s0+$0x20];
	v19 =	vmovc v5;
	v5 =	vmovc v7;
	v7 =	vmov v9;
	v9 =	vmov v14;
	v32 =	vmov v23;
	s25 =	smov.u32 s9;
	s9 =	smov.u32 s12  }
0xae: {  	v23 =	vsub.f32 $0.0e+00, v29;
	v14 =	vmov s13;
	(erf) = vpow2.f32 v18;
	v18 =	vpop (erf)  }
0xaf: {  	v37 =	vmul.f32 v34, v21;
	v35 =	vsub.f32 $0.0e+00, v27;
	v14 =	vand.u32 $0x7F, v14;
	[tilespmem:v17+s15+$0x0] =	vst.idx.msk $0xffff, v36;
	v17 =	vmovc v26  }
0xb0: {  	v12 =	vmovc v15;
	v21 =	vmovc v25;
	v18 =	vadd.f32 $1.000000000e+00, v18;
	v23 =	vmul.f32 $1.442695020e+00, v23;
	v26 =	vadd.s32 v0, v14  }
0xb1: {  	v15 =	vmul.f32 $1.442695020e+00, v35;
	v25 =	vpop (erf);
	[tilespmem:v30+s15+$0x0] =	vst.idx.msk $0xffff, v37;
	v30 =	vsub.f32 $0.0e+00, v16;
	(erf) = vrcp.f32 v31  }
0xb2: {  	v31 =	vadd.s32 v0, v28;
	(erf) = vpow2.f32 v23;
	v34 =	vpop (erf);
	v23 =	vld [tilespmem:s0+$0xFFFFFFE0];
	v35 =	vsub.f32 $0.0e+00, v33  }
0xb3: {  	v36 =	vmul.f32 v25, v22;
	v22 =	vmovc v29;
	(erf) = vpow2.f32 v15;
	v37 =	vadd.f32 $1.000000000e+00, v34  }
0xb4: {  	v29 =	vpop (erf);
	v34 =	vmul.f32 $1.442695020e+00, v35;
	v35 =	vadd.s32 v2, v5;
	(erf) = vrcp.f32 v18  }
0xb5: {  	v29 =	vmul.f32 v29, v20;
	[tilespmem:v26+s15+$0x0] =	vst.idx.msk $0xffff, v36;
	(erf) = vrcp.f32 v37;
	v15 =	vpop (erf);
	v20 =	vmov v27  }
0xb6: {  	v27 =	vmul.f32 $1.442695020e+00, v30;
	v26 =	vld [tilespmem:s7+$0x10];
	(erf) = vpow2.f32 v34;
	v25 =	vpop (erf)  }
0xb7: {  	v15 =	vmul.f32 v15, v24;
	[tilespmem:v31+s15+$0x0] =	vst.idx.msk $0xffff, v29;
	v18 =	vpop (erf);
	v29 =	vsub.f32 $0.0e+00, v23;
	v30 =	vadd.f32 $1.000000000e+00, v25  }
0xb8: {  	v25 =	vld [tilespmem:s7+$0xFFFFFFD0];
	v18 =	vadd.f32 $1.000000000e+00, v18;
	(erf) = vpow2.f32 v27;
	v27 =	vadd.s32 v3, v4;
	v4 =	vmovc v6;
	v6 =	vmovc v8  }
0xb9: {  	v8 =	vmovc v10;
	v10 =	vmovc v11;
	v11 =	vmov v28;
	v29 =	vmul.f32 $1.442695020e+00, v29;
	[tilespmem:v35+s15+$0x0] =	vst.idx.msk $0xffff, v15;
	(erf) = vrcp.f32 v30  }
0xba: {  	v24 =	vmov v33;
	(erf) = vrcp.f32 v18;
	v18 =	vadd.s32 v2, v6;
	v15 =	vld [tilespmem:s6+$0x30];
	v28 =	vpop (erf)  }
0xbb: {  	v30 =	vpop (erf);
	v31 =	vsub.f32 $0.0e+00, v26;
	(erf) = vpow2.f32 v29;
	v28 =	vmul.f32 v28, v13  }
0xbc: {  	v13 =	vmov v16;
	v29 =	vadd.f32 $1.000000000e+00, v30;
	v30 =	vpop (erf)  }
0xbd: {  	v16 =	vadd.f32 $1.000000000e+00, v30;
	v36 =	vmul.f32 $1.442695020e+00, v31;
	v31 =	vadd.s32 v1, v9;
	v33 =	vpop (erf);
	[tilespmem:v27+s15+$0x0] =	vst.idx.msk $0xffff, v28  }
.Ltmp2:
0xbe: {  	s10 =	sadd.s32 $0x80, s10;
	v34 =	vsub.f32 $0.0e+00, v25;
	(erf) = vrcp.f32 v29;
	v35 =	vpop (erf);
	v32 =	vmul.f32 v33, v32;
	(pc) =	sbr.rel @p1 .LBB2_3-.Ltmp2, $4  }
0xbf: {  	v28 =	vmov s25;
	v29 =	vld [tilespmem:s10+$0x0];
	(erf) = vpow2.f32 v36;
	v30 =	vpop (erf);
	v33 =	vsub.f32 $0.0e+00, v15  }
0xc0: {  	v35 =	vmul.f32 v35, v17;
	v17 =	vadd.s32 v3, v19;
	v27 =	vld [tilespmem:s10+$0xFFFFFFC0];
	v36 =	vadd.f32 $1.000000000e+00, v30;
	[tilespmem:v18+s15+$0x0] =	vst.idx.msk $0xffff, v32  }
0xc1: {  	v30 =	vadd.s32 v1, v10;
	(erf) = vrcp.f32 v16;
	v16 =	vld [tilespmem:s6+$0xFFFFFFF0];
	v32 =	vmul.f32 $1.442695020e+00, v33;
	v19 =	vpop (erf);
	s6 =	smov.u32 s0;
	s0 =	smov.u32 s1;
	s1 =	smov.u32 s7  }
0xc2: {  	s12 =	sadd.s32 $0x2, s12;
	v18 =	vmul.f32 $1.442695020e+00, v34;
	s7 =	smov.u32 s8;
	s8 =	smov.u32 s10;
	[tilespmem:v31+s15+$0x0] =	vst.idx.msk $0xffff, v35;
	(erf) = vrcp.f32 v36;
	v31 =	vadd.f32 $1.000000000e+00, v19;
	v19 =	vpop (erf)  }
0xc3: {  	s10 =	sadd.s32 $0x1, s25  }
0xc4: {  	v33 =	vld [tilespmem:s0+$0x20];
	(erf) = vpow2.f32 v32;
	v43 =	vsub.f32 $0.0e+00, v29;
	v34 =	vmov s10  }
0xc5: {  	(erf) = vpow2.f32 v18;
	v18 =	vand.u32 $0x7F, v34  }
0xc6: {  	v44 =	vpop (erf);
	v35 =	vsub.f32 $0.0e+00, v27;
	v32 =	vmul.f32 $1.442695020e+00, v43;
	v36 =	vadd.s32 v0, v18  }
0xc7: {  	v37 =	vpop (erf);
	v21 =	vmul.f32 v44, v21;
	(erf) = vrcp.f32 v31  }
0xc8: {  	v45 =	vmul.f32 $1.442695020e+00, v35;
	v46 =	vpop (erf);
	(erf) = vpow2.f32 v32  }
0xc9: {  	v47 =	vadd.f32 $1.000000000e+00, v37;
	[tilespmem:v30+s15+$0x0] =	vst.idx.msk $0xffff, v21;
	v48 =	vpop (erf);
	v49 =	vsub.f32 $0.0e+00, v33;
	v22 =	vmul.f32 v46, v22  }
0xca: {  	v50 =	vsub.f32 $0.0e+00, v16;
	v34 =	vld [tilespmem:s0+$0xFFFFFFE0];
	(erf) = vpow2.f32 v45;
	v21 =	vadd.f32 $1.000000000e+00, v48  }
0xcb: {  	v30 =	vmul.f32 $1.442695020e+00, v49;
	(erf) = vrcp.f32 v47;
	[tilespmem:v36+s15+$0x0] =	vst.idx.msk $0xffff, v22  }
0xcc: {  	v51 =	vpop (erf);
	(erf) = vrcp.f32 v21;
	v22 =	vmul.f32 $1.442695020e+00, v50;
	v32 =	vld [tilespmem:s7+$0x10]  }
0xcd: {  	v52 =	vadd.s32 v2, v7;
	v21 =	vand.u32 $0x7E, v28;
	v53 =	vpop (erf);
	(erf) = vpow2.f32 v30  }
0xce: {  	v54 =	vadd.s32 v0, v21;
	v55 =	vpop (erf)  }
0xcf: {  	v20 =	vmul.f32 v51, v20;
	v57 =	vsub.f32 $0.0e+00, v34;
	v56 =	vpop (erf);
	v36 =	vadd.f32 $1.000000000e+00, v55  }
0xd0: {  	v24 =	vmul.f32 v53, v24;
	(erf) = vpow2.f32 v22;
	v31 =	vadd.f32 $1.000000000e+00, v56;
	v22 =	vpop (erf)  }
0xd1: {  	v58 =	vmul.f32 $1.442695020e+00, v57;
	(erf) = vrcp.f32 v36;
	v59 =	vpop (erf);
	v60 =	vsub.f32 $0.0e+00, v32  }
0xd2: {  	[tilespmem:v52+s15+$0x0] =	vst.idx.msk $0xffff, v24;
	(erf) = vrcp.f32 v31;
	v61 =	vadd.f32 $1.000000000e+00, v59  }
0xd3: {  	v40 =	vadd.s32 v1, v14;
	[tilespmem:v54+s15+$0x0] =	vst.idx.msk $0xffff, v20;
	v20 =	vld [tilespmem:s6+$0x30];
	(erf) = vpow2.f32 v58;
	v62 =	vpop (erf);
	v63 =	vmul.f32 $1.442695020e+00, v60  }
0xd4: {  	v35 =	vld [tilespmem:s7+$0xFFFFFFD0];
	v41 =	vpop (erf);
	(erf) = vrcp.f32 v61  }
0xd5: {  	v42 =	vpop (erf);
	(erf) = vpow2.f32 v63  }
0xd6: {  	v28 =	vadd.f32 $1.000000000e+00, v62;
	v43 =	vpop (erf);
	v24 =	vmul.f32 v42, v26  }
0xd7: {  	v44 =	vadd.f32 $1.000000000e+00, v43  }
0xd8: {  	v45 =	vadd.s32 v2, v8;
	v46 =	vsub.f32 $0.0e+00, v20;
	(erf) = vrcp.f32 v28;
	[tilespmem:v40+s15+$0x0] =	vst.idx.msk $0xffff, v24  }
0xd9: {  	s13 =	sadd.s32 $0x1, s9;
	v48 =	vpop (erf);
	v47 =	vsub.f32 $0.0e+00, v35;
	(erf) = vrcp.f32 v44;
	v31 =	vld [tilespmem:s1+$0x20]  }
0xda: {  	v38 =	vadd.s32 v1, v11;
	v49 =	vmov s13;
	v37 =	vmul.f32 $1.442695020e+00, v46;
	v26 =	vpop (erf)  }
0xdb: {  	v36 =	vmul.f32 v41, v23;
	v23 =	vand.u32 $0x7F, v49;
	v39 =	vmul.f32 $1.442695020e+00, v47;
	v40 =	vpop (erf)  }
0xdc: {  	v50 =	vmov s9;
	v41 =	vadd.s32 v0, v23;
	(erf) = vpow2.f32 v37;
	v51 =	vpop (erf)  }
0xdd: {  	v59 =	vadd.s32 v2, v9;
	[tilespmem:v45+s15+$0x0] =	vst.idx.msk $0xffff, v36;
	v52 =	vadd.f32 $1.000000000e+00, v48;
	(erf) = vpow2.f32 v39;
	v53 =	vpop (erf)  }
0xde: {  	v28 =	vld [tilespmem:s6+$0xFFFFFFF0];
	v25 =	vmul.f32 v40, v25;
	v37 =	vadd.f32 $1.000000000e+00, v51;
	v55 =	vsub.f32 $0.0e+00, v31;
	v54 =	vpop (erf)  }
0xdf: {  	(erf) = vrcp.f32 v52;
	v56 =	vmul.f32 v53, v29;
	v57 =	vadd.f32 $1.000000000e+00, v54  }
0xe0: {  	v24 =	vand.u32 $0x7E, v50;
	[tilespmem:v38+s15+$0x0] =	vst.idx.msk $0xffff, v25;
	(erf) = vrcp.f32 v37;
	v58 =	vmul.f32 $1.442695020e+00, v55  }
0xe1: {  	v60 =	vadd.s32 v0, v24;
	v38 =	vld [tilespmem:s1+$0xFFFFFFE0];
	v61 =	vpop (erf);
	[tilespmem:v41+s15+$0x0] =	vst.idx.msk $0xffff, v56;
	(erf) = vrcp.f32 v57  }
0xe2: {  	v62 =	vpop (erf);
	v40 =	vld [tilespmem:s8+$0x10];
	(erf) = vpow2.f32 v58  }
0xe3: {  	v63 =	vsub.f32 $0.0e+00, v28;
	v29 =	vmul.f32 v62, v33  }
0xe4: {  	v39 =	vmul.f32 v61, v27  }
0xe5: {  	v41 =	vmul.f32 $1.442695020e+00, v63;
	v42 =	vpop (erf);
	[tilespmem:v59+s15+$0x0] =	vst.idx.msk $0xffff, v29  }
0xe6: {  	[tilespmem:v60+s15+$0x0] =	vst.idx.msk $0xffff, v39;
	v44 =	vsub.f32 $0.0e+00, v38;
	v43 =	vpop (erf);
	v45 =	vadd.f32 $1.000000000e+00, v42;
	v25 =	vld [tilespmem:s0+$0x30]  }
0xe7: {  	v36 =	vld [tilespmem:s8+$0xFFFFFFD0];
	(erf) = vpow2.f32 v41;
	v46 =	vadd.f32 $1.000000000e+00, v43;
	v47 =	vsub.f32 $0.0e+00, v40  }
0xe8: {  	v29 =	vmul.f32 $1.442695020e+00, v44;
	v27 =	vpop (erf);
	(erf) = vrcp.f32 v45  }
0xe9: {  	v48 =	vadd.s32 v1, v18;
	(erf) = vrcp.f32 v46;
	v49 =	vpop (erf);
	v30 =	vmul.f32 $1.442695020e+00, v47  }
0xea: {  	(erf) = vpow2.f32 v29;
	v51 =	vpop (erf)  }
0xeb: {  	v50 =	vadd.s32 v2, v10;
	(erf) = vpow2.f32 v30;
	v53 =	vsub.f32 $0.0e+00, v25;
	v52 =	vpop (erf)  }
0xec: {  	v42 =	vsub.f32 $0.0e+00, v36;
	v29 =	vmul.f32 v51, v32;
	v30 =	vadd.f32 $1.000000000e+00, v52  }
0xed: {  	v54 =	vmul.f32 v49, v34;
	v55 =	vmul.f32 $1.442695020e+00, v53  }
0xee: {  	v56 =	vmul.f32 $1.442695020e+00, v42;
	[tilespmem:v48+s15+$0x0] =	vst.idx.msk $0xffff, v29;
	(erf) = vrcp.f32 v30  }
0xef: {  	v32 =	vld [tilespmem:s7+$0x20];
	(erf) = vpow2.f32 v55  }
0xf0: {  	[tilespmem:v50+s15+$0x0] =	vst.idx.msk $0xffff, v54;
	v57 =	vpop (erf);
	(erf) = vpow2.f32 v56  }
0xf1: {  	v29 =	vld [tilespmem:s0+$0xFFFFFFF0];
	v30 =	vpop (erf)  }
0xf2: {  	v58 =	vpop (erf)  }
0xf3: {  	v59 =	vadd.s32 v1, v21;
	v33 =	vadd.f32 $1.000000000e+00, v57;
	v60 =	vpop (erf)  }
0xf4: {  	v48 =	vadd.s32 v2, v14;
	v61 =	vadd.f32 $1.000000000e+00, v60;
	v62 =	vpop (erf);
	v63 =	vsub.f32 $0.0e+00, v32  }
0xf5: {  	(erf) = vrcp.f32 v33;
	v34 =	vmul.f32 v58, v35;
	v46 =	vadd.f32 $1.000000000e+00, v62  }
0xf6: {  	v45 =	vsub.f32 $0.0e+00, v29;
	v47 =	vmul.f32 $1.442695020e+00, v63;
	(erf) = vrcp.f32 v61  }
0xf7: {  	(erf) = vrcp.f32 v46;
	v49 =	vpop (erf)  }
0xf8: {  	[tilespmem:v59+s15+$0x0] =	vst.idx.msk $0xffff, v34;
	v50 =	vmul.f32 $1.442695020e+00, v45;
	(erf) = vpow2.f32 v47;
	v51 =	vpop (erf)  }
0xf9: {  	v37 =	vld [tilespmem:s7+$0xFFFFFFE0];
	v31 =	vmul.f32 v49, v31;
	v52 =	vpop (erf);
	v53 =	vadd.f32 $1.000000000e+00, v51  }
0xfa: {  	(erf) = vpow2.f32 v50;
	v54 =	vadd.f32 $1.000000000e+00, v52  }
0xfb: {  	[tilespmem:v48+s15+$0x0] =	vst.idx.msk $0xffff, v31;
	(erf) = vrcp.f32 v53  }
0xfc: {  	v31 =	vld [tilespmem:s1+$0x30];
	(erf) = vrcp.f32 v54;
	_ =	sdelay $0x1  }
0xfd: {  	v55 =	vsub.f32 $0.0e+00, v37;
	v34 =	vpop (erf)  }
0xfe: {  	v56 =	vpop (erf)  }
0xff: {  	v57 =	vadd.s32 v1, v23;
	v33 =	vmul.f32 $1.442695020e+00, v55;
	v58 =	vpop (erf)  }
0x100: {  	v59 =	vadd.s32 v2, v11;
	v43 =	vpop (erf);
	v44 =	vsub.f32 $0.0e+00, v31  }
0x101: {  	(erf) = vpow2.f32 v33;
	v60 =	vadd.f32 $1.000000000e+00, v43  }
0x102: {  	v61 =	vadd.s32 v1, v24;
	v40 =	vmul.f32 v58, v40;
	v62 =	vmul.f32 $1.442695020e+00, v44;
	v63 =	vpop (erf)  }
0x103: {  	v35 =	vmul.f32 v56, v38;
	(erf) = vrcp.f32 v60;
	v33 =	vpop (erf)  }
0x104: {  	[tilespmem:v57+s15+$0x0] =	vst.idx.msk $0xffff, v40;
	(erf) = vpow2.f32 v62;
	v47 =	vpop (erf)  }
0x105: {  	[tilespmem:v59+s15+$0x0] =	vst.idx.msk $0xffff, v35;
	v35 =	vld [tilespmem:s8+$0x20];
	v36 =	vmul.f32 v47, v36  }
0x106: {  	v38 =	vld [tilespmem:s1+$0xFFFFFFF0]  }
0x107: {  	[tilespmem:v61+s15+$0x0] =	vst.idx.msk $0xffff, v36  }
0x108: {  	v36 =	vld [tilespmem:s8+$0xFFFFFFE0];
	_ =	sdelay $0x1  }
0x109: {  	v48 =	vadd.f32 $1.000000000e+00, v63;
	v49 =	vpop (erf);
	v50 =	vsub.f32 $0.0e+00, v35  }
0x10a: {  	v51 =	vsub.f32 $0.0e+00, v38;
	v40 =	vadd.f32 $1.000000000e+00, v49  }
0x10b: {  	v53 =	vadd.s32 v2, v18;
	(erf) = vrcp.f32 v48;
	v52 =	vmul.f32 $1.442695020e+00, v50;
	v54 =	vpop (erf)  }
0x10c: {  	v55 =	vmul.f32 $1.442695020e+00, v51;
	(erf) = vrcp.f32 v40;
	v56 =	vpop (erf);
	v57 =	vsub.f32 $0.0e+00, v36  }
0x10d: {  	(erf) = vpow2.f32 v52;
	v32 =	vmul.f32 v54, v32;
	v58 =	vadd.f32 $1.000000000e+00, v56  }
0x10e: {  	(erf) = vpow2.f32 v55;
	v59 =	vmul.f32 $1.442695020e+00, v57  }
0x10f: {  	(erf) = vrcp.f32 v58  }
0x110: {  	[tilespmem:v53+s15+$0x0] =	vst.idx.msk $0xffff, v32;
	(erf) = vpow2.f32 v59  }
0x111: {  	v32 =	vld [tilespmem:s7+$0x30];
	_ =	sdelay $0x2  }
0x112: {  	v39 =	vpop (erf)  }
0x113: {  	v60 =	vpop (erf)  }
0x114: {  	v61 =	vadd.s32 v2, v21;
	v62 =	vpop (erf);
	v63 =	vsub.f32 $0.0e+00, v32  }
0x115: {  	v42 =	vadd.f32 $1.000000000e+00, v62;
	v48 =	vpop (erf)  }
0x116: {  	v43 =	vmul.f32 $1.442695020e+00, v63;
	v45 =	vpop (erf)  }
0x117: {  	v37 =	vmul.f32 v60, v37;
	v49 =	vadd.f32 $1.000000000e+00, v48;
	(erf) = vrcp.f32 v42;
	v50 =	vpop (erf)  }
0x118: {  	(erf) = vpow2.f32 v43;
	v42 =	vadd.f32 $1.000000000e+00, v50  }
0x119: {  	[tilespmem:v61+s15+$0x0] =	vst.idx.msk $0xffff, v37;
	(erf) = vrcp.f32 v49  }
0x11a: {  	v37 =	vld [tilespmem:s7+$0xFFFFFFF0];
	(erf) = vrcp.f32 v42;
	_ =	sdelay $0x4  }
0x11b: {  	v52 =	vadd.s32 v2, v23;
	v51 =	vsub.f32 $0.0e+00, v37  }
0x11c: {  	v53 =	vpop (erf)  }
0x11d: {  	v54 =	vadd.s32 v2, v24;
	v40 =	vmul.f32 $1.442695020e+00, v51;
	v43 =	vpop (erf)  }
0x11e: {  	v35 =	vmul.f32 v53, v35;
	v42 =	vpop (erf)  }
0x11f: {  	(erf) = vpow2.f32 v40;
	v55 =	vpop (erf)  }
0x120: {  	[tilespmem:v52+s15+$0x0] =	vst.idx.msk $0xffff, v35;
	v56 =	vmul.f32 v55, v36  }
0x121: {  	v36 =	vld [tilespmem:s8+$0x30]  }
0x122: {  	[tilespmem:v54+s15+$0x0] =	vst.idx.msk $0xffff, v56  }
0x123: {  	v35 =	vld [tilespmem:s8+$0xFFFFFFF0];
	_ =	sdelay $0x2  }
0x124: {  	v57 =	vsub.f32 $0.0e+00, v36  }
0x125: {  	v58 =	vadd.f32 $1.000000000e+00, v43  }
0x126: {  	v59 =	vpop (erf);
	v40 =	vmul.f32 $1.442695020e+00, v57;
	v60 =	vsub.f32 $0.0e+00, v35  }
0x127: {  	(erf) = vrcp.f32 v58;
	v61 =	vadd.f32 $1.000000000e+00, v59  }
0x128: {  	(erf) = vpow2.f32 v40;
	v62 =	vmul.f32 $1.442695020e+00, v60  }
0x129: {  	(erf) = vrcp.f32 v61  }
0x12a: {  	(erf) = vpow2.f32 v62;
	_ =	sdelay $0x5  }
0x12b: {  	v63 =	vpop (erf)  }
0x12c: {  	v4 =	vadd.s32 v3, v4;
	v46 =	vpop (erf)  }
0x12d: {  	v5 =	vadd.s32 v3, v5;
	v47 =	vpop (erf)  }
0x12e: {  	v12 =	vmul.f32 v19, v12;
	v6 =	vadd.s32 v3, v6;
	v48 =	vadd.f32 $1.000000000e+00, v46;
	v49 =	vpop (erf)  }
0x12f: {  	v13 =	vmul.f32 v22, v13;
	v50 =	vadd.s32 v3, v7;
	v51 =	vadd.f32 $1.000000000e+00, v49  }
0x130: {  	[tilespmem:v17+s15+$0x0] =	vst.idx.msk $0xffff, v12;
	v53 =	vadd.s32 v3, v8;
	v52 =	vmul.f32 v26, v15;
	(erf) = vrcp.f32 v48  }
0x131: {  	[tilespmem:v4+s15+$0x0] =	vst.idx.msk $0xffff, v13;
	v4 =	vmul.f32 v27, v16;
	v54 =	vadd.s32 v3, v9;
	(erf) = vrcp.f32 v51  }
0x132: {  	[tilespmem:v5+s15+$0x0] =	vst.idx.msk $0xffff, v52;
	v5 =	vmul.f32 v30, v20;
	v55 =	vadd.s32 v3, v10  }
0x133: {  	[tilespmem:v6+s15+$0x0] =	vst.idx.msk $0xffff, v4;
	v4 =	vmul.f32 v34, v28;
	v56 =	vadd.s32 v3, v14  }
0x134: {  	[tilespmem:v50+s15+$0x0] =	vst.idx.msk $0xffff, v5;
	v5 =	vmul.f32 v33, v25;
	v57 =	vadd.s32 v3, v11  }
0x135: {  	s16 =	smulhi.u32 $0x4EC4EC4F, s31;
	v58 =	vadd.s32 v3, v18;
	[tilespmem:v53+s15+$0x0] =	vst.idx.msk $0xffff, v4;
	v4 =	vmul.f32 v39, v29  }
0x136: {  	v59 =	vadd.s32 v3, v21;
	[tilespmem:v54+s15+$0x0] =	vst.idx.msk $0xffff, v5;
	v5 =	vmul.f32 v45, v31  }
0x137: {  	s0 =	sshrl.u32 s16, $0x3;
	[tilespmem:v55+s15+$0x0] =	vst.idx.msk $0xffff, v4;
	v4 =	vmul.f32 v42, v38;
	v60 =	vadd.s32 v3, v23  }
0x138: {  	s25 =	smul.u32 $0x1A, s0;
	[tilespmem:v56+s15+$0x0] =	vst.idx.msk $0xffff, v5;
	v5 =	vmul.f32 v63, v32;
	v61 =	vadd.s32 v3, v24  }
0x139: {  	[tilespmem:v57+s15+$0x0] =	vst.idx.msk $0xffff, v4;
	v4 =	vmul.f32 v47, v37;
	v62 =	vpop (erf)  }
0x13a: {  	s1 =	ssub.s32 s31, s25;
	[tilespmem:v58+s15+$0x0] =	vst.idx.msk $0xffff, v5;
	v5 =	vmul.f32 v62, v36;
	v63 =	vpop (erf)  }
0x13b: {  	s0 =	sadd.s32 s5, s0;
	s1 =	sshll.u32 s1, $0x11;
	[tilespmem:v59+s15+$0x0] =	vst.idx.msk $0xffff, v4;
	v4 =	vmul.f32 v63, v35  }
0x13c: {  	s0 =	sshll.u32 s0, $0x7;
	s1 =	sadd.s32 s2, s1;
	[tilespmem:v60+s15+$0x0] =	vst.idx.msk $0xffff, v5  }
0x13d: {  	s26 =	simm.s32 $0xB400;
	s6 =	sadd.s32 s0, s1;
	[tilespmem:v61+s15+$0x0] =	vst.idx.msk $0xffff, v4  }
0x13e: {  	[hbm4b:s6+s3] =	stream.linear.scatter [tilespmem:s26], [sflag:$0x5], $0x80, $0x38;
	[tilespmem:$0x13C00] =	vst v63  }
0x13f: {  	s28 =	simm.s32 $0xB488;
	s29 =	sadd.s32 $0x10, s6  }
0x140: {  	[hbm4b:s29+s3] =	stream.linear.scatter [tilespmem:s28], [sflag:$0x5], $0x80, $0x38;
	[tilespmem:$0x13C00] =	vst v63  }
0x141: {  	s10 =	simm.s32 $0xB598;
	s9 =	sadd.s32 $0x20, s6;
	s8 =	simm.s32 $0xB510  }
0x142: {  	[hbm4b:s9+s3] =	stream.linear.scatter [tilespmem:s8], [sflag:$0x5], $0x80, $0x38;
	[tilespmem:$0x13C00] =	vst v63  }
0x143: {  	s13 =	simm.s32 $0xB620;
	s25 =	simm.s32 $0xB6A8;
	s12 =	sadd.s32 $0x30, s6  }
0x144: {  	[hbm4b:s12+s3] =	stream.linear.scatter [tilespmem:s10], [sflag:$0x5], $0x80, $0x38;
	[tilespmem:$0x13C00] =	vst v63  }
0x145: {  	s1 =	simm.s32 $0x440;
	s16 =	sadd.s32 $0x40, s6;
	s7 =	simm.s32 $0x2200  }
0x146: {  	[hbm4b:s16+s3] =	stream.linear.scatter [tilespmem:s13], [sflag:$0x5], $0x80, $0x38;
	[tilespmem:$0x13C00] =	vst v63  }
0x147: {  	s26 =	sadd.s32 $0x50, s6;
	s28 =	simm.s32 $0xB730;
	s29 =	sadd.s32 $0x60, s6  }
0x148: {  	[hbm4b:s26+s3] =	stream.linear.scatter [tilespmem:s25], [sflag:$0x5], $0x80, $0x38;
	[tilespmem:$0x13C00] =	vst v63  }
0x149: {  	s8 =	simm.s32 $0xB7B8;
	s9 =	sadd.s32 $0x70, s6;
	s6 =	sadd.s32 $0x4000, s6  }
0x14a: {  	[hbm4b:s29+s3] =	stream.linear.scatter [tilespmem:s28], [sflag:$0x5], $0x80, $0x38;
	[tilespmem:$0x13C00] =	vst v63  }
.LBB2_5:
0x14b: {  	[hbm4b:s9+s3] =	stream.linear.scatter [tilespmem:s8], [sflag:$0x5], $0x80, $0x38;
	[tilespmem:$0x13C00] =	vst v63  }
0x14c: {  	s8 =	smov.u32 s1;
	s1 =	smov.u32 s7  }
0x14d: {  	s10 =	sadd.s32 $0x1100, s7;
	s1 =	sshra.s32 s1, $0x2;
	s9 =	sadd.s32 $0xB400, s8  }
0x14e: {  	[hbm4b:s6+s3] =	stream.linear.scatter [tilespmem:s9], [sflag:$0x5], $0x80, $0x38;
	[tilespmem:$0x13C00] =	vst v63  }
0x14f: {  	p1 =	sne.s32 s7, $0x7700;
	s7 =	sadd.s32 $0xB488, s8;
	s9 =	sadd.s32 $0x10, s6  }
0x150: {  	[hbm4b:s9+s3] =	stream.linear.scatter [tilespmem:s7], [sflag:$0x5], $0x80, $0x38;
	[tilespmem:$0x13C00] =	vst v63  }
0x151: {  	s7 =	sadd.s32 $0xB510, s8;
	s9 =	sadd.s32 $0x20, s6  }
0x152: {  	[hbm4b:s9+s3] =	stream.linear.scatter [tilespmem:s7], [sflag:$0x5], $0x80, $0x38;
	[tilespmem:$0x13C00] =	vst v63  }
0x153: {  	s7 =	sadd.s32 $0xB598, s8;
	s9 =	sadd.s32 $0x30, s6  }
0x154: {  	[hbm4b:s9+s3] =	stream.linear.scatter [tilespmem:s7], [sflag:$0x5], $0x80, $0x38;
	[tilespmem:$0x13C00] =	vst v63  }
0x155: {  	s7 =	sadd.s32 $0xB620, s8;
	s9 =	sadd.s32 $0x40, s6  }
0x156: {  	[hbm4b:s9+s3] =	stream.linear.scatter [tilespmem:s7], [sflag:$0x5], $0x80, $0x38;
	[tilespmem:$0x13C00] =	vst v63  }
.Ltmp3:
0x157: {  	s7 =	sadd.s32 $0xB6A8, s8;
	s9 =	sadd.s32 $0x50, s6;
	(pc) =	sbr.rel @p1 .LBB2_5-.Ltmp3, $4  }
0x158: {  	[hbm4b:s9+s3] =	stream.linear.scatter [tilespmem:s7], [sflag:$0x5], $0x80, $0x38;
	[tilespmem:$0x13C00] =	vst v63  }
0x159: {  	s7 =	sadd.s32 $0xB730, s8;
	s9 =	sadd.s32 $0x60, s6;
	s8 =	sadd.s32 $0xB7B8, s8  }
0x15a: {  	[hbm4b:s9+s3] =	stream.linear.scatter [tilespmem:s7], [sflag:$0x5], $0x80, $0x38;
	[tilespmem:$0x13C00] =	vst v63  }
0x15b: {  	s9 =	sadd.s32 $0x70, s6;
	s6 =	sadd.s32 $0x4000, s6;
	s7 =	smov.u32 s10  }
0x15c: {  	[hbm4b:s9+s3] =	stream.linear.scatter [tilespmem:s8], [sflag:$0x5], $0x80, $0x38;
	[tilespmem:$0x13C00] =	vst v63  }
0x15d: {  	s7 =	sadd.s32 $0xB400, s1  }
0x15e: {  	[hbm4b:s6+s3] =	stream.linear.scatter [tilespmem:s7], [sflag:$0x5], $0x80, $0x38;
	[tilespmem:$0x13C00] =	vst v63  }
0x15f: {  	s8 =	sadd.s32 $0xB488, s1;
	s9 =	sadd.s32 $0x10, s6  }
0x160: {  	[hbm4b:s9+s3] =	stream.linear.scatter [tilespmem:s8], [sflag:$0x5], $0x80, $0x38;
	[tilespmem:$0x13C00] =	vst v63  }
0x161: {  	s10 =	sadd.s32 $0xB510, s1;
	s12 =	sadd.s32 $0x20, s6  }
0x162: {  	[hbm4b:s12+s3] =	stream.linear.scatter [tilespmem:s10], [sflag:$0x5], $0x80, $0x38;
	[tilespmem:$0x13C00] =	vst v63  }
0x163: {  	s13 =	sadd.s32 $0xB598, s1;
	s16 =	sadd.s32 $0x30, s6  }
0x164: {  	[hbm4b:s16+s3] =	stream.linear.scatter [tilespmem:s13], [sflag:$0x5], $0x80, $0x38;
	[tilespmem:$0x13C00] =	vst v63  }
0x165: {  	s25 =	sadd.s32 $0xB620, s1;
	s26 =	sadd.s32 $0x40, s6  }
0x166: {  	[hbm4b:s26+s3] =	stream.linear.scatter [tilespmem:s25], [sflag:$0x5], $0x80, $0x38;
	[tilespmem:$0x13C00] =	vst v63  }
0x167: {  	s7 =	sor.u32 $0x2, s31;
	s9 =	sadd.s32 $0xB6A8, s1;
	s10 =	sadd.s32 $0x50, s6  }
0x168: {  	[hbm4b:s10+s3] =	stream.linear.scatter [tilespmem:s9], [sflag:$0x5], $0x80, $0x38;
	[tilespmem:$0x13C00] =	vst v63  }
0x169: {  	s12 =	sadd.s32 $0xB730, s1;
	s13 =	sadd.s32 $0x60, s6;
	s10 =	smulhi.u32 $0x4EC4EC4F, s7  }
0x16a: {  	[hbm4b:s13+s3] =	stream.linear.scatter [tilespmem:s12], [sflag:$0x5], $0x80, $0x38;
	[tilespmem:$0x13C00] =	vst v63  }
0x16b: {  	s9 =	sshrl.u32 s10, $0x3  }
0x16c: {  	s16 =	sadd.s32 $0xB7B8, s1;
	s25 =	sadd.s32 $0x70, s6;
	s26 =	smul.u32 $0x1A, s9  }
0x16d: {  	[hbm4b:s25+s3] =	stream.linear.scatter [tilespmem:s16], [sflag:$0x5], $0x80, $0x38;
	[tilespmem:$0x13C00] =	vst v63  }
0x16e: {  	s6 =	sshll.u32 s10, $0x4;
	s8 =	ssub.s32 s7, s26  }
0x16f: {  	s1 =	sand.u32 $0x3FFFFF80, s6;
	s7 =	sshll.u32 s8, $0x9  }
0x170: {  	s10 =	simm.s32 $0x7400;
	s1 =	sadd.s32 s1, s7  }
0x171: {  	[tilespmem:s10], [sflag:$0x3] =	stream.indirect.gather [hbm4b:s4+s11], $0x40, s1, s11, $0xb8;
	[tilespmem:$0x13C00] =	vst v63  }
0x172: {  	_ =	swait.ge [sflag:s17], $0x2000  }
0x173: {  	[sflag:s17] =	ssyncset.done $0x0  }
0x174: {  	s1 =	simm.s32 @!p0 $0x6;
	[sflag:s17] =	ssyncadd.s32 $0xFFFFE000  }
0x175: {  	_ =	swait.ge @!p0 [sflag:s1], $0x2000  }
0x176: {  	[sflag:s1] =	ssyncset.done @!p0 $0x0  }
0x177: {  	s25 =	simm.s32 $0x5440;
	[sflag:s1] =	ssyncadd.s32 @!p0 $0xFFFFE000  }
0x178: {  	v4 =	vld [tilespmem:s25+$0x0];
	_ =	sdelay $0x4  }
0x179: {  	v5 =	vsub.f32 $0.0e+00, v4;
	_ =	sdelay $0x1  }
0x17a: {  	v6 =	vld [tilespmem:s25+$0xFFFFFFC0];
	v5 =	vmul.f32 $1.442695020e+00, v5;
	_ =	sdelay $0x1  }
0x17b: {  	(erf) = vpow2.f32 v5;
	_ =	sdelay $0x2  }
0x17c: {  	v5 =	vsub.f32 $0.0e+00, v6;
	_ =	sdelay $0x1  }
0x17d: {  	v5 =	vmul.f32 $1.442695020e+00, v5;
	_ =	sdelay $0x1  }
0x17e: {  	(erf) = vpow2.f32 v5;
	_ =	sdelay $0x1  }
0x17f: {  	v5 =	vpop (erf)  }
0x180: {  	v5 =	vadd.f32 $1.000000000e+00, v5  }
0x181: {  	s26 =	simm.s32 $0x54C0  }
0x182: {  	v7 =	vld [tilespmem:s26+$0x0];
	(erf) = vrcp.f32 v5;
	_ =	sdelay $0x3  }
0x183: {  	s12 =	simm.s32 $0x1;
	v5 =	vpop (erf)  }
0x184: {  	v9 =	vmov s12;
	v10 =	vld [tilespmem:s26+$0xFFFFFFC0];
	v8 =	vsub.f32 $0.0e+00, v7;
	v5 =	vadd.f32 $1.000000000e+00, v5  }
0x185: {  	v16 =	vand.u32 $0x7F, v9  }
0x186: {  	(erf) = vrcp.f32 v5;
	v5 =	vmul.f32 $1.442695020e+00, v8;
	v8 =	vadd.s32 v0, v16;
	_ =	sdelay $0x1  }
0x187: {  	v9 =	vpop (erf)  }
0x188: {  	(erf) = vpow2.f32 v5;
	v5 =	vmul.f32 v9, v4;
	v9 =	vsub.f32 $0.0e+00, v10;
	_ =	sdelay $0x1  }
0x189: {  	s13 =	simm.s32 $0x0;
	[tilespmem:v8+s18+$0x0] =	vst.idx.msk $0xffff, v5;
	v5 =	vmul.f32 $1.442695020e+00, v9  }
0x18a: {  	v4 =	vmov s13  }
0x18b: {  	v4 =	vand.u32 $0x7E, v4  }
0x18c: {  	v8 =	vadd.s32 v0, v4  }
0x18d: {  	v9 =	vld [tilespmem:s25+$0x10];
	(erf) = vpow2.f32 v5;
	v5 =	vpop (erf)  }
0x18e: {  	v5 =	vmul.f32 v5, v6;
	_ =	sdelay $0x2  }
0x18f: {  	[tilespmem:v8+s18+$0x0] =	vst.idx.msk $0xffff, v5  }
0x190: {  	v6 =	vsub.f32 $0.0e+00, v9;
	v8 =	vld [tilespmem:s25+$0xFFFFFFD0];
	v5 =	vpop (erf)  }
0x191: {  	s7 =	simm.s32 $0x5540;
	v5 =	vadd.f32 $1.000000000e+00, v5  }
0x192: {  	v11 =	vld [tilespmem:s7+$0x0];
	v6 =	vmul.f32 $1.442695020e+00, v6  }
0x193: {  	(erf) = vrcp.f32 v5  }
0x194: {  	(erf) = vpow2.f32 v6  }
0x195: {  	v6 =	vsub.f32 $0.0e+00, v8;
	v5 =	vpop (erf)  }
0x196: {  	v12 =	vld [tilespmem:s7+$0xFFFFFFC0];
	v5 =	vadd.f32 $1.000000000e+00, v5  }
0x197: {  	s16 =	simm.s32 $0x3;
	v13 =	vsub.f32 $0.0e+00, v11;
	v6 =	vmul.f32 $1.442695020e+00, v6  }
0x198: {  	v14 =	vmov s16;
	(erf) = vrcp.f32 v5  }
0x199: {  	v5 =	vand.u32 $0x7F, v14;
	(erf) = vpow2.f32 v6;
	v6 =	vmul.f32 $1.442695020e+00, v13  }
0x19a: {  	v13 =	vadd.s32 v0, v5  }
0x19b: {  	v14 =	vsub.f32 $0.0e+00, v12;
	(erf) = vpow2.f32 v6  }
0x19c: {  	s6 =	simm.s32 $0x2;
	v15 =	vpop (erf)  }
0x19d: {  	v14 =	vmul.f32 $1.442695020e+00, v14;
	v6 =	vpop (erf);
	v7 =	vmul.f32 v15, v7;
	v15 =	vmov s6  }
0x19e: {  	v17 =	vadd.f32 $1.000000000e+00, v6;
	v6 =	vand.u32 $0x7E, v15  }
0x19f: {  	(erf) = vpow2.f32 v14;
	[tilespmem:v13+s18+$0x0] =	vst.idx.msk $0xffff, v7;
	v7 =	vadd.s32 v0, v6  }
0x1a0: {  	(erf) = vrcp.f32 v17;
	v13 =	vld [tilespmem:s26+$0x10]  }
0x1a1: {  	v14 =	vpop (erf)  }
0x1a2: {  	v10 =	vmul.f32 v14, v10;
	v14 =	vpop (erf)  }
0x1a3: {  	v14 =	vadd.f32 $1.000000000e+00, v14  }
0x1a4: {  	[tilespmem:v7+s18+$0x0] =	vst.idx.msk $0xffff, v10;
	v7 =	vpop (erf)  }
0x1a5: {  	v10 =	vsub.f32 $0.0e+00, v13;
	v15 =	vld [tilespmem:s26+$0xFFFFFFD0];
	(erf) = vrcp.f32 v14;
	v7 =	vadd.f32 $1.000000000e+00, v7;
	_ =	sdelay $0x1  }
0x1a6: {  	s1 =	simm.s32 $0x55C0;
	v10 =	vmul.f32 $1.442695020e+00, v10  }
0x1a7: {  	v18 =	vld [tilespmem:s1+$0x0];
	v14 =	vadd.s32 v1, v16;
	v17 =	vpop (erf);
	(erf) = vrcp.f32 v7  }
0x1a8: {  	v7 =	vpop (erf);
	(erf) = vpow2.f32 v10  }
0x1a9: {  	v10 =	vadd.f32 $1.000000000e+00, v17;
	v7 =	vmul.f32 v7, v9;
	v9 =	vsub.f32 $0.0e+00, v15  }
0x1aa: {  	v19 =	vld [tilespmem:s1+$0xFFFFFFC0]  }
0x1ab: {  	v17 =	vadd.s32 v1, v4;
	v9 =	vmul.f32 $1.442695020e+00, v9  }
0x1ac: {  	v20 =	vsub.f32 $0.0e+00, v18;
	(erf) = vrcp.f32 v10;
	[tilespmem:v14+s18+$0x0] =	vst.idx.msk $0xffff, v7  }
0x1ad: {  	v14 =	vld [tilespmem:s25+$0x20];
	v10 =	vpop (erf);
	(erf) = vpow2.f32 v9  }
0x1ae: {  	s10 =	simm.s32 $0x5;
	v9 =	vmul.f32 $1.442695020e+00, v20;
	v8 =	vmul.f32 v10, v8  }
0x1af: {  	v21 =	vsub.f32 $0.0e+00, v19;
	v7 =	vmov s10  }
0x1b0: {  	v7 =	vand.u32 $0x7F, v7;
	v10 =	vpop (erf);
	(erf) = vpow2.f32 v9;
	[tilespmem:v17+s18+$0x0] =	vst.idx.msk $0xffff, v8  }
0x1b1: {  	v20 =	vadd.s32 v0, v7;
	v9 =	vmul.f32 $1.442695020e+00, v21;
	v10 =	vmul.f32 v10, v11;
	v11 =	vld [tilespmem:s25+$0xFFFFFFE0]  }
0x1b2: {  	v17 =	vsub.f32 $0.0e+00, v14  }
0x1b3: {  	s12 =	simm.s32 $0x4;
	(erf) = vpow2.f32 v9;
	v8 =	vpop (erf)  }
0x1b4: {  	v21 =	vadd.f32 $1.000000000e+00, v8;
	v8 =	vmov s12;
	v9 =	vmul.f32 $1.442695020e+00, v17  }
0x1b5: {  	v8 =	vand.u32 $0x7E, v8  }
0x1b6: {  	[tilespmem:v20+s18+$0x0] =	vst.idx.msk $0xffff, v10;
	(erf) = vrcp.f32 v21;
	v10 =	vadd.s32 v0, v8;
	v21 =	vsub.f32 $0.0e+00, v11  }
0x1b7: {  	v17 =	vld [tilespmem:s7+$0x10];
	(erf) = vpow2.f32 v9  }
0x1b8: {  	v9 =	vpop (erf)  }
0x1b9: {  	v20 =	vpop (erf);
	v9 =	vmul.f32 v9, v12  }
0x1ba: {  	v12 =	vadd.f32 $1.000000000e+00, v20;
	v20 =	vmul.f32 $1.442695020e+00, v21;
	v21 =	vpop (erf)  }
0x1bb: {  	[tilespmem:v10+s18+$0x0] =	vst.idx.msk $0xffff, v9;
	v9 =	vadd.f32 $1.000000000e+00, v21  }
0x1bc: {  	v22 =	vsub.f32 $0.0e+00, v17;
	v23 =	vld [tilespmem:s7+$0xFFFFFFD0]  }
0x1bd: {  	s6 =	simm.s32 $0x5640;
	(erf) = vrcp.f32 v12  }
0x1be: {  	v26 =	vld [tilespmem:s6+$0xFFFFFFC0];
	v10 =	vmul.f32 $1.442695020e+00, v22;
	v12 =	vadd.s32 v1, v5;
	(erf) = vpow2.f32 v20;
	v20 =	vpop (erf)  }
0x1bf: {  	v25 =	vld [tilespmem:s6+$0x0];
	(erf) = vrcp.f32 v9;
	v9 =	vpop (erf)  }
0x1c0: {  	(erf) = vpow2.f32 v10;
	v10 =	vadd.f32 $1.000000000e+00, v20;
	v20 =	vpop (erf)  }
0x1c1: {  	v9 =	vmul.f32 v9, v13;
	v13 =	vadd.f32 $1.000000000e+00, v20;
	v20 =	vsub.f32 $0.0e+00, v23;
	_ =	sdelay $0x1  }
0x1c2: {  	v21 =	vsub.f32 $0.0e+00, v26;
	(erf) = vrcp.f32 v10;
	[tilespmem:v12+s18+$0x0] =	vst.idx.msk $0xffff, v9;
	v12 =	vmul.f32 $1.442695020e+00, v20  }
0x1c3: {  	s13 =	simm.s32 $0x7;
	v10 =	vadd.s32 v1, v6;
	(erf) = vrcp.f32 v13;
	v13 =	vsub.f32 $0.0e+00, v25  }
0x1c4: {  	v9 =	vmov s13  }
0x1c5: {  	v27 =	vld [tilespmem:s26+$0x20];
	v9 =	vand.u32 $0x7F, v9;
	v20 =	vpop (erf);
	v13 =	vmul.f32 $1.442695020e+00, v13  }
0x1c6: {  	v22 =	vadd.s32 v0, v9;
	(erf) = vpow2.f32 v12;
	v15 =	vmul.f32 v20, v15;
	v12 =	vpop (erf)  }
0x1c7: {  	v20 =	vmul.f32 $1.442695020e+00, v21;
	v21 =	vpop (erf);
	v12 =	vadd.f32 $1.000000000e+00, v12  }
0x1c8: {  	s16 =	simm.s32 $0x6;
	(erf) = vpow2.f32 v13;
	[tilespmem:v10+s18+$0x0] =	vst.idx.msk $0xffff, v15;
	v15 =	vmul.f32 v21, v18  }
0x1c9: {  	v24 =	vmov s16;
	v13 =	vpop (erf)  }
0x1ca: {  	v28 =	vsub.f32 $0.0e+00, v27;
	(erf) = vpow2.f32 v20;
	v18 =	vld [tilespmem:s26+$0xFFFFFFE0];
	v13 =	vadd.f32 $1.000000000e+00, v13  }
0x1cb: {  	v10 =	vand.u32 $0x7E, v24;
	v21 =	vadd.s32 v2, v16;
	(erf) = vrcp.f32 v12;
	[tilespmem:v22+s18+$0x0] =	vst.idx.msk $0xffff, v15;
	v12 =	vpop (erf)  }
0x1cc: {  	v20 =	vmul.f32 $1.442695020e+00, v28;
	(erf) = vrcp.f32 v13;
	v13 =	vadd.s32 v0, v10;
	v30 =	vld [tilespmem:s1+$0x10];
	v15 =	vpop (erf)  }
0x1cd: {  	v14 =	vmul.f32 v15, v14;
	v15 =	vmul.f32 v12, v19  }
0x1ce: {  	(erf) = vpow2.f32 v20  }
0x1cf: {  	v12 =	vpop (erf);
	v19 =	vsub.f32 $0.0e+00, v18  }
0x1d0: {  	[tilespmem:v21+s18+$0x0] =	vst.idx.msk $0xffff, v14;
	v14 =	vadd.f32 $1.000000000e+00, v12  }
0x1d1: {  	[tilespmem:v13+s18+$0x0] =	vst.idx.msk $0xffff, v15;
	v13 =	vmul.f32 $1.442695020e+00, v19;
	v19 =	vsub.f32 $0.0e+00, v30;
	v15 =	vpop (erf)  }
0x1d2: {  	v12 =	vld [tilespmem:s25+$0x30];
	(erf) = vrcp.f32 v14;
	v15 =	vadd.f32 $1.000000000e+00, v15  }
0x1d3: {  	v21 =	vld [tilespmem:s1+$0xFFFFFFD0];
	(erf) = vpow2.f32 v13;
	v13 =	vmul.f32 $1.442695020e+00, v19  }
0x1d4: {  	v14 =	vadd.s32 v2, v4;
	v20 =	vpop (erf)  }
0x1d5: {  	s10 =	simm.s32 $0x56C0;
	v22 =	vpop (erf)  }
0x1d6: {  	v19 =	vadd.s32 v1, v7;
	(erf) = vrcp.f32 v15;
	v11 =	vmul.f32 v22, v11;
	v22 =	vld [tilespmem:s10+$0x0];
	v15 =	vpop (erf)  }
0x1d7: {  	v24 =	vadd.f32 $1.000000000e+00, v20;
	v20 =	vld [tilespmem:s10+$0xFFFFFFC0];
	(erf) = vpow2.f32 v13;
	v28 =	vsub.f32 $0.0e+00, v12;
	v13 =	vpop (erf)  }
0x1d8: {  	v29 =	vsub.f32 $0.0e+00, v21;
	v15 =	vmul.f32 v15, v17;
	v17 =	vadd.f32 $1.000000000e+00, v13  }
0x1d9: {  	[tilespmem:v14+s18+$0x0] =	vst.idx.msk $0xffff, v11;
	(erf) = vrcp.f32 v24;
	v11 =	vmul.f32 $1.442695020e+00, v28  }
0x1da: {  	s12 =	simm.s32 $0x8;
	(erf) = vrcp.f32 v17;
	v17 =	vmul.f32 $1.442695020e+00, v29  }
0x1db: {  	v14 =	vmov s12;
	v13 =	vld [tilespmem:s25+$0xFFFFFFF0];
	[tilespmem:v19+s18+$0x0] =	vst.idx.msk $0xffff, v15;
	v19 =	vsub.f32 $0.0e+00, v22;
	(erf) = vpow2.f32 v11  }
0x1dc: {  	s25 =	simm.s32 $0x9;
	v15 =	vadd.s32 v1, v8;
	v24 =	vld [tilespmem:s7+$0x20];
	(erf) = vpow2.f32 v17;
	v17 =	vsub.f32 $0.0e+00, v20  }
0x1dd: {  	v28 =	vpop (erf);
	v11 =	vand.u32 $0x7E, v14;
	v14 =	vmov s25;
	v19 =	vmul.f32 $1.442695020e+00, v19  }
0x1de: {  	v29 =	vpop (erf);
	v14 =	vand.u32 $0x7F, v14;
	v17 =	vmul.f32 $1.442695020e+00, v17  }
0x1df: {  	v23 =	vmul.f32 v28, v23;
	v28 =	vadd.s32 v0, v14;
	v31 =	vpop (erf);
	(erf) = vpow2.f32 v19  }
0x1e0: {  	(erf) = vpow2.f32 v17;
	v17 =	vmul.f32 v31, v25  }
0x1e1: {  	[tilespmem:v15+s18+$0x0] =	vst.idx.msk $0xffff, v23;
	v15 =	vadd.s32 v0, v11;
	v33 =	vsub.f32 $0.0e+00, v24  }
0x1e2: {  	v29 =	vadd.f32 $1.000000000e+00, v29;
	v19 =	vpop (erf)  }
0x1e3: {  	v32 =	vsub.f32 $0.0e+00, v13;
	v23 =	vld [tilespmem:s7+$0xFFFFFFE0];
	v19 =	vadd.f32 $1.000000000e+00, v19;
	v25 =	vpop (erf);
	v31 =	vmul.f32 $1.442695020e+00, v33  }
0x1e4: {  	(erf) = vrcp.f32 v29;
	v25 =	vmul.f32 v25, v26;
	[tilespmem:v28+s18+$0x0] =	vst.idx.msk $0xffff, v17;
	v17 =	vpop (erf)  }
0x1e5: {  	v61 =	vadd.s32 v2, v5;
	(erf) = vrcp.f32 v19;
	v19 =	vmul.f32 $1.442695020e+00, v32;
	v28 =	vpop (erf)  }
0x1e6: {  	v26 =	vld [tilespmem:s6+$0x10];
	[tilespmem:v15+s18+$0x0] =	vst.idx.msk $0xffff, v25;
	(erf) = vpow2.f32 v31;
	v15 =	vpop (erf)  }
0x1e7: {  	(erf) = vpow2.f32 v19;
	v19 =	vadd.f32 $1.000000000e+00, v15  }
0x1e8: {  	v17 =	vmul.f32 v17, v27;
	v27 =	vadd.f32 $1.000000000e+00, v28;
	v28 =	vsub.f32 $0.0e+00, v23;
	_ =	sdelay $0x1  }
0x1e9: {  	v25 =	vld [tilespmem:s6+$0xFFFFFFD0];
	[tilespmem:v61+s18+$0x0] =	vst.idx.msk $0xffff, v17;
	(erf) = vrcp.f32 v27;
	v17 =	vmul.f32 $1.442695020e+00, v28  }
0x1ea: {  	v15 =	vld [tilespmem:s26+$0x30];
	v27 =	vsub.f32 $0.0e+00, v26;
	(erf) = vrcp.f32 v19;
	v19 =	vpop (erf)  }
0x1eb: {  	(erf) = vpow2.f32 v17;
	v17 =	vadd.f32 $1.000000000e+00, v19  }
0x1ec: {  	v27 =	vmul.f32 $1.442695020e+00, v27  }
0x1ed: {  	v31 =	vadd.s32 v2, v6;
	v19 =	vpop (erf)  }
0x1ee: {  	v62 =	vadd.s32 v1, v9;
	v19 =	vadd.f32 $1.000000000e+00, v19;
	v28 =	vpop (erf)  }
0x1ef: {  	s12 =	simm.s32 $0xA;
	v34 =	vsub.f32 $0.0e+00, v25;
	v63 =	vsub.f32 $0.0e+00, v15;
	(erf) = vrcp.f32 v17;
	v17 =	vpop (erf)  }
0x1f0: {  	s29 =	simm.s32 $0x5740;
	v18 =	vmul.f32 v28, v18;
	v28 =	vmov s12;
	(erf) = vpow2.f32 v27;
	v27 =	vpop (erf)  }
0x1f1: {  	v29 =	vld [tilespmem:s29+$0x0];
	v32 =	vmul.f32 $1.442695020e+00, v63;
	v35 =	vmul.f32 v17, v30;
	v36 =	vadd.f32 $1.000000000e+00, v27  }
0x1f2: {  	s28 =	simm.s32 $0xC;
	[tilespmem:v31+s18+$0x0] =	vst.idx.msk $0xffff, v18;
	(erf) = vrcp.f32 v19;
	v18 =	vmul.f32 $1.442695020e+00, v34;
	v17 =	vadd.s32 v3, v16;
	v27 =	vld [tilespmem:s29+$0xFFFFFFC0];
	v19 =	vpop (erf)  }
0x1f3: {  	s13 =	simm.s32 $0xE;
	s25 =	sor.u32 $0x1, s31;
	v30 =	vadd.s32 v1, v10;
	v16 =	vld [tilespmem:s26+$0xFFFFFFF0];
	s26 =	simm.s32 $0x5740;
	[tilespmem:v62+s18+$0x0] =	vst.idx.msk $0xffff, v35;
	v31 =	vadd.f32 $1.000000000e+00, v19;
	v19 =	vpop (erf);
	(erf) = vrcp.f32 v36  }
.LBB2_7:
0x1f4: {  	p1 =	slt.u32 s13, $0x7E;
	v28 =	vand.u32 $0x7E, v28;
	v34 =	vpop (erf);
	(erf) = vpow2.f32 v32;
	v36 =	vmul.f32 v19, v12  }
0x1f5: {  	s16 =	sadd.s32 $0x1, s12;
	v33 =	vld [tilespmem:s1+$0x20];
	v19 =	vmovc v5;
	v5 =	vmovc v7;
	v7 =	vmov v9;
	v9 =	vmov v14;
	v32 =	vmov v23;
	s12 =	smov.u32 s28;
	s28 =	smov.u32 s13  }
0x1f6: {  	v23 =	vsub.f32 $0.0e+00, v29;
	v14 =	vmov s16;
	(erf) = vpow2.f32 v18;
	v18 =	vpop (erf)  }
0x1f7: {  	v37 =	vmul.f32 v34, v21;
	v35 =	vsub.f32 $0.0e+00, v27;
	v14 =	vand.u32 $0x7F, v14;
	[tilespmem:v17+s18+$0x0] =	vst.idx.msk $0xffff, v36;
	v17 =	vmovc v26  }
0x1f8: {  	v12 =	vmovc v15;
	v21 =	vmovc v25;
	v18 =	vadd.f32 $1.000000000e+00, v18;
	v23 =	vmul.f32 $1.442695020e+00, v23;
	v26 =	vadd.s32 v0, v14  }
0x1f9: {  	v15 =	vmul.f32 $1.442695020e+00, v35;
	v25 =	vpop (erf);
	[tilespmem:v30+s18+$0x0] =	vst.idx.msk $0xffff, v37;
	v30 =	vsub.f32 $0.0e+00, v16;
	(erf) = vrcp.f32 v31  }
0x1fa: {  	v31 =	vadd.s32 v0, v28;
	(erf) = vpow2.f32 v23;
	v34 =	vpop (erf);
	v23 =	vld [tilespmem:s1+$0xFFFFFFE0];
	v35 =	vsub.f32 $0.0e+00, v33  }
0x1fb: {  	v36 =	vmul.f32 v25, v22;
	v22 =	vmovc v29;
	(erf) = vpow2.f32 v15;
	v37 =	vadd.f32 $1.000000000e+00, v34  }
0x1fc: {  	v29 =	vpop (erf);
	v34 =	vmul.f32 $1.442695020e+00, v35;
	v35 =	vadd.s32 v2, v5;
	(erf) = vrcp.f32 v18  }
0x1fd: {  	v29 =	vmul.f32 v29, v20;
	[tilespmem:v26+s18+$0x0] =	vst.idx.msk $0xffff, v36;
	(erf) = vrcp.f32 v37;
	v15 =	vpop (erf);
	v20 =	vmov v27  }
0x1fe: {  	v27 =	vmul.f32 $1.442695020e+00, v30;
	v26 =	vld [tilespmem:s10+$0x10];
	(erf) = vpow2.f32 v34;
	v25 =	vpop (erf)  }
0x1ff: {  	v15 =	vmul.f32 v15, v24;
	[tilespmem:v31+s18+$0x0] =	vst.idx.msk $0xffff, v29;
	v18 =	vpop (erf);
	v29 =	vsub.f32 $0.0e+00, v23;
	v30 =	vadd.f32 $1.000000000e+00, v25  }
0x200: {  	v25 =	vld [tilespmem:s10+$0xFFFFFFD0];
	v18 =	vadd.f32 $1.000000000e+00, v18;
	(erf) = vpow2.f32 v27;
	v27 =	vadd.s32 v3, v4;
	v4 =	vmovc v6;
	v6 =	vmovc v8  }
0x201: {  	v8 =	vmovc v10;
	v10 =	vmovc v11;
	v11 =	vmov v28;
	v29 =	vmul.f32 $1.442695020e+00, v29;
	[tilespmem:v35+s18+$0x0] =	vst.idx.msk $0xffff, v15;
	(erf) = vrcp.f32 v30  }
0x202: {  	v24 =	vmov v33;
	(erf) = vrcp.f32 v18;
	v18 =	vadd.s32 v2, v6;
	v15 =	vld [tilespmem:s7+$0x30];
	v28 =	vpop (erf)  }
0x203: {  	v30 =	vpop (erf);
	v31 =	vsub.f32 $0.0e+00, v26;
	(erf) = vpow2.f32 v29;
	v28 =	vmul.f32 v28, v13  }
0x204: {  	v13 =	vmov v16;
	v29 =	vadd.f32 $1.000000000e+00, v30;
	v30 =	vpop (erf)  }
0x205: {  	v16 =	vadd.f32 $1.000000000e+00, v30;
	v36 =	vmul.f32 $1.442695020e+00, v31;
	v31 =	vadd.s32 v1, v9;
	v33 =	vpop (erf);
	[tilespmem:v27+s18+$0x0] =	vst.idx.msk $0xffff, v28  }
.Ltmp4:
0x206: {  	s29 =	sadd.s32 $0x80, s29;
	v34 =	vsub.f32 $0.0e+00, v25;
	(erf) = vrcp.f32 v29;
	v35 =	vpop (erf);
	v32 =	vmul.f32 v33, v32;
	(pc) =	sbr.rel @p1 .LBB2_7-.Ltmp4, $4  }
0x207: {  	v28 =	vmov s12;
	v29 =	vld [tilespmem:s29+$0x0];
	(erf) = vpow2.f32 v36;
	v30 =	vpop (erf);
	v33 =	vsub.f32 $0.0e+00, v15  }
0x208: {  	v35 =	vmul.f32 v35, v17;
	v17 =	vadd.s32 v3, v19;
	v27 =	vld [tilespmem:s29+$0xFFFFFFC0];
	v36 =	vadd.f32 $1.000000000e+00, v30;
	[tilespmem:v18+s18+$0x0] =	vst.idx.msk $0xffff, v32  }
0x209: {  	v30 =	vadd.s32 v1, v10;
	(erf) = vrcp.f32 v16;
	v16 =	vld [tilespmem:s7+$0xFFFFFFF0];
	v32 =	vmul.f32 $1.442695020e+00, v33;
	v19 =	vpop (erf);
	s7 =	smov.u32 s1;
	s1 =	smov.u32 s6;
	s6 =	smov.u32 s10  }
0x20a: {  	s13 =	sadd.s32 $0x2, s13;
	v18 =	vmul.f32 $1.442695020e+00, v34;
	s10 =	smov.u32 s26;
	s26 =	smov.u32 s29;
	[tilespmem:v31+s18+$0x0] =	vst.idx.msk $0xffff, v35;
	(erf) = vrcp.f32 v36;
	v31 =	vadd.f32 $1.000000000e+00, v19;
	v19 =	vpop (erf)  }
0x20b: {  	s12 =	sadd.s32 $0x1, s12  }
0x20c: {  	v33 =	vld [tilespmem:s1+$0x20];
	(erf) = vpow2.f32 v32;
	v43 =	vsub.f32 $0.0e+00, v29;
	v34 =	vmov s12  }
0x20d: {  	(erf) = vpow2.f32 v18;
	v18 =	vand.u32 $0x7F, v34  }
0x20e: {  	v44 =	vpop (erf);
	v35 =	vsub.f32 $0.0e+00, v27;
	v32 =	vmul.f32 $1.442695020e+00, v43;
	v36 =	vadd.s32 v0, v18  }
0x20f: {  	v37 =	vpop (erf);
	v21 =	vmul.f32 v44, v21;
	(erf) = vrcp.f32 v31  }
0x210: {  	v45 =	vmul.f32 $1.442695020e+00, v35;
	v46 =	vpop (erf);
	(erf) = vpow2.f32 v32  }
0x211: {  	v47 =	vadd.f32 $1.000000000e+00, v37;
	[tilespmem:v30+s18+$0x0] =	vst.idx.msk $0xffff, v21;
	v48 =	vpop (erf);
	v49 =	vsub.f32 $0.0e+00, v33;
	v22 =	vmul.f32 v46, v22  }
0x212: {  	v50 =	vsub.f32 $0.0e+00, v16;
	v34 =	vld [tilespmem:s1+$0xFFFFFFE0];
	(erf) = vpow2.f32 v45;
	v21 =	vadd.f32 $1.000000000e+00, v48  }
0x213: {  	v30 =	vmul.f32 $1.442695020e+00, v49;
	(erf) = vrcp.f32 v47;
	[tilespmem:v36+s18+$0x0] =	vst.idx.msk $0xffff, v22  }
0x214: {  	v51 =	vpop (erf);
	(erf) = vrcp.f32 v21;
	v22 =	vmul.f32 $1.442695020e+00, v50;
	v32 =	vld [tilespmem:s10+$0x10]  }
0x215: {  	v52 =	vadd.s32 v2, v7;
	v21 =	vand.u32 $0x7E, v28;
	v53 =	vpop (erf);
	(erf) = vpow2.f32 v30  }
0x216: {  	v54 =	vadd.s32 v0, v21;
	v55 =	vpop (erf)  }
0x217: {  	v20 =	vmul.f32 v51, v20;
	v57 =	vsub.f32 $0.0e+00, v34;
	v56 =	vpop (erf);
	v36 =	vadd.f32 $1.000000000e+00, v55  }
0x218: {  	v24 =	vmul.f32 v53, v24;
	(erf) = vpow2.f32 v22;
	v31 =	vadd.f32 $1.000000000e+00, v56;
	v22 =	vpop (erf)  }
0x219: {  	v58 =	vmul.f32 $1.442695020e+00, v57;
	(erf) = vrcp.f32 v36;
	v59 =	vpop (erf);
	v60 =	vsub.f32 $0.0e+00, v32  }
0x21a: {  	[tilespmem:v52+s18+$0x0] =	vst.idx.msk $0xffff, v24;
	(erf) = vrcp.f32 v31;
	v61 =	vadd.f32 $1.000000000e+00, v59  }
0x21b: {  	v40 =	vadd.s32 v1, v14;
	[tilespmem:v54+s18+$0x0] =	vst.idx.msk $0xffff, v20;
	v20 =	vld [tilespmem:s7+$0x30];
	(erf) = vpow2.f32 v58;
	v62 =	vpop (erf);
	v63 =	vmul.f32 $1.442695020e+00, v60  }
0x21c: {  	v35 =	vld [tilespmem:s10+$0xFFFFFFD0];
	v41 =	vpop (erf);
	(erf) = vrcp.f32 v61  }
0x21d: {  	v42 =	vpop (erf);
	(erf) = vpow2.f32 v63  }
0x21e: {  	v28 =	vadd.f32 $1.000000000e+00, v62;
	v43 =	vpop (erf);
	v24 =	vmul.f32 v42, v26  }
0x21f: {  	v44 =	vadd.f32 $1.000000000e+00, v43  }
0x220: {  	v45 =	vadd.s32 v2, v8;
	v46 =	vsub.f32 $0.0e+00, v20;
	(erf) = vrcp.f32 v28;
	[tilespmem:v40+s18+$0x0] =	vst.idx.msk $0xffff, v24  }
0x221: {  	s16 =	sadd.s32 $0x1, s28;
	v48 =	vpop (erf);
	v47 =	vsub.f32 $0.0e+00, v35;
	(erf) = vrcp.f32 v44;
	v31 =	vld [tilespmem:s6+$0x20]  }
0x222: {  	v38 =	vadd.s32 v1, v11;
	v49 =	vmov s16;
	v37 =	vmul.f32 $1.442695020e+00, v46;
	v26 =	vpop (erf)  }
0x223: {  	v36 =	vmul.f32 v41, v23;
	v23 =	vand.u32 $0x7F, v49;
	v39 =	vmul.f32 $1.442695020e+00, v47;
	v40 =	vpop (erf)  }
0x224: {  	v50 =	vmov s28;
	v41 =	vadd.s32 v0, v23;
	(erf) = vpow2.f32 v37;
	v51 =	vpop (erf)  }
0x225: {  	v59 =	vadd.s32 v2, v9;
	[tilespmem:v45+s18+$0x0] =	vst.idx.msk $0xffff, v36;
	v52 =	vadd.f32 $1.000000000e+00, v48;
	(erf) = vpow2.f32 v39;
	v53 =	vpop (erf)  }
0x226: {  	v28 =	vld [tilespmem:s7+$0xFFFFFFF0];
	v25 =	vmul.f32 v40, v25;
	v37 =	vadd.f32 $1.000000000e+00, v51;
	v55 =	vsub.f32 $0.0e+00, v31;
	v54 =	vpop (erf)  }
0x227: {  	(erf) = vrcp.f32 v52;
	v56 =	vmul.f32 v53, v29;
	v57 =	vadd.f32 $1.000000000e+00, v54  }
0x228: {  	v24 =	vand.u32 $0x7E, v50;
	[tilespmem:v38+s18+$0x0] =	vst.idx.msk $0xffff, v25;
	(erf) = vrcp.f32 v37;
	v58 =	vmul.f32 $1.442695020e+00, v55  }
0x229: {  	v60 =	vadd.s32 v0, v24;
	v38 =	vld [tilespmem:s6+$0xFFFFFFE0];
	v61 =	vpop (erf);
	[tilespmem:v41+s18+$0x0] =	vst.idx.msk $0xffff, v56;
	(erf) = vrcp.f32 v57  }
0x22a: {  	v62 =	vpop (erf);
	v40 =	vld [tilespmem:s26+$0x10];
	(erf) = vpow2.f32 v58  }
0x22b: {  	v63 =	vsub.f32 $0.0e+00, v28;
	v29 =	vmul.f32 v62, v33  }
0x22c: {  	v39 =	vmul.f32 v61, v27  }
0x22d: {  	v41 =	vmul.f32 $1.442695020e+00, v63;
	v42 =	vpop (erf);
	[tilespmem:v59+s18+$0x0] =	vst.idx.msk $0xffff, v29  }
0x22e: {  	[tilespmem:v60+s18+$0x0] =	vst.idx.msk $0xffff, v39;
	v44 =	vsub.f32 $0.0e+00, v38;
	v43 =	vpop (erf);
	v45 =	vadd.f32 $1.000000000e+00, v42;
	v25 =	vld [tilespmem:s1+$0x30]  }
0x22f: {  	v36 =	vld [tilespmem:s26+$0xFFFFFFD0];
	(erf) = vpow2.f32 v41;
	v46 =	vadd.f32 $1.000000000e+00, v43;
	v47 =	vsub.f32 $0.0e+00, v40  }
0x230: {  	v29 =	vmul.f32 $1.442695020e+00, v44;
	v27 =	vpop (erf);
	(erf) = vrcp.f32 v45  }
0x231: {  	v48 =	vadd.s32 v1, v18;
	(erf) = vrcp.f32 v46;
	v49 =	vpop (erf);
	v30 =	vmul.f32 $1.442695020e+00, v47  }
0x232: {  	(erf) = vpow2.f32 v29;
	v51 =	vpop (erf)  }
0x233: {  	v50 =	vadd.s32 v2, v10;
	(erf) = vpow2.f32 v30;
	v53 =	vsub.f32 $0.0e+00, v25;
	v52 =	vpop (erf)  }
0x234: {  	v42 =	vsub.f32 $0.0e+00, v36;
	v29 =	vmul.f32 v51, v32;
	v30 =	vadd.f32 $1.000000000e+00, v52  }
0x235: {  	v54 =	vmul.f32 v49, v34;
	v55 =	vmul.f32 $1.442695020e+00, v53  }
0x236: {  	v56 =	vmul.f32 $1.442695020e+00, v42;
	[tilespmem:v48+s18+$0x0] =	vst.idx.msk $0xffff, v29;
	(erf) = vrcp.f32 v30  }
0x237: {  	v32 =	vld [tilespmem:s10+$0x20];
	(erf) = vpow2.f32 v55  }
0x238: {  	[tilespmem:v50+s18+$0x0] =	vst.idx.msk $0xffff, v54;
	v57 =	vpop (erf);
	(erf) = vpow2.f32 v56  }
0x239: {  	v29 =	vld [tilespmem:s1+$0xFFFFFFF0];
	v30 =	vpop (erf)  }
0x23a: {  	v58 =	vpop (erf)  }
0x23b: {  	v59 =	vadd.s32 v1, v21;
	v33 =	vadd.f32 $1.000000000e+00, v57;
	v60 =	vpop (erf)  }
0x23c: {  	v48 =	vadd.s32 v2, v14;
	v61 =	vadd.f32 $1.000000000e+00, v60;
	v62 =	vpop (erf);
	v63 =	vsub.f32 $0.0e+00, v32  }
0x23d: {  	(erf) = vrcp.f32 v33;
	v34 =	vmul.f32 v58, v35;
	v46 =	vadd.f32 $1.000000000e+00, v62  }
0x23e: {  	v45 =	vsub.f32 $0.0e+00, v29;
	v47 =	vmul.f32 $1.442695020e+00, v63;
	(erf) = vrcp.f32 v61  }
0x23f: {  	(erf) = vrcp.f32 v46;
	v49 =	vpop (erf)  }
0x240: {  	[tilespmem:v59+s18+$0x0] =	vst.idx.msk $0xffff, v34;
	v50 =	vmul.f32 $1.442695020e+00, v45;
	(erf) = vpow2.f32 v47;
	v51 =	vpop (erf)  }
0x241: {  	v37 =	vld [tilespmem:s10+$0xFFFFFFE0];
	v31 =	vmul.f32 v49, v31;
	v52 =	vpop (erf);
	v53 =	vadd.f32 $1.000000000e+00, v51  }
0x242: {  	(erf) = vpow2.f32 v50;
	v54 =	vadd.f32 $1.000000000e+00, v52  }
0x243: {  	[tilespmem:v48+s18+$0x0] =	vst.idx.msk $0xffff, v31;
	(erf) = vrcp.f32 v53  }
0x244: {  	v31 =	vld [tilespmem:s6+$0x30];
	(erf) = vrcp.f32 v54;
	_ =	sdelay $0x1  }
0x245: {  	v55 =	vsub.f32 $0.0e+00, v37;
	v34 =	vpop (erf)  }
0x246: {  	v56 =	vpop (erf)  }
0x247: {  	v57 =	vadd.s32 v1, v23;
	v33 =	vmul.f32 $1.442695020e+00, v55;
	v58 =	vpop (erf)  }
0x248: {  	v59 =	vadd.s32 v2, v11;
	v43 =	vpop (erf);
	v44 =	vsub.f32 $0.0e+00, v31  }
0x249: {  	(erf) = vpow2.f32 v33;
	v60 =	vadd.f32 $1.000000000e+00, v43  }
0x24a: {  	v61 =	vadd.s32 v1, v24;
	v40 =	vmul.f32 v58, v40;
	v62 =	vmul.f32 $1.442695020e+00, v44;
	v63 =	vpop (erf)  }
0x24b: {  	v35 =	vmul.f32 v56, v38;
	(erf) = vrcp.f32 v60;
	v33 =	vpop (erf)  }
0x24c: {  	[tilespmem:v57+s18+$0x0] =	vst.idx.msk $0xffff, v40;
	(erf) = vpow2.f32 v62;
	v47 =	vpop (erf)  }
0x24d: {  	[tilespmem:v59+s18+$0x0] =	vst.idx.msk $0xffff, v35;
	v35 =	vld [tilespmem:s26+$0x20];
	v36 =	vmul.f32 v47, v36  }
0x24e: {  	v38 =	vld [tilespmem:s6+$0xFFFFFFF0]  }
0x24f: {  	[tilespmem:v61+s18+$0x0] =	vst.idx.msk $0xffff, v36  }
0x250: {  	v36 =	vld [tilespmem:s26+$0xFFFFFFE0];
	_ =	sdelay $0x1  }
0x251: {  	v48 =	vadd.f32 $1.000000000e+00, v63;
	v49 =	vpop (erf);
	v50 =	vsub.f32 $0.0e+00, v35  }
0x252: {  	v51 =	vsub.f32 $0.0e+00, v38;
	v40 =	vadd.f32 $1.000000000e+00, v49  }
0x253: {  	v53 =	vadd.s32 v2, v18;
	(erf) = vrcp.f32 v48;
	v52 =	vmul.f32 $1.442695020e+00, v50;
	v54 =	vpop (erf)  }
0x254: {  	v55 =	vmul.f32 $1.442695020e+00, v51;
	(erf) = vrcp.f32 v40;
	v56 =	vpop (erf);
	v57 =	vsub.f32 $0.0e+00, v36  }
0x255: {  	(erf) = vpow2.f32 v52;
	v32 =	vmul.f32 v54, v32;
	v58 =	vadd.f32 $1.000000000e+00, v56  }
0x256: {  	(erf) = vpow2.f32 v55;
	v59 =	vmul.f32 $1.442695020e+00, v57  }
0x257: {  	(erf) = vrcp.f32 v58  }
0x258: {  	[tilespmem:v53+s18+$0x0] =	vst.idx.msk $0xffff, v32;
	(erf) = vpow2.f32 v59  }
0x259: {  	v32 =	vld [tilespmem:s10+$0x30];
	_ =	sdelay $0x2  }
0x25a: {  	v39 =	vpop (erf)  }
0x25b: {  	v60 =	vpop (erf)  }
0x25c: {  	v61 =	vadd.s32 v2, v21;
	v62 =	vpop (erf);
	v63 =	vsub.f32 $0.0e+00, v32  }
0x25d: {  	v42 =	vadd.f32 $1.000000000e+00, v62;
	v48 =	vpop (erf)  }
0x25e: {  	v43 =	vmul.f32 $1.442695020e+00, v63;
	v45 =	vpop (erf)  }
0x25f: {  	v37 =	vmul.f32 v60, v37;
	v49 =	vadd.f32 $1.000000000e+00, v48;
	(erf) = vrcp.f32 v42;
	v50 =	vpop (erf)  }
0x260: {  	(erf) = vpow2.f32 v43;
	v42 =	vadd.f32 $1.000000000e+00, v50  }
0x261: {  	[tilespmem:v61+s18+$0x0] =	vst.idx.msk $0xffff, v37;
	(erf) = vrcp.f32 v49  }
0x262: {  	v37 =	vld [tilespmem:s10+$0xFFFFFFF0];
	(erf) = vrcp.f32 v42;
	_ =	sdelay $0x4  }
0x263: {  	v52 =	vadd.s32 v2, v23;
	v51 =	vsub.f32 $0.0e+00, v37  }
0x264: {  	v53 =	vpop (erf)  }
0x265: {  	v54 =	vadd.s32 v2, v24;
	v40 =	vmul.f32 $1.442695020e+00, v51;
	v43 =	vpop (erf)  }
0x266: {  	v35 =	vmul.f32 v53, v35;
	v42 =	vpop (erf)  }
0x267: {  	(erf) = vpow2.f32 v40;
	v55 =	vpop (erf)  }
0x268: {  	[tilespmem:v52+s18+$0x0] =	vst.idx.msk $0xffff, v35;
	v56 =	vmul.f32 v55, v36  }
0x269: {  	v36 =	vld [tilespmem:s26+$0x30]  }
0x26a: {  	[tilespmem:v54+s18+$0x0] =	vst.idx.msk $0xffff, v56  }
0x26b: {  	v35 =	vld [tilespmem:s26+$0xFFFFFFF0];
	_ =	sdelay $0x2  }
0x26c: {  	v57 =	vsub.f32 $0.0e+00, v36  }
0x26d: {  	v58 =	vadd.f32 $1.000000000e+00, v43  }
0x26e: {  	v59 =	vpop (erf);
	v40 =	vmul.f32 $1.442695020e+00, v57;
	v60 =	vsub.f32 $0.0e+00, v35  }
0x26f: {  	(erf) = vrcp.f32 v58;
	v61 =	vadd.f32 $1.000000000e+00, v59  }
0x270: {  	(erf) = vpow2.f32 v40;
	v62 =	vmul.f32 $1.442695020e+00, v60  }
0x271: {  	(erf) = vrcp.f32 v61  }
0x272: {  	(erf) = vpow2.f32 v62;
	_ =	sdelay $0x5  }
0x273: {  	v63 =	vpop (erf)  }
0x274: {  	v4 =	vadd.s32 v3, v4;
	v46 =	vpop (erf)  }
0x275: {  	v5 =	vadd.s32 v3, v5;
	v47 =	vpop (erf)  }
0x276: {  	v12 =	vmul.f32 v19, v12;
	v6 =	vadd.s32 v3, v6;
	v48 =	vadd.f32 $1.000000000e+00, v46;
	v49 =	vpop (erf)  }
0x277: {  	v13 =	vmul.f32 v22, v13;
	v50 =	vadd.s32 v3, v7;
	v51 =	vadd.f32 $1.000000000e+00, v49  }
0x278: {  	[tilespmem:v17+s18+$0x0] =	vst.idx.msk $0xffff, v12;
	v53 =	vadd.s32 v3, v8;
	v52 =	vmul.f32 v26, v15;
	(erf) = vrcp.f32 v48  }
0x279: {  	[tilespmem:v4+s18+$0x0] =	vst.idx.msk $0xffff, v13;
	v4 =	vmul.f32 v27, v16;
	v54 =	vadd.s32 v3, v9;
	(erf) = vrcp.f32 v51  }
0x27a: {  	[tilespmem:v5+s18+$0x0] =	vst.idx.msk $0xffff, v52;
	v5 =	vmul.f32 v30, v20;
	v55 =	vadd.s32 v3, v10  }
0x27b: {  	[tilespmem:v6+s18+$0x0] =	vst.idx.msk $0xffff, v4;
	v4 =	vmul.f32 v34, v28;
	v56 =	vadd.s32 v3, v14  }
0x27c: {  	[tilespmem:v50+s18+$0x0] =	vst.idx.msk $0xffff, v5;
	v5 =	vmul.f32 v33, v25;
	v57 =	vadd.s32 v3, v11  }
0x27d: {  	v58 =	vadd.s32 v3, v18;
	[tilespmem:v53+s18+$0x0] =	vst.idx.msk $0xffff, v4;
	v4 =	vmul.f32 v39, v29  }
0x27e: {  	s26 =	smulhi.u32 $0x4EC4EC4F, s25;
	v59 =	vadd.s32 v3, v21;
	[tilespmem:v54+s18+$0x0] =	vst.idx.msk $0xffff, v5;
	v5 =	vmul.f32 v45, v31  }
0x27f: {  	[tilespmem:v55+s18+$0x0] =	vst.idx.msk $0xffff, v4;
	v4 =	vmul.f32 v42, v38;
	v60 =	vadd.s32 v3, v23  }
0x280: {  	s1 =	sshrl.u32 s26, $0x3;
	[tilespmem:v56+s18+$0x0] =	vst.idx.msk $0xffff, v5;
	v5 =	vmul.f32 v63, v32;
	v61 =	vadd.s32 v3, v24  }
0x281: {  	s1 =	smul.u32 $0x1A, s1;
	[tilespmem:v57+s18+$0x0] =	vst.idx.msk $0xffff, v4;
	v4 =	vmul.f32 v47, v37;
	v62 =	vpop (erf)  }
0x282: {  	[tilespmem:v58+s18+$0x0] =	vst.idx.msk $0xffff, v5;
	v5 =	vmul.f32 v62, v36;
	v63 =	vpop (erf)  }
0x283: {  	s1 =	ssub.s32 s25, s1;
	[tilespmem:v59+s18+$0x0] =	vst.idx.msk $0xffff, v4;
	v4 =	vmul.f32 v63, v35  }
0x284: {  	s0 =	sadd.s32 s2, s0;
	s1 =	sshll.u32 s1, $0x11;
	[tilespmem:v60+s18+$0x0] =	vst.idx.msk $0xffff, v5  }
0x285: {  	s28 =	simm.s32 $0xD600;
	s6 =	sadd.s32 s1, s0;
	[tilespmem:v61+s18+$0x0] =	vst.idx.msk $0xffff, v4  }
0x286: {  	[hbm4b:s6+s3] =	stream.linear.scatter [tilespmem:s28], [sflag:$0x6], $0x80, $0x38;
	[tilespmem:$0x13C00] =	vst v63  }
0x287: {  	s29 =	simm.s32 $0xD688;
	s1 =	sadd.s32 $0x10, s6  }
0x288: {  	[hbm4b:s1+s3] =	stream.linear.scatter [tilespmem:s29], [sflag:$0x6], $0x80, $0x38;
	[tilespmem:$0x13C00] =	vst v63  }
0x289: {  	s13 =	simm.s32 $0xD820;
	s7 =	sadd.s32 $0x20, s6;
	s1 =	simm.s32 $0xD710  }
0x28a: {  	[hbm4b:s7+s3] =	stream.linear.scatter [tilespmem:s1], [sflag:$0x6], $0x80, $0x38;
	[tilespmem:$0x13C00] =	vst v63  }
0x28b: {  	s10 =	simm.s32 $0xD798;
	s25 =	simm.s32 $0xD8A8;
	s12 =	sadd.s32 $0x30, s6  }
0x28c: {  	[hbm4b:s12+s3] =	stream.linear.scatter [tilespmem:s10], [sflag:$0x6], $0x80, $0x38;
	[tilespmem:$0x13C00] =	vst v63  }
0x28d: {  	s0 =	simm.s32 $0x2200;
	s16 =	sadd.s32 $0x40, s6;
	s26 =	sadd.s32 $0x50, s6  }
0x28e: {  	[hbm4b:s16+s3] =	stream.linear.scatter [tilespmem:s13], [sflag:$0x6], $0x80, $0x38;
	[tilespmem:$0x13C00] =	vst v63  }
0x28f: {  	s28 =	simm.s32 $0xD930;
	s29 =	sadd.s32 $0x60, s6;
	s1 =	simm.s32 $0x440  }
0x290: {  	[hbm4b:s26+s3] =	stream.linear.scatter [tilespmem:s25], [sflag:$0x6], $0x80, $0x38;
	[tilespmem:$0x13C00] =	vst v63  }
0x291: {  	s7 =	simm.s32 $0xD9B8;
	s10 =	sadd.s32 $0x70, s6;
	s6 =	sadd.s32 $0x4000, s6  }
0x292: {  	[hbm4b:s29+s3] =	stream.linear.scatter [tilespmem:s28], [sflag:$0x6], $0x80, $0x38;
	[tilespmem:$0x13C00] =	vst v63  }
.LBB2_9:
0x293: {  	[hbm4b:s10+s3] =	stream.linear.scatter [tilespmem:s7], [sflag:$0x6], $0x80, $0x38;
	[tilespmem:$0x13C00] =	vst v63  }
0x294: {  	s7 =	smov.u32 s1;
	s1 =	smov.u32 s0  }
0x295: {  	s12 =	sadd.s32 $0x1100, s0;
	s1 =	sshra.s32 s1, $0x2;
	s10 =	sadd.s32 $0xD600, s7  }
0x296: {  	[hbm4b:s6+s3] =	stream.linear.scatter [tilespmem:s10], [sflag:$0x6], $0x80, $0x38;
	[tilespmem:$0x13C00] =	vst v63  }
0x297: {  	p1 =	sne.s32 s0, $0x7700;
	s0 =	sadd.s32 $0xD688, s7;
	s10 =	sadd.s32 $0x10, s6  }
0x298: {  	[hbm4b:s10+s3] =	stream.linear.scatter [tilespmem:s0], [sflag:$0x6], $0x80, $0x38;
	[tilespmem:$0x13C00] =	vst v63  }
0x299: {  	s0 =	sadd.s32 $0xD710, s7;
	s10 =	sadd.s32 $0x20, s6  }
0x29a: {  	[hbm4b:s10+s3] =	stream.linear.scatter [tilespmem:s0], [sflag:$0x6], $0x80, $0x38;
	[tilespmem:$0x13C00] =	vst v63  }
0x29b: {  	s0 =	sadd.s32 $0xD798, s7;
	s10 =	sadd.s32 $0x30, s6  }
0x29c: {  	[hbm4b:s10+s3] =	stream.linear.scatter [tilespmem:s0], [sflag:$0x6], $0x80, $0x38;
	[tilespmem:$0x13C00] =	vst v63  }
0x29d: {  	s0 =	sadd.s32 $0xD820, s7;
	s10 =	sadd.s32 $0x40, s6  }
0x29e: {  	[hbm4b:s10+s3] =	stream.linear.scatter [tilespmem:s0], [sflag:$0x6], $0x80, $0x38;
	[tilespmem:$0x13C00] =	vst v63  }
.Ltmp5:
0x29f: {  	s0 =	sadd.s32 $0xD8A8, s7;
	s10 =	sadd.s32 $0x50, s6;
	(pc) =	sbr.rel @p1 .LBB2_9-.Ltmp5, $4  }
0x2a0: {  	[hbm4b:s10+s3] =	stream.linear.scatter [tilespmem:s0], [sflag:$0x6], $0x80, $0x38;
	[tilespmem:$0x13C00] =	vst v63  }
0x2a1: {  	s0 =	sadd.s32 $0xD930, s7;
	s10 =	sadd.s32 $0x60, s6;
	s7 =	sadd.s32 $0xD9B8, s7  }
0x2a2: {  	[hbm4b:s10+s3] =	stream.linear.scatter [tilespmem:s0], [sflag:$0x6], $0x80, $0x38;
	[tilespmem:$0x13C00] =	vst v63  }
0x2a3: {  	s10 =	sadd.s32 $0x70, s6;
	s6 =	sadd.s32 $0x4000, s6;
	s0 =	smov.u32 s12  }
0x2a4: {  	[hbm4b:s10+s3] =	stream.linear.scatter [tilespmem:s7], [sflag:$0x6], $0x80, $0x38;
	[tilespmem:$0x13C00] =	vst v63  }
0x2a5: {  	s0 =	sadd.s32 $0xD600, s1  }
0x2a6: {  	[hbm4b:s6+s3] =	stream.linear.scatter [tilespmem:s0], [sflag:$0x6], $0x80, $0x38;
	[tilespmem:$0x13C00] =	vst v63  }
0x2a7: {  	s13 =	sadd.s32 $0xD688, s1;
	s16 =	sadd.s32 $0x10, s6  }
0x2a8: {  	[hbm4b:s16+s3] =	stream.linear.scatter [tilespmem:s13], [sflag:$0x6], $0x80, $0x38;
	[tilespmem:$0x13C00] =	vst v63  }
0x2a9: {  	s25 =	sadd.s32 $0xD710, s1;
	s26 =	sadd.s32 $0x20, s6  }
0x2aa: {  	[hbm4b:s26+s3] =	stream.linear.scatter [tilespmem:s25], [sflag:$0x6], $0x80, $0x38;
	[tilespmem:$0x13C00] =	vst v63  }
0x2ab: {  	s10 =	sadd.s32 $0xD798, s1;
	s12 =	sadd.s32 $0x30, s6;
	s7 =	sor.u32 $0x3, s31  }
0x2ac: {  	[hbm4b:s12+s3] =	stream.linear.scatter [tilespmem:s10], [sflag:$0x6], $0x80, $0x38;
	[tilespmem:$0x13C00] =	vst v63  }
0x2ad: {  	s13 =	sadd.s32 $0xD820, s1;
	s16 =	sadd.s32 $0x40, s6;
	s12 =	smulhi.u32 $0x4EC4EC4F, s7  }
0x2ae: {  	[hbm4b:s16+s3] =	stream.linear.scatter [tilespmem:s13], [sflag:$0x6], $0x80, $0x38;
	[tilespmem:$0x13C00] =	vst v63  }
0x2af: {  	s25 =	sadd.s32 $0xD8A8, s1;
	s26 =	sadd.s32 $0x50, s6;
	s0 =	sshrl.u32 s12, $0x3  }
0x2b0: {  	[hbm4b:s26+s3] =	stream.linear.scatter [tilespmem:s25], [sflag:$0x6], $0x80, $0x38;
	[tilespmem:$0x13C00] =	vst v63  }
0x2b1: {  	s10 =	sadd.s32 $0xD930, s1;
	s13 =	sadd.s32 $0x60, s6;
	s26 =	smul.u32 $0x1A, s0  }
0x2b2: {  	[hbm4b:s13+s3] =	stream.linear.scatter [tilespmem:s10], [sflag:$0x6], $0x80, $0x38;
	[tilespmem:$0x13C00] =	vst v63  }
0x2b3: {  	s16 =	sadd.s32 $0xD9B8, s1;
	s12 =	sshll.u32 s12, $0x4;
	s1 =	ssub.s32 s7, s26  }
0x2b4: {  	s25 =	sadd.s32 $0x70, s6;
	s6 =	sand.u32 $0x3FFFFF80, s12;
	s7 =	sshll.u32 s1, $0x9  }
0x2b5: {  	[hbm4b:s25+s3] =	stream.linear.scatter [tilespmem:s16], [sflag:$0x6], $0x80, $0x38;
	[tilespmem:$0x13C00] =	vst v63  }
0x2b6: {  	s6 =	sadd.s32 s6, s7  }
0x2b7: {  	[tilespmem:s19], [sflag:$0x4] =	stream.indirect.gather [hbm4b:s4+s11], $0x40, s6, s11, $0xb8;
	[tilespmem:$0x13C00] =	vst v63  }
0x2b8: {  	_ =	swait.ge [sflag:s20], $0x2000  }
0x2b9: {  	[sflag:s20] =	ssyncset.done $0x0  }
0x2ba: {  	s6 =	simm.s32 @!p0 $0x7;
	[sflag:s20] =	ssyncadd.s32 $0xFFFFE000  }
0x2bb: {  	_ =	swait.ge @!p0 [sflag:s6], $0x2000  }
0x2bc: {  	[sflag:s6] =	ssyncset.done @!p0 $0x0  }
0x2bd: {  	s28 =	simm.s32 $0x7440;
	[sflag:s6] =	ssyncadd.s32 @!p0 $0xFFFFE000  }
0x2be: {  	v4 =	vld [tilespmem:s28+$0x0];
	_ =	sdelay $0x4  }
0x2bf: {  	v5 =	vsub.f32 $0.0e+00, v4;
	_ =	sdelay $0x1  }
0x2c0: {  	v6 =	vld [tilespmem:s28+$0xFFFFFFC0];
	v5 =	vmul.f32 $1.442695020e+00, v5;
	_ =	sdelay $0x1  }
0x2c1: {  	(erf) = vpow2.f32 v5;
	_ =	sdelay $0x2  }
0x2c2: {  	v5 =	vsub.f32 $0.0e+00, v6;
	_ =	sdelay $0x1  }
0x2c3: {  	v5 =	vmul.f32 $1.442695020e+00, v5;
	_ =	sdelay $0x1  }
0x2c4: {  	(erf) = vpow2.f32 v5;
	_ =	sdelay $0x1  }
0x2c5: {  	v5 =	vpop (erf)  }
0x2c6: {  	v5 =	vadd.f32 $1.000000000e+00, v5  }
0x2c7: {  	s26 =	simm.s32 $0x74C0  }
0x2c8: {  	v7 =	vld [tilespmem:s26+$0x0];
	(erf) = vrcp.f32 v5;
	_ =	sdelay $0x3  }
0x2c9: {  	s13 =	simm.s32 $0x1;
	v5 =	vpop (erf)  }
0x2ca: {  	v9 =	vmov s13;
	v10 =	vld [tilespmem:s26+$0xFFFFFFC0];
	v8 =	vsub.f32 $0.0e+00, v7;
	v5 =	vadd.f32 $1.000000000e+00, v5  }
0x2cb: {  	v16 =	vand.u32 $0x7F, v9  }
0x2cc: {  	(erf) = vrcp.f32 v5;
	v5 =	vmul.f32 $1.442695020e+00, v8;
	v8 =	vadd.s32 v0, v16;
	_ =	sdelay $0x1  }
0x2cd: {  	v9 =	vpop (erf)  }
0x2ce: {  	(erf) = vpow2.f32 v5;
	v5 =	vmul.f32 v9, v4;
	v9 =	vsub.f32 $0.0e+00, v10;
	_ =	sdelay $0x1  }
0x2cf: {  	s16 =	simm.s32 $0x0;
	[tilespmem:v8+s21+$0x0] =	vst.idx.msk $0xffff, v5;
	v5 =	vmul.f32 $1.442695020e+00, v9  }
0x2d0: {  	v4 =	vmov s16  }
0x2d1: {  	v4 =	vand.u32 $0x7E, v4  }
0x2d2: {  	v8 =	vadd.s32 v0, v4  }
0x2d3: {  	v9 =	vld [tilespmem:s28+$0x10];
	(erf) = vpow2.f32 v5;
	v5 =	vpop (erf)  }
0x2d4: {  	v5 =	vmul.f32 v5, v6;
	_ =	sdelay $0x2  }
0x2d5: {  	[tilespmem:v8+s21+$0x0] =	vst.idx.msk $0xffff, v5  }
0x2d6: {  	v6 =	vsub.f32 $0.0e+00, v9;
	v8 =	vld [tilespmem:s28+$0xFFFFFFD0];
	v5 =	vpop (erf)  }
0x2d7: {  	s10 =	simm.s32 $0x7540;
	v5 =	vadd.f32 $1.000000000e+00, v5  }
0x2d8: {  	v11 =	vld [tilespmem:s10+$0x0];
	v6 =	vmul.f32 $1.442695020e+00, v6  }
0x2d9: {  	(erf) = vrcp.f32 v5  }
0x2da: {  	(erf) = vpow2.f32 v6  }
0x2db: {  	v6 =	vsub.f32 $0.0e+00, v8;
	v5 =	vpop (erf)  }
0x2dc: {  	v12 =	vld [tilespmem:s10+$0xFFFFFFC0];
	v5 =	vadd.f32 $1.000000000e+00, v5  }
0x2dd: {  	s25 =	simm.s32 $0x3;
	v13 =	vsub.f32 $0.0e+00, v11;
	v6 =	vmul.f32 $1.442695020e+00, v6  }
0x2de: {  	v14 =	vmov s25;
	(erf) = vrcp.f32 v5  }
0x2df: {  	v5 =	vand.u32 $0x7F, v14;
	(erf) = vpow2.f32 v6;
	v6 =	vmul.f32 $1.442695020e+00, v13  }
0x2e0: {  	v13 =	vadd.s32 v0, v5  }
0x2e1: {  	v14 =	vsub.f32 $0.0e+00, v12;
	(erf) = vpow2.f32 v6  }
0x2e2: {  	s7 =	simm.s32 $0x2;
	v15 =	vpop (erf)  }
0x2e3: {  	v14 =	vmul.f32 $1.442695020e+00, v14;
	v6 =	vpop (erf);
	v7 =	vmul.f32 v15, v7;
	v15 =	vmov s7  }
0x2e4: {  	v17 =	vadd.f32 $1.000000000e+00, v6;
	v6 =	vand.u32 $0x7E, v15  }
0x2e5: {  	(erf) = vpow2.f32 v14;
	[tilespmem:v13+s21+$0x0] =	vst.idx.msk $0xffff, v7;
	v7 =	vadd.s32 v0, v6  }
0x2e6: {  	(erf) = vrcp.f32 v17;
	v13 =	vld [tilespmem:s26+$0x10]  }
0x2e7: {  	v14 =	vpop (erf)  }
0x2e8: {  	v10 =	vmul.f32 v14, v10;
	v14 =	vpop (erf)  }
0x2e9: {  	v14 =	vadd.f32 $1.000000000e+00, v14  }
0x2ea: {  	[tilespmem:v7+s21+$0x0] =	vst.idx.msk $0xffff, v10;
	v7 =	vpop (erf)  }
0x2eb: {  	v10 =	vsub.f32 $0.0e+00, v13;
	v15 =	vld [tilespmem:s26+$0xFFFFFFD0];
	(erf) = vrcp.f32 v14;
	v7 =	vadd.f32 $1.000000000e+00, v7;
	_ =	sdelay $0x1  }
0x2ec: {  	s6 =	simm.s32 $0x75C0;
	v10 =	vmul.f32 $1.442695020e+00, v10  }
0x2ed: {  	v18 =	vld [tilespmem:s6+$0x0];
	v14 =	vadd.s32 v1, v16;
	v17 =	vpop (erf);
	(erf) = vrcp.f32 v7  }
0x2ee: {  	v7 =	vpop (erf);
	(erf) = vpow2.f32 v10  }
0x2ef: {  	v10 =	vadd.f32 $1.000000000e+00, v17;
	v7 =	vmul.f32 v7, v9;
	v9 =	vsub.f32 $0.0e+00, v15  }
0x2f0: {  	v19 =	vld [tilespmem:s6+$0xFFFFFFC0]  }
0x2f1: {  	v17 =	vadd.s32 v1, v4;
	v9 =	vmul.f32 $1.442695020e+00, v9  }
0x2f2: {  	v20 =	vsub.f32 $0.0e+00, v18;
	(erf) = vrcp.f32 v10;
	[tilespmem:v14+s21+$0x0] =	vst.idx.msk $0xffff, v7  }
0x2f3: {  	v14 =	vld [tilespmem:s28+$0x20];
	v10 =	vpop (erf);
	(erf) = vpow2.f32 v9  }
0x2f4: {  	s12 =	simm.s32 $0x5;
	v9 =	vmul.f32 $1.442695020e+00, v20;
	v8 =	vmul.f32 v10, v8  }
0x2f5: {  	v21 =	vsub.f32 $0.0e+00, v19;
	v7 =	vmov s12  }
0x2f6: {  	v7 =	vand.u32 $0x7F, v7;
	v10 =	vpop (erf);
	(erf) = vpow2.f32 v9;
	[tilespmem:v17+s21+$0x0] =	vst.idx.msk $0xffff, v8  }
0x2f7: {  	v20 =	vadd.s32 v0, v7;
	v9 =	vmul.f32 $1.442695020e+00, v21;
	v10 =	vmul.f32 v10, v11;
	v11 =	vld [tilespmem:s28+$0xFFFFFFE0]  }
0x2f8: {  	v17 =	vsub.f32 $0.0e+00, v14  }
0x2f9: {  	s13 =	simm.s32 $0x4;
	(erf) = vpow2.f32 v9;
	v8 =	vpop (erf)  }
0x2fa: {  	v21 =	vadd.f32 $1.000000000e+00, v8;
	v8 =	vmov s13;
	v9 =	vmul.f32 $1.442695020e+00, v17  }
0x2fb: {  	v8 =	vand.u32 $0x7E, v8  }
0x2fc: {  	[tilespmem:v20+s21+$0x0] =	vst.idx.msk $0xffff, v10;
	(erf) = vrcp.f32 v21;
	v10 =	vadd.s32 v0, v8;
	v21 =	vsub.f32 $0.0e+00, v11  }
0x2fd: {  	v17 =	vld [tilespmem:s10+$0x10];
	(erf) = vpow2.f32 v9  }
0x2fe: {  	v9 =	vpop (erf)  }
0x2ff: {  	v20 =	vpop (erf);
	v9 =	vmul.f32 v9, v12  }
0x300: {  	v12 =	vadd.f32 $1.000000000e+00, v20;
	v20 =	vmul.f32 $1.442695020e+00, v21;
	v21 =	vpop (erf)  }
0x301: {  	[tilespmem:v10+s21+$0x0] =	vst.idx.msk $0xffff, v9;
	v9 =	vadd.f32 $1.000000000e+00, v21  }
0x302: {  	v22 =	vsub.f32 $0.0e+00, v17;
	v23 =	vld [tilespmem:s10+$0xFFFFFFD0]  }
0x303: {  	s7 =	simm.s32 $0x7640;
	(erf) = vrcp.f32 v12  }
0x304: {  	v26 =	vld [tilespmem:s7+$0xFFFFFFC0];
	v10 =	vmul.f32 $1.442695020e+00, v22;
	v12 =	vadd.s32 v1, v5;
	(erf) = vpow2.f32 v20;
	v20 =	vpop (erf)  }
0x305: {  	v25 =	vld [tilespmem:s7+$0x0];
	(erf) = vrcp.f32 v9;
	v9 =	vpop (erf)  }
0x306: {  	(erf) = vpow2.f32 v10;
	v10 =	vadd.f32 $1.000000000e+00, v20;
	v20 =	vpop (erf)  }
0x307: {  	v9 =	vmul.f32 v9, v13;
	v13 =	vadd.f32 $1.000000000e+00, v20;
	v20 =	vsub.f32 $0.0e+00, v23;
	_ =	sdelay $0x1  }
0x308: {  	v21 =	vsub.f32 $0.0e+00, v26;
	(erf) = vrcp.f32 v10;
	[tilespmem:v12+s21+$0x0] =	vst.idx.msk $0xffff, v9;
	v12 =	vmul.f32 $1.442695020e+00, v20  }
0x309: {  	s16 =	simm.s32 $0x7;
	v10 =	vadd.s32 v1, v6;
	(erf) = vrcp.f32 v13;
	v13 =	vsub.f32 $0.0e+00, v25  }
0x30a: {  	v9 =	vmov s16  }
0x30b: {  	v27 =	vld [tilespmem:s26+$0x20];
	v9 =	vand.u32 $0x7F, v9;
	v20 =	vpop (erf);
	v13 =	vmul.f32 $1.442695020e+00, v13  }
0x30c: {  	v22 =	vadd.s32 v0, v9;
	(erf) = vpow2.f32 v12;
	v15 =	vmul.f32 v20, v15;
	v12 =	vpop (erf)  }
0x30d: {  	v20 =	vmul.f32 $1.442695020e+00, v21;
	v21 =	vpop (erf);
	v12 =	vadd.f32 $1.000000000e+00, v12  }
0x30e: {  	s25 =	simm.s32 $0x6;
	(erf) = vpow2.f32 v13;
	[tilespmem:v10+s21+$0x0] =	vst.idx.msk $0xffff, v15;
	v15 =	vmul.f32 v21, v18  }
0x30f: {  	v24 =	vmov s25;
	v13 =	vpop (erf)  }
0x310: {  	v28 =	vsub.f32 $0.0e+00, v27;
	(erf) = vpow2.f32 v20;
	v18 =	vld [tilespmem:s26+$0xFFFFFFE0];
	v13 =	vadd.f32 $1.000000000e+00, v13  }
0x311: {  	v10 =	vand.u32 $0x7E, v24;
	v21 =	vadd.s32 v2, v16;
	(erf) = vrcp.f32 v12;
	[tilespmem:v22+s21+$0x0] =	vst.idx.msk $0xffff, v15;
	v12 =	vpop (erf)  }
0x312: {  	v20 =	vmul.f32 $1.442695020e+00, v28;
	(erf) = vrcp.f32 v13;
	v13 =	vadd.s32 v0, v10;
	v30 =	vld [tilespmem:s6+$0x10];
	v15 =	vpop (erf)  }
0x313: {  	v14 =	vmul.f32 v15, v14;
	v15 =	vmul.f32 v12, v19  }
0x314: {  	(erf) = vpow2.f32 v20  }
0x315: {  	v12 =	vpop (erf);
	v19 =	vsub.f32 $0.0e+00, v18  }
0x316: {  	[tilespmem:v21+s21+$0x0] =	vst.idx.msk $0xffff, v14;
	v14 =	vadd.f32 $1.000000000e+00, v12  }
0x317: {  	[tilespmem:v13+s21+$0x0] =	vst.idx.msk $0xffff, v15;
	v13 =	vmul.f32 $1.442695020e+00, v19;
	v19 =	vsub.f32 $0.0e+00, v30;
	v15 =	vpop (erf)  }
0x318: {  	v12 =	vld [tilespmem:s28+$0x30];
	(erf) = vrcp.f32 v14;
	v15 =	vadd.f32 $1.000000000e+00, v15  }
0x319: {  	v21 =	vld [tilespmem:s6+$0xFFFFFFD0];
	(erf) = vpow2.f32 v13;
	v13 =	vmul.f32 $1.442695020e+00, v19  }
0x31a: {  	v14 =	vadd.s32 v2, v4;
	v20 =	vpop (erf)  }
0x31b: {  	s25 =	simm.s32 $0x76C0;
	v22 =	vpop (erf)  }
0x31c: {  	v19 =	vadd.s32 v1, v7;
	(erf) = vrcp.f32 v15;
	v11 =	vmul.f32 v22, v11;
	v22 =	vld [tilespmem:s25+$0x0];
	v15 =	vpop (erf)  }
0x31d: {  	v24 =	vadd.f32 $1.000000000e+00, v20;
	v20 =	vld [tilespmem:s25+$0xFFFFFFC0];
	(erf) = vpow2.f32 v13;
	v28 =	vsub.f32 $0.0e+00, v12;
	v13 =	vpop (erf)  }
0x31e: {  	v29 =	vsub.f32 $0.0e+00, v21;
	v15 =	vmul.f32 v15, v17;
	v17 =	vadd.f32 $1.000000000e+00, v13  }
0x31f: {  	[tilespmem:v14+s21+$0x0] =	vst.idx.msk $0xffff, v11;
	(erf) = vrcp.f32 v24;
	v11 =	vmul.f32 $1.442695020e+00, v28  }
0x320: {  	s13 =	simm.s32 $0x8;
	(erf) = vrcp.f32 v17;
	v17 =	vmul.f32 $1.442695020e+00, v29  }
0x321: {  	v14 =	vmov s13;
	[tilespmem:v19+s21+$0x0] =	vst.idx.msk $0xffff, v15;
	v19 =	vsub.f32 $0.0e+00, v22;
	(erf) = vpow2.f32 v11  }
0x322: {  	s16 =	simm.s32 $0x9;
	v15 =	vadd.s32 v1, v8;
	v24 =	vld [tilespmem:s10+$0x20];
	(erf) = vpow2.f32 v17;
	v17 =	vsub.f32 $0.0e+00, v20  }
0x323: {  	v28 =	vpop (erf);
	v11 =	vand.u32 $0x7E, v14;
	v14 =	vmov s16;
	v19 =	vmul.f32 $1.442695020e+00, v19  }
0x324: {  	v13 =	vld [tilespmem:s28+$0xFFFFFFF0];
	v29 =	vpop (erf);
	v14 =	vand.u32 $0x7F, v14;
	v17 =	vmul.f32 $1.442695020e+00, v17  }
0x325: {  	v23 =	vmul.f32 v28, v23;
	v28 =	vadd.s32 v0, v14;
	v31 =	vpop (erf);
	(erf) = vpow2.f32 v19  }
0x326: {  	(erf) = vpow2.f32 v17;
	v17 =	vmul.f32 v31, v25  }
0x327: {  	[tilespmem:v15+s21+$0x0] =	vst.idx.msk $0xffff, v23;
	v15 =	vadd.s32 v0, v11;
	v33 =	vsub.f32 $0.0e+00, v24  }
0x328: {  	v29 =	vadd.f32 $1.000000000e+00, v29;
	v19 =	vpop (erf)  }
0x329: {  	v32 =	vsub.f32 $0.0e+00, v13;
	v23 =	vld [tilespmem:s10+$0xFFFFFFE0];
	v19 =	vadd.f32 $1.000000000e+00, v19;
	v25 =	vpop (erf);
	v31 =	vmul.f32 $1.442695020e+00, v33  }
0x32a: {  	(erf) = vrcp.f32 v29;
	v25 =	vmul.f32 v25, v26;
	[tilespmem:v28+s21+$0x0] =	vst.idx.msk $0xffff, v17;
	v17 =	vpop (erf)  }
0x32b: {  	v61 =	vadd.s32 v2, v5;
	(erf) = vrcp.f32 v19;
	v19 =	vmul.f32 $1.442695020e+00, v32;
	v28 =	vpop (erf)  }
0x32c: {  	v26 =	vld [tilespmem:s7+$0x10];
	[tilespmem:v15+s21+$0x0] =	vst.idx.msk $0xffff, v25;
	(erf) = vpow2.f32 v31;
	v15 =	vpop (erf)  }
0x32d: {  	(erf) = vpow2.f32 v19;
	v19 =	vadd.f32 $1.000000000e+00, v15  }
0x32e: {  	v17 =	vmul.f32 v17, v27;
	v27 =	vadd.f32 $1.000000000e+00, v28;
	v28 =	vsub.f32 $0.0e+00, v23;
	_ =	sdelay $0x1  }
0x32f: {  	v25 =	vld [tilespmem:s7+$0xFFFFFFD0];
	[tilespmem:v61+s21+$0x0] =	vst.idx.msk $0xffff, v17;
	(erf) = vrcp.f32 v27;
	v17 =	vmul.f32 $1.442695020e+00, v28  }
0x330: {  	v15 =	vld [tilespmem:s26+$0x30];
	v27 =	vsub.f32 $0.0e+00, v26;
	(erf) = vrcp.f32 v19;
	v19 =	vpop (erf)  }
0x331: {  	(erf) = vpow2.f32 v17;
	v17 =	vadd.f32 $1.000000000e+00, v19  }
0x332: {  	v27 =	vmul.f32 $1.442695020e+00, v27  }
0x333: {  	v31 =	vadd.s32 v2, v6;
	v19 =	vpop (erf)  }
0x334: {  	v62 =	vadd.s32 v1, v9;
	v19 =	vadd.f32 $1.000000000e+00, v19;
	v28 =	vpop (erf)  }
0x335: {  	s12 =	simm.s32 $0xA;
	v34 =	vsub.f32 $0.0e+00, v25;
	v63 =	vsub.f32 $0.0e+00, v15;
	(erf) = vrcp.f32 v17;
	v17 =	vpop (erf)  }
0x336: {  	s29 =	simm.s32 $0x7740;
	v18 =	vmul.f32 v28, v18;
	v28 =	vmov s12;
	(erf) = vpow2.f32 v27;
	v27 =	vpop (erf)  }
0x337: {  	v29 =	vld [tilespmem:s29+$0x0];
	v32 =	vmul.f32 $1.442695020e+00, v63;
	v35 =	vmul.f32 v17, v30;
	v36 =	vadd.f32 $1.000000000e+00, v27  }
0x338: {  	[tilespmem:v31+s21+$0x0] =	vst.idx.msk $0xffff, v18;
	(erf) = vrcp.f32 v19;
	v18 =	vmul.f32 $1.442695020e+00, v34;
	v17 =	vadd.s32 v3, v16;
	v27 =	vld [tilespmem:s29+$0xFFFFFFC0];
	v19 =	vpop (erf)  }
0x339: {  	s13 =	simm.s32 $0xE;
	s28 =	simm.s32 $0xC;
	v30 =	vadd.s32 v1, v10;
	v16 =	vld [tilespmem:s26+$0xFFFFFFF0];
	s26 =	simm.s32 $0x7740;
	[tilespmem:v62+s21+$0x0] =	vst.idx.msk $0xffff, v35;
	v31 =	vadd.f32 $1.000000000e+00, v19;
	v19 =	vpop (erf);
	(erf) = vrcp.f32 v36  }
.LBB2_11:
0x33a: {  	p1 =	slt.u32 s13, $0x7E;
	v28 =	vand.u32 $0x7E, v28;
	v34 =	vpop (erf);
	(erf) = vpow2.f32 v32;
	v36 =	vmul.f32 v19, v12  }
0x33b: {  	s16 =	sadd.s32 $0x1, s12;
	v33 =	vld [tilespmem:s6+$0x20];
	v19 =	vmovc v5;
	v5 =	vmovc v7;
	v7 =	vmov v9;
	v9 =	vmov v14;
	v32 =	vmov v23;
	s12 =	smov.u32 s28;
	s28 =	smov.u32 s13  }
0x33c: {  	v23 =	vsub.f32 $0.0e+00, v29;
	v14 =	vmov s16;
	(erf) = vpow2.f32 v18;
	v18 =	vpop (erf)  }
0x33d: {  	v37 =	vmul.f32 v34, v21;
	v35 =	vsub.f32 $0.0e+00, v27;
	v14 =	vand.u32 $0x7F, v14;
	[tilespmem:v17+s21+$0x0] =	vst.idx.msk $0xffff, v36;
	v17 =	vmovc v26  }
0x33e: {  	v12 =	vmovc v15;
	v21 =	vmovc v25;
	v18 =	vadd.f32 $1.000000000e+00, v18;
	v23 =	vmul.f32 $1.442695020e+00, v23;
	v26 =	vadd.s32 v0, v14  }
0x33f: {  	v15 =	vmul.f32 $1.442695020e+00, v35;
	v25 =	vpop (erf);
	[tilespmem:v30+s21+$0x0] =	vst.idx.msk $0xffff, v37;
	v30 =	vsub.f32 $0.0e+00, v16;
	(erf) = vrcp.f32 v31  }
0x340: {  	v31 =	vadd.s32 v0, v28;
	(erf) = vpow2.f32 v23;
	v34 =	vpop (erf);
	v23 =	vld [tilespmem:s6+$0xFFFFFFE0];
	v35 =	vsub.f32 $0.0e+00, v33  }
0x341: {  	v36 =	vmul.f32 v25, v22;
	v22 =	vmovc v29;
	(erf) = vpow2.f32 v15;
	v37 =	vadd.f32 $1.000000000e+00, v34  }
0x342: {  	v29 =	vpop (erf);
	v34 =	vmul.f32 $1.442695020e+00, v35;
	v35 =	vadd.s32 v2, v5;
	(erf) = vrcp.f32 v18  }
0x343: {  	v29 =	vmul.f32 v29, v20;
	[tilespmem:v26+s21+$0x0] =	vst.idx.msk $0xffff, v36;
	(erf) = vrcp.f32 v37;
	v15 =	vpop (erf);
	v20 =	vmov v27  }
0x344: {  	v27 =	vmul.f32 $1.442695020e+00, v30;
	v26 =	vld [tilespmem:s25+$0x10];
	(erf) = vpow2.f32 v34;
	v25 =	vpop (erf)  }
0x345: {  	v15 =	vmul.f32 v15, v24;
	[tilespmem:v31+s21+$0x0] =	vst.idx.msk $0xffff, v29;
	v18 =	vpop (erf);
	v29 =	vsub.f32 $0.0e+00, v23;
	v30 =	vadd.f32 $1.000000000e+00, v25  }
0x346: {  	v25 =	vld [tilespmem:s25+$0xFFFFFFD0];
	v18 =	vadd.f32 $1.000000000e+00, v18;
	(erf) = vpow2.f32 v27;
	v27 =	vadd.s32 v3, v4;
	v4 =	vmovc v6;
	v6 =	vmovc v8  }
0x347: {  	v8 =	vmovc v10;
	v10 =	vmovc v11;
	v11 =	vmov v28;
	v29 =	vmul.f32 $1.442695020e+00, v29;
	[tilespmem:v35+s21+$0x0] =	vst.idx.msk $0xffff, v15;
	(erf) = vrcp.f32 v30  }
0x348: {  	v24 =	vmov v33;
	(erf) = vrcp.f32 v18;
	v18 =	vadd.s32 v2, v6;
	v15 =	vld [tilespmem:s10+$0x30];
	v28 =	vpop (erf)  }
0x349: {  	v30 =	vpop (erf);
	v31 =	vsub.f32 $0.0e+00, v26;
	(erf) = vpow2.f32 v29;
	v28 =	vmul.f32 v28, v13  }
0x34a: {  	v13 =	vmov v16;
	v29 =	vadd.f32 $1.000000000e+00, v30;
	v30 =	vpop (erf)  }
0x34b: {  	v16 =	vadd.f32 $1.000000000e+00, v30;
	v36 =	vmul.f32 $1.442695020e+00, v31;
	v31 =	vadd.s32 v1, v9;
	v33 =	vpop (erf);
	[tilespmem:v27+s21+$0x0] =	vst.idx.msk $0xffff, v28  }
.Ltmp6:
0x34c: {  	s29 =	sadd.s32 $0x80, s29;
	v34 =	vsub.f32 $0.0e+00, v25;
	(erf) = vrcp.f32 v29;
	v35 =	vpop (erf);
	v32 =	vmul.f32 v33, v32;
	(pc) =	sbr.rel @p1 .LBB2_11-.Ltmp6, $4  }
0x34d: {  	v28 =	vmov s12;
	v29 =	vld [tilespmem:s29+$0x0];
	(erf) = vpow2.f32 v36;
	v30 =	vpop (erf);
	v33 =	vsub.f32 $0.0e+00, v15  }
0x34e: {  	v35 =	vmul.f32 v35, v17;
	v17 =	vadd.s32 v3, v19;
	v27 =	vld [tilespmem:s29+$0xFFFFFFC0];
	v36 =	vadd.f32 $1.000000000e+00, v30;
	[tilespmem:v18+s21+$0x0] =	vst.idx.msk $0xffff, v32  }
0x34f: {  	v30 =	vadd.s32 v1, v10;
	(erf) = vrcp.f32 v16;
	v16 =	vld [tilespmem:s10+$0xFFFFFFF0];
	v32 =	vmul.f32 $1.442695020e+00, v33;
	v19 =	vpop (erf);
	s10 =	smov.u32 s6;
	s6 =	smov.u32 s7;
	s7 =	smov.u32 s25  }
0x350: {  	s13 =	sadd.s32 $0x2, s13;
	v18 =	vmul.f32 $1.442695020e+00, v34;
	s25 =	smov.u32 s26;
	s26 =	smov.u32 s29;
	[tilespmem:v31+s21+$0x0] =	vst.idx.msk $0xffff, v35;
	(erf) = vrcp.f32 v36;
	v31 =	vadd.f32 $1.000000000e+00, v19;
	v19 =	vpop (erf)  }
0x351: {  	s12 =	sadd.s32 $0x1, s12  }
0x352: {  	v33 =	vld [tilespmem:s6+$0x20];
	(erf) = vpow2.f32 v32;
	v43 =	vsub.f32 $0.0e+00, v29;
	v34 =	vmov s12  }
0x353: {  	(erf) = vpow2.f32 v18;
	v18 =	vand.u32 $0x7F, v34  }
0x354: {  	v44 =	vpop (erf);
	v35 =	vsub.f32 $0.0e+00, v27;
	v32 =	vmul.f32 $1.442695020e+00, v43;
	v36 =	vadd.s32 v0, v18  }
0x355: {  	v37 =	vpop (erf);
	v21 =	vmul.f32 v44, v21;
	(erf) = vrcp.f32 v31  }
0x356: {  	v45 =	vmul.f32 $1.442695020e+00, v35;
	v46 =	vpop (erf);
	(erf) = vpow2.f32 v32  }
0x357: {  	v47 =	vadd.f32 $1.000000000e+00, v37;
	[tilespmem:v30+s21+$0x0] =	vst.idx.msk $0xffff, v21;
	v48 =	vpop (erf);
	v49 =	vsub.f32 $0.0e+00, v33;
	v22 =	vmul.f32 v46, v22  }
0x358: {  	v50 =	vsub.f32 $0.0e+00, v16;
	v34 =	vld [tilespmem:s6+$0xFFFFFFE0];
	(erf) = vpow2.f32 v45;
	v21 =	vadd.f32 $1.000000000e+00, v48  }
0x359: {  	v30 =	vmul.f32 $1.442695020e+00, v49;
	(erf) = vrcp.f32 v47;
	[tilespmem:v36+s21+$0x0] =	vst.idx.msk $0xffff, v22  }
0x35a: {  	v51 =	vpop (erf);
	(erf) = vrcp.f32 v21;
	v22 =	vmul.f32 $1.442695020e+00, v50;
	v32 =	vld [tilespmem:s25+$0x10]  }
0x35b: {  	v52 =	vadd.s32 v2, v7;
	v21 =	vand.u32 $0x7E, v28;
	v53 =	vpop (erf);
	(erf) = vpow2.f32 v30  }
0x35c: {  	v54 =	vadd.s32 v0, v21;
	v55 =	vpop (erf)  }
0x35d: {  	v20 =	vmul.f32 v51, v20;
	v57 =	vsub.f32 $0.0e+00, v34;
	v56 =	vpop (erf);
	v36 =	vadd.f32 $1.000000000e+00, v55  }
0x35e: {  	v24 =	vmul.f32 v53, v24;
	(erf) = vpow2.f32 v22;
	v31 =	vadd.f32 $1.000000000e+00, v56;
	v22 =	vpop (erf)  }
0x35f: {  	v58 =	vmul.f32 $1.442695020e+00, v57;
	(erf) = vrcp.f32 v36;
	v59 =	vpop (erf);
	v60 =	vsub.f32 $0.0e+00, v32  }
0x360: {  	[tilespmem:v52+s21+$0x0] =	vst.idx.msk $0xffff, v24;
	(erf) = vrcp.f32 v31;
	v61 =	vadd.f32 $1.000000000e+00, v59  }
0x361: {  	v40 =	vadd.s32 v1, v14;
	[tilespmem:v54+s21+$0x0] =	vst.idx.msk $0xffff, v20;
	v20 =	vld [tilespmem:s10+$0x30];
	(erf) = vpow2.f32 v58;
	v62 =	vpop (erf);
	v63 =	vmul.f32 $1.442695020e+00, v60  }
0x362: {  	v35 =	vld [tilespmem:s25+$0xFFFFFFD0];
	v41 =	vpop (erf);
	(erf) = vrcp.f32 v61  }
0x363: {  	v42 =	vpop (erf);
	(erf) = vpow2.f32 v63  }
0x364: {  	v28 =	vadd.f32 $1.000000000e+00, v62;
	v43 =	vpop (erf);
	v24 =	vmul.f32 v42, v26  }
0x365: {  	v44 =	vadd.f32 $1.000000000e+00, v43  }
0x366: {  	v45 =	vadd.s32 v2, v8;
	v46 =	vsub.f32 $0.0e+00, v20;
	(erf) = vrcp.f32 v28;
	[tilespmem:v40+s21+$0x0] =	vst.idx.msk $0xffff, v24  }
0x367: {  	s13 =	sadd.s32 $0x1, s28;
	v48 =	vpop (erf);
	v47 =	vsub.f32 $0.0e+00, v35;
	(erf) = vrcp.f32 v44;
	v31 =	vld [tilespmem:s7+$0x20]  }
0x368: {  	v38 =	vadd.s32 v1, v11;
	v49 =	vmov s13;
	v37 =	vmul.f32 $1.442695020e+00, v46;
	v26 =	vpop (erf)  }
0x369: {  	v36 =	vmul.f32 v41, v23;
	v23 =	vand.u32 $0x7F, v49;
	v39 =	vmul.f32 $1.442695020e+00, v47;
	v40 =	vpop (erf)  }
0x36a: {  	v50 =	vmov s28;
	v41 =	vadd.s32 v0, v23;
	(erf) = vpow2.f32 v37;
	v51 =	vpop (erf)  }
0x36b: {  	v59 =	vadd.s32 v2, v9;
	[tilespmem:v45+s21+$0x0] =	vst.idx.msk $0xffff, v36;
	v52 =	vadd.f32 $1.000000000e+00, v48;
	(erf) = vpow2.f32 v39;
	v53 =	vpop (erf)  }
0x36c: {  	v28 =	vld [tilespmem:s10+$0xFFFFFFF0];
	v25 =	vmul.f32 v40, v25;
	v37 =	vadd.f32 $1.000000000e+00, v51;
	v55 =	vsub.f32 $0.0e+00, v31;
	v54 =	vpop (erf)  }
0x36d: {  	(erf) = vrcp.f32 v52;
	v56 =	vmul.f32 v53, v29;
	v57 =	vadd.f32 $1.000000000e+00, v54  }
0x36e: {  	v24 =	vand.u32 $0x7E, v50;
	[tilespmem:v38+s21+$0x0] =	vst.idx.msk $0xffff, v25;
	(erf) = vrcp.f32 v37;
	v58 =	vmul.f32 $1.442695020e+00, v55  }
0x36f: {  	v60 =	vadd.s32 v0, v24;
	v38 =	vld [tilespmem:s7+$0xFFFFFFE0];
	v61 =	vpop (erf);
	[tilespmem:v41+s21+$0x0] =	vst.idx.msk $0xffff, v56;
	(erf) = vrcp.f32 v57  }
0x370: {  	v62 =	vpop (erf);
	v40 =	vld [tilespmem:s26+$0x10];
	(erf) = vpow2.f32 v58  }
0x371: {  	v63 =	vsub.f32 $0.0e+00, v28;
	v29 =	vmul.f32 v62, v33  }
0x372: {  	v39 =	vmul.f32 v61, v27  }
0x373: {  	v41 =	vmul.f32 $1.442695020e+00, v63;
	v42 =	vpop (erf);
	[tilespmem:v59+s21+$0x0] =	vst.idx.msk $0xffff, v29  }
0x374: {  	[tilespmem:v60+s21+$0x0] =	vst.idx.msk $0xffff, v39;
	v44 =	vsub.f32 $0.0e+00, v38;
	v43 =	vpop (erf);
	v45 =	vadd.f32 $1.000000000e+00, v42;
	v25 =	vld [tilespmem:s6+$0x30]  }
0x375: {  	v36 =	vld [tilespmem:s26+$0xFFFFFFD0];
	(erf) = vpow2.f32 v41;
	v46 =	vadd.f32 $1.000000000e+00, v43;
	v47 =	vsub.f32 $0.0e+00, v40  }
0x376: {  	v29 =	vmul.f32 $1.442695020e+00, v44;
	(erf) = vrcp.f32 v45;
	v27 =	vpop (erf)  }
0x377: {  	v48 =	vadd.s32 v1, v18;
	(erf) = vrcp.f32 v46;
	v49 =	vpop (erf);
	v30 =	vmul.f32 $1.442695020e+00, v47  }
0x378: {  	(erf) = vpow2.f32 v29;
	v51 =	vpop (erf)  }
0x379: {  	v50 =	vadd.s32 v2, v10;
	(erf) = vpow2.f32 v30;
	v53 =	vsub.f32 $0.0e+00, v25;
	v52 =	vpop (erf)  }
0x37a: {  	v42 =	vsub.f32 $0.0e+00, v36;
	v29 =	vmul.f32 v51, v32;
	v30 =	vadd.f32 $1.000000000e+00, v52  }
0x37b: {  	v54 =	vmul.f32 v49, v34;
	v55 =	vmul.f32 $1.442695020e+00, v53  }
0x37c: {  	v56 =	vmul.f32 $1.442695020e+00, v42;
	[tilespmem:v48+s21+$0x0] =	vst.idx.msk $0xffff, v29;
	(erf) = vrcp.f32 v30  }
0x37d: {  	v32 =	vld [tilespmem:s25+$0x20];
	(erf) = vpow2.f32 v55  }
0x37e: {  	[tilespmem:v50+s21+$0x0] =	vst.idx.msk $0xffff, v54;
	v57 =	vpop (erf);
	(erf) = vpow2.f32 v56  }
0x37f: {  	v29 =	vld [tilespmem:s6+$0xFFFFFFF0];
	v30 =	vpop (erf)  }
0x380: {  	v58 =	vpop (erf)  }
0x381: {  	v59 =	vadd.s32 v1, v21;
	v33 =	vadd.f32 $1.000000000e+00, v57;
	v60 =	vpop (erf)  }
0x382: {  	v48 =	vadd.s32 v2, v14;
	v61 =	vadd.f32 $1.000000000e+00, v60;
	v62 =	vpop (erf);
	v63 =	vsub.f32 $0.0e+00, v32  }
0x383: {  	(erf) = vrcp.f32 v33;
	v34 =	vmul.f32 v58, v35;
	v46 =	vadd.f32 $1.000000000e+00, v62  }
0x384: {  	v45 =	vsub.f32 $0.0e+00, v29;
	v47 =	vmul.f32 $1.442695020e+00, v63;
	(erf) = vrcp.f32 v61  }
0x385: {  	(erf) = vrcp.f32 v46;
	v49 =	vpop (erf)  }
0x386: {  	[tilespmem:v59+s21+$0x0] =	vst.idx.msk $0xffff, v34;
	v50 =	vmul.f32 $1.442695020e+00, v45;
	(erf) = vpow2.f32 v47;
	v51 =	vpop (erf)  }
0x387: {  	v37 =	vld [tilespmem:s25+$0xFFFFFFE0];
	v31 =	vmul.f32 v49, v31;
	v52 =	vpop (erf);
	v53 =	vadd.f32 $1.000000000e+00, v51  }
0x388: {  	(erf) = vpow2.f32 v50;
	v54 =	vadd.f32 $1.000000000e+00, v52  }
0x389: {  	[tilespmem:v48+s21+$0x0] =	vst.idx.msk $0xffff, v31;
	(erf) = vrcp.f32 v53  }
0x38a: {  	v31 =	vld [tilespmem:s7+$0x30];
	(erf) = vrcp.f32 v54;
	_ =	sdelay $0x1  }
0x38b: {  	v55 =	vsub.f32 $0.0e+00, v37;
	v34 =	vpop (erf)  }
0x38c: {  	v56 =	vpop (erf)  }
0x38d: {  	v57 =	vadd.s32 v1, v23;
	v33 =	vmul.f32 $1.442695020e+00, v55;
	v58 =	vpop (erf)  }
0x38e: {  	v59 =	vadd.s32 v2, v11;
	v43 =	vpop (erf);
	v44 =	vsub.f32 $0.0e+00, v31  }
0x38f: {  	(erf) = vpow2.f32 v33;
	v60 =	vadd.f32 $1.000000000e+00, v43  }
0x390: {  	v61 =	vadd.s32 v1, v24;
	v40 =	vmul.f32 v58, v40;
	v62 =	vmul.f32 $1.442695020e+00, v44;
	v63 =	vpop (erf)  }
0x391: {  	v35 =	vmul.f32 v56, v38;
	(erf) = vrcp.f32 v60;
	v33 =	vpop (erf)  }
0x392: {  	[tilespmem:v57+s21+$0x0] =	vst.idx.msk $0xffff, v40;
	(erf) = vpow2.f32 v62;
	v47 =	vpop (erf)  }
0x393: {  	[tilespmem:v59+s21+$0x0] =	vst.idx.msk $0xffff, v35;
	v35 =	vld [tilespmem:s26+$0x20];
	v36 =	vmul.f32 v47, v36  }
0x394: {  	v38 =	vld [tilespmem:s7+$0xFFFFFFF0]  }
0x395: {  	[tilespmem:v61+s21+$0x0] =	vst.idx.msk $0xffff, v36  }
0x396: {  	v36 =	vld [tilespmem:s26+$0xFFFFFFE0];
	_ =	sdelay $0x1  }
0x397: {  	v48 =	vadd.f32 $1.000000000e+00, v63;
	v49 =	vpop (erf);
	v50 =	vsub.f32 $0.0e+00, v35  }
0x398: {  	v51 =	vsub.f32 $0.0e+00, v38;
	v40 =	vadd.f32 $1.000000000e+00, v49  }
0x399: {  	v53 =	vadd.s32 v2, v18;
	(erf) = vrcp.f32 v48;
	v52 =	vmul.f32 $1.442695020e+00, v50;
	v54 =	vpop (erf)  }
0x39a: {  	v55 =	vmul.f32 $1.442695020e+00, v51;
	(erf) = vrcp.f32 v40;
	v56 =	vpop (erf);
	v57 =	vsub.f32 $0.0e+00, v36  }
0x39b: {  	(erf) = vpow2.f32 v52;
	v32 =	vmul.f32 v54, v32;
	v58 =	vadd.f32 $1.000000000e+00, v56  }
0x39c: {  	(erf) = vpow2.f32 v55;
	v59 =	vmul.f32 $1.442695020e+00, v57  }
0x39d: {  	(erf) = vrcp.f32 v58  }
0x39e: {  	[tilespmem:v53+s21+$0x0] =	vst.idx.msk $0xffff, v32;
	(erf) = vpow2.f32 v59  }
0x39f: {  	v32 =	vld [tilespmem:s25+$0x30];
	_ =	sdelay $0x2  }
0x3a0: {  	v39 =	vpop (erf)  }
0x3a1: {  	v60 =	vpop (erf)  }
0x3a2: {  	v61 =	vadd.s32 v2, v21;
	v62 =	vpop (erf);
	v63 =	vsub.f32 $0.0e+00, v32  }
0x3a3: {  	v42 =	vadd.f32 $1.000000000e+00, v62;
	v48 =	vpop (erf)  }
0x3a4: {  	v43 =	vmul.f32 $1.442695020e+00, v63;
	v45 =	vpop (erf)  }
0x3a5: {  	v37 =	vmul.f32 v60, v37;
	v49 =	vadd.f32 $1.000000000e+00, v48;
	(erf) = vrcp.f32 v42;
	v50 =	vpop (erf)  }
0x3a6: {  	(erf) = vpow2.f32 v43;
	v42 =	vadd.f32 $1.000000000e+00, v50  }
0x3a7: {  	[tilespmem:v61+s21+$0x0] =	vst.idx.msk $0xffff, v37;
	(erf) = vrcp.f32 v49  }
0x3a8: {  	v37 =	vld [tilespmem:s25+$0xFFFFFFF0];
	(erf) = vrcp.f32 v42;
	_ =	sdelay $0x4  }
0x3a9: {  	v52 =	vadd.s32 v2, v23;
	v51 =	vsub.f32 $0.0e+00, v37  }
0x3aa: {  	v53 =	vpop (erf)  }
0x3ab: {  	v54 =	vadd.s32 v2, v24;
	v40 =	vmul.f32 $1.442695020e+00, v51;
	v43 =	vpop (erf)  }
0x3ac: {  	v35 =	vmul.f32 v53, v35;
	v42 =	vpop (erf)  }
0x3ad: {  	(erf) = vpow2.f32 v40;
	v55 =	vpop (erf)  }
0x3ae: {  	[tilespmem:v52+s21+$0x0] =	vst.idx.msk $0xffff, v35;
	v56 =	vmul.f32 v55, v36  }
0x3af: {  	v36 =	vld [tilespmem:s26+$0x30]  }
0x3b0: {  	[tilespmem:v54+s21+$0x0] =	vst.idx.msk $0xffff, v56  }
0x3b1: {  	v35 =	vld [tilespmem:s26+$0xFFFFFFF0];
	_ =	sdelay $0x2  }
0x3b2: {  	v57 =	vsub.f32 $0.0e+00, v36  }
0x3b3: {  	v58 =	vadd.f32 $1.000000000e+00, v43  }
0x3b4: {  	v59 =	vpop (erf);
	v40 =	vmul.f32 $1.442695020e+00, v57;
	v60 =	vsub.f32 $0.0e+00, v35  }
0x3b5: {  	(erf) = vrcp.f32 v58;
	v61 =	vadd.f32 $1.000000000e+00, v59  }
0x3b6: {  	(erf) = vpow2.f32 v40;
	v62 =	vmul.f32 $1.442695020e+00, v60  }
0x3b7: {  	(erf) = vrcp.f32 v61  }
0x3b8: {  	(erf) = vpow2.f32 v62;
	_ =	sdelay $0x5  }
0x3b9: {  	v63 =	vpop (erf)  }
0x3ba: {  	v4 =	vadd.s32 v3, v4;
	v46 =	vpop (erf)  }
0x3bb: {  	v5 =	vadd.s32 v3, v5;
	v47 =	vpop (erf)  }
0x3bc: {  	v12 =	vmul.f32 v19, v12;
	v6 =	vadd.s32 v3, v6;
	v48 =	vadd.f32 $1.000000000e+00, v46;
	v49 =	vpop (erf)  }
0x3bd: {  	v13 =	vmul.f32 v22, v13;
	v50 =	vadd.s32 v3, v7;
	v51 =	vadd.f32 $1.000000000e+00, v49  }
0x3be: {  	[tilespmem:v17+s21+$0x0] =	vst.idx.msk $0xffff, v12;
	v53 =	vadd.s32 v3, v8;
	v52 =	vmul.f32 v26, v15;
	(erf) = vrcp.f32 v48  }
0x3bf: {  	[tilespmem:v4+s21+$0x0] =	vst.idx.msk $0xffff, v13;
	v4 =	vmul.f32 v27, v16;
	v54 =	vadd.s32 v3, v9;
	(erf) = vrcp.f32 v51  }
0x3c0: {  	[tilespmem:v5+s21+$0x0] =	vst.idx.msk $0xffff, v52;
	v5 =	vmul.f32 v30, v20;
	v55 =	vadd.s32 v3, v10  }
0x3c1: {  	[tilespmem:v6+s21+$0x0] =	vst.idx.msk $0xffff, v4;
	v4 =	vmul.f32 v34, v28;
	v56 =	vadd.s32 v3, v14  }
0x3c2: {  	[tilespmem:v50+s21+$0x0] =	vst.idx.msk $0xffff, v5;
	v5 =	vmul.f32 v33, v25;
	v57 =	vadd.s32 v3, v11  }
0x3c3: {  	v58 =	vadd.s32 v3, v18;
	[tilespmem:v53+s21+$0x0] =	vst.idx.msk $0xffff, v4;
	v4 =	vmul.f32 v39, v29  }
0x3c4: {  	v59 =	vadd.s32 v3, v21;
	[tilespmem:v54+s21+$0x0] =	vst.idx.msk $0xffff, v5;
	v5 =	vmul.f32 v45, v31  }
0x3c5: {  	[tilespmem:v55+s21+$0x0] =	vst.idx.msk $0xffff, v4;
	v4 =	vmul.f32 v42, v38;
	v60 =	vadd.s32 v3, v23  }
0x3c6: {  	[tilespmem:v56+s21+$0x0] =	vst.idx.msk $0xffff, v5;
	v5 =	vmul.f32 v63, v32;
	v61 =	vadd.s32 v3, v24  }
0x3c7: {  	[tilespmem:v57+s21+$0x0] =	vst.idx.msk $0xffff, v4;
	v4 =	vmul.f32 v47, v37;
	v62 =	vpop (erf)  }
0x3c8: {  	[tilespmem:v58+s21+$0x0] =	vst.idx.msk $0xffff, v5;
	v5 =	vmul.f32 v62, v36;
	v63 =	vpop (erf)  }
0x3c9: {  	s16 =	sshll.u32 s8, $0x11;
	s25 =	sadd.s32 s5, s9;
	[tilespmem:v59+s21+$0x0] =	vst.idx.msk $0xffff, v4;
	v4 =	vmul.f32 v63, v35  }
0x3ca: {  	s6 =	sadd.s32 s2, s16;
	s7 =	sshll.u32 s25, $0x7;
	[tilespmem:v60+s21+$0x0] =	vst.idx.msk $0xffff, v5  }
0x3cb: {  	s7 =	sadd.s32 s7, s6;
	s26 =	simm.s32 $0xF800;
	[tilespmem:v61+s21+$0x0] =	vst.idx.msk $0xffff, v4  }
0x3cc: {  	[hbm4b:s7+s3] =	stream.linear.scatter [tilespmem:s26], [sflag:$0x7], $0x80, $0x38;
	[tilespmem:$0x13C00] =	vst v63  }
0x3cd: {  	s28 =	simm.s32 $0xF888;
	s29 =	sadd.s32 $0x10, s7  }
0x3ce: {  	[hbm4b:s29+s3] =	stream.linear.scatter [tilespmem:s28], [sflag:$0x7], $0x80, $0x38;
	[tilespmem:$0x13C00] =	vst v63  }
0x3cf: {  	s8 =	simm.s32 $0xF910;
	s13 =	simm.s32 $0xFA20;
	s9 =	sadd.s32 $0x20, s7  }
0x3d0: {  	[hbm4b:s9+s3] =	stream.linear.scatter [tilespmem:s8], [sflag:$0x7], $0x80, $0x38;
	[tilespmem:$0x13C00] =	vst v63  }
0x3d1: {  	s10 =	simm.s32 $0xF998;
	s25 =	simm.s32 $0xFAA8;
	s12 =	sadd.s32 $0x30, s7  }
0x3d2: {  	[hbm4b:s12+s3] =	stream.linear.scatter [tilespmem:s10], [sflag:$0x7], $0x80, $0x38;
	[tilespmem:$0x13C00] =	vst v63  }
0x3d3: {  	s6 =	simm.s32 $0x440;
	s16 =	sadd.s32 $0x40, s7;
	s26 =	sadd.s32 $0x50, s7  }
0x3d4: {  	[hbm4b:s16+s3] =	stream.linear.scatter [tilespmem:s13], [sflag:$0x7], $0x80, $0x38;
	[tilespmem:$0x13C00] =	vst v63  }
0x3d5: {  	s28 =	simm.s32 $0xFB30;
	s29 =	sadd.s32 $0x60, s7;
	s8 =	simm.s32 $0x2200  }
0x3d6: {  	[hbm4b:s26+s3] =	stream.linear.scatter [tilespmem:s25], [sflag:$0x7], $0x80, $0x38;
	[tilespmem:$0x13C00] =	vst v63  }
0x3d7: {  	s9 =	simm.s32 $0xFBB8;
	s10 =	sadd.s32 $0x70, s7;
	s7 =	sadd.s32 $0x4000, s7  }
0x3d8: {  	[hbm4b:s29+s3] =	stream.linear.scatter [tilespmem:s28], [sflag:$0x7], $0x80, $0x38;
	[tilespmem:$0x13C00] =	vst v63  }
.LBB2_13:
0x3d9: {  	[hbm4b:s10+s3] =	stream.linear.scatter [tilespmem:s9], [sflag:$0x7], $0x80, $0x38;
	[tilespmem:$0x13C00] =	vst v63  }
0x3da: {  	s9 =	smov.u32 s6;
	s6 =	smov.u32 s8  }
0x3db: {  	s12 =	sadd.s32 $0x1100, s8;
	s6 =	sshra.s32 s6, $0x2;
	s10 =	sadd.s32 $0xF800, s9  }
0x3dc: {  	[hbm4b:s7+s3] =	stream.linear.scatter [tilespmem:s10], [sflag:$0x7], $0x80, $0x38;
	[tilespmem:$0x13C00] =	vst v63  }
0x3dd: {  	p1 =	sne.s32 s8, $0x7700;
	s8 =	sadd.s32 $0xF888, s9;
	s10 =	sadd.s32 $0x10, s7  }
0x3de: {  	[hbm4b:s10+s3] =	stream.linear.scatter [tilespmem:s8], [sflag:$0x7], $0x80, $0x38;
	[tilespmem:$0x13C00] =	vst v63  }
0x3df: {  	s8 =	sadd.s32 $0xF910, s9;
	s10 =	sadd.s32 $0x20, s7  }
0x3e0: {  	[hbm4b:s10+s3] =	stream.linear.scatter [tilespmem:s8], [sflag:$0x7], $0x80, $0x38;
	[tilespmem:$0x13C00] =	vst v63  }
0x3e1: {  	s8 =	sadd.s32 $0xF998, s9;
	s10 =	sadd.s32 $0x30, s7  }
0x3e2: {  	[hbm4b:s10+s3] =	stream.linear.scatter [tilespmem:s8], [sflag:$0x7], $0x80, $0x38;
	[tilespmem:$0x13C00] =	vst v63  }
0x3e3: {  	s8 =	sadd.s32 $0xFA20, s9;
	s10 =	sadd.s32 $0x40, s7  }
0x3e4: {  	[hbm4b:s10+s3] =	stream.linear.scatter [tilespmem:s8], [sflag:$0x7], $0x80, $0x38;
	[tilespmem:$0x13C00] =	vst v63  }
.Ltmp7:
0x3e5: {  	s8 =	sadd.s32 $0xFAA8, s9;
	s10 =	sadd.s32 $0x50, s7;
	(pc) =	sbr.rel @p1 .LBB2_13-.Ltmp7, $4  }
0x3e6: {  	[hbm4b:s10+s3] =	stream.linear.scatter [tilespmem:s8], [sflag:$0x7], $0x80, $0x38;
	[tilespmem:$0x13C00] =	vst v63  }
0x3e7: {  	s8 =	sadd.s32 $0xFB30, s9;
	s10 =	sadd.s32 $0x60, s7;
	s9 =	sadd.s32 $0xFBB8, s9  }
0x3e8: {  	[hbm4b:s10+s3] =	stream.linear.scatter [tilespmem:s8], [sflag:$0x7], $0x80, $0x38;
	[tilespmem:$0x13C00] =	vst v63  }
0x3e9: {  	s10 =	sadd.s32 $0x70, s7;
	s7 =	sadd.s32 $0x4000, s7;
	s8 =	smov.u32 s12  }
0x3ea: {  	[hbm4b:s10+s3] =	stream.linear.scatter [tilespmem:s9], [sflag:$0x7], $0x80, $0x38;
	[tilespmem:$0x13C00] =	vst v63  }
0x3eb: {  	s8 =	sadd.s32 $0xF800, s6  }
0x3ec: {  	[hbm4b:s7+s3] =	stream.linear.scatter [tilespmem:s8], [sflag:$0x7], $0x80, $0x38;
	[tilespmem:$0x13C00] =	vst v63  }
0x3ed: {  	s13 =	sadd.s32 $0xF888, s6;
	s16 =	sadd.s32 $0x10, s7  }
0x3ee: {  	[hbm4b:s16+s3] =	stream.linear.scatter [tilespmem:s13], [sflag:$0x7], $0x80, $0x38;
	[tilespmem:$0x13C00] =	vst v63  }
0x3ef: {  	s25 =	sadd.s32 $0xF910, s6;
	s26 =	sadd.s32 $0x20, s7  }
0x3f0: {  	[hbm4b:s26+s3] =	stream.linear.scatter [tilespmem:s25], [sflag:$0x7], $0x80, $0x38;
	[tilespmem:$0x13C00] =	vst v63  }
0x3f1: {  	s28 =	sadd.s32 $0xF998, s6;
	s29 =	sadd.s32 $0x30, s7  }
0x3f2: {  	[hbm4b:s29+s3] =	stream.linear.scatter [tilespmem:s28], [sflag:$0x7], $0x80, $0x38;
	[tilespmem:$0x13C00] =	vst v63  }
0x3f3: {  	s10 =	sadd.s32 $0xFA20, s6;
	s12 =	sadd.s32 $0x40, s7  }
0x3f4: {  	[hbm4b:s12+s3] =	stream.linear.scatter [tilespmem:s10], [sflag:$0x7], $0x80, $0x38;
	[tilespmem:$0x13C00] =	vst v63  }
0x3f5: {  	p1 =	sne.s32 s30, $0x19;
	s13 =	sadd.s32 $0xFAA8, s6;
	s16 =	sadd.s32 $0x50, s7  }
0x3f6: {  	[hbm4b:s16+s3] =	stream.linear.scatter [tilespmem:s13], [sflag:$0x7], $0x80, $0x38;
	[tilespmem:$0x13C00] =	vst v63  }
.Ltmp8:
0x3f7: {  	_ = 	snop;
	(pc) =	sbr.rel @p1 .LBB2_16-.Ltmp8, $4  }
0x3f8: {  	s25 =	sadd.s32 $0xFB30, s6;
	s26 =	sadd.s32 $0x60, s7  }
0x3f9: {  	[hbm4b:s26+s3] =	stream.linear.scatter [tilespmem:s25], [sflag:$0x7], $0x80, $0x38;
	[tilespmem:$0x13C00] =	vst v63  }
0x3fa: {  	s28 =	sadd.s32 $0xFBB8, s6;
	s29 =	sadd.s32 $0x70, s7  }
0x3fb: {  	[hbm4b:s29+s3] =	stream.linear.scatter [tilespmem:s28], [sflag:$0x7], $0x80, $0x38;
	[tilespmem:$0x13C00] =	vst v63  }
.Ltmp9:
0x3fc: {  	(pc) =	sbr.rel .LBB2_17-.Ltmp9, $4  }
0x3fd: {  	_ = 	snop  }
0x3fe: {  	_ =	swait.ge [sflag:s22], $0x2000  }
0x3ff: {  	[sflag:s22] =	ssyncset.done $0x0  }
0x400: {  	[sflag:s22] =	ssyncadd.s32 $0xFFFFE000  }
.LBB2_16:
0x401: {  	s6 =	sadd.s32 $0x4, s31  }
0x402: {  	s7 =	smulhi.u32 $0x4EC4EC4F, s6;
	_ =	sdelay $0x1  }
0x403: {  	s8 =	sshrl.u32 s7, $0x3  }
0x404: {  	s8 =	smul.u32 $0x1A, s8;
	_ =	sdelay $0x1  }
0x405: {  	s7 =	sshll.u32 s7, $0x4;
	s6 =	ssub.s32 s6, s8  }
0x406: {  	s7 =	sand.u32 $0x3FFFFF80, s7;
	s6 =	sshll.u32 s6, $0x9  }
.Ltmp10:
0x407: {  	s29 =	simm.s32 $0x3400;
	s6 =	sadd.s32 s7, s6;
	(pc) =	sbr.rel @p0 .LBB2_18-.Ltmp10, $4  }
0x408: {  	[tilespmem:s29], [sflag:$0x1] =	stream.indirect.gather [hbm4b:s4+s11], $0x40, s6, s11, $0xb8;
	[tilespmem:$0x13C00] =	vst v63  }
0x409: {  	_ =	swait.ge [sflag:s22], $0x2000  }
0x40a: {  	[sflag:s22] =	ssyncset.done $0x0  }
0x40b: {  	[sflag:s22] =	ssyncadd.s32 $0xFFFFE000  }
.LBB2_17:
0x40c: {  	_ =	swait.ge [sflag:s23], $0x2000  }
0x40d: {  	[sflag:s23] =	ssyncset.done $0x0  }
0x40e: {  	[sflag:s23] =	ssyncadd.s32 $0xFFFFE000  }
.LBB2_18:
0x40f: {  	s25 =	simm.s32 $0x9440  }
0x410: {  	v4 =	vld [tilespmem:s25+$0x0];
	_ =	sdelay $0x4  }
0x411: {  	v5 =	vsub.f32 $0.0e+00, v4;
	_ =	sdelay $0x1  }
0x412: {  	v6 =	vld [tilespmem:s25+$0xFFFFFFC0];
	v5 =	vmul.f32 $1.442695020e+00, v5;
	_ =	sdelay $0x1  }
0x413: {  	(erf) = vpow2.f32 v5;
	_ =	sdelay $0x2  }
0x414: {  	v5 =	vsub.f32 $0.0e+00, v6;
	_ =	sdelay $0x1  }
0x415: {  	v5 =	vmul.f32 $1.442695020e+00, v5;
	_ =	sdelay $0x1  }
0x416: {  	(erf) = vpow2.f32 v5;
	_ =	sdelay $0x1  }
0x417: {  	v5 =	vpop (erf)  }
0x418: {  	v5 =	vadd.f32 $1.000000000e+00, v5  }
0x419: {  	s10 =	simm.s32 $0x94C0  }
0x41a: {  	v7 =	vld [tilespmem:s10+$0x0];
	(erf) = vrcp.f32 v5;
	_ =	sdelay $0x3  }
0x41b: {  	s6 =	simm.s32 $0x1;
	v5 =	vpop (erf)  }
0x41c: {  	v9 =	vmov s6;
	v10 =	vld [tilespmem:s10+$0xFFFFFFC0];
	v8 =	vsub.f32 $0.0e+00, v7;
	v5 =	vadd.f32 $1.000000000e+00, v5  }
0x41d: {  	v16 =	vand.u32 $0x7F, v9  }
0x41e: {  	(erf) = vrcp.f32 v5;
	v5 =	vmul.f32 $1.442695020e+00, v8;
	v8 =	vadd.s32 v0, v16;
	_ =	sdelay $0x1  }
0x41f: {  	v9 =	vpop (erf)  }
0x420: {  	(erf) = vpow2.f32 v5;
	v5 =	vmul.f32 v9, v4;
	v9 =	vsub.f32 $0.0e+00, v10;
	_ =	sdelay $0x1  }
0x421: {  	s12 =	simm.s32 $0x0;
	[tilespmem:v8+s24+$0x0] =	vst.idx.msk $0xffff, v5;
	v5 =	vmul.f32 $1.442695020e+00, v9  }
0x422: {  	v4 =	vmov s12  }
0x423: {  	v4 =	vand.u32 $0x7E, v4  }
0x424: {  	v8 =	vadd.s32 v0, v4  }
0x425: {  	v9 =	vld [tilespmem:s25+$0x10];
	(erf) = vpow2.f32 v5;
	v5 =	vpop (erf)  }
0x426: {  	v5 =	vmul.f32 v5, v6;
	_ =	sdelay $0x2  }
0x427: {  	[tilespmem:v8+s24+$0x0] =	vst.idx.msk $0xffff, v5  }
0x428: {  	v6 =	vsub.f32 $0.0e+00, v9;
	v8 =	vld [tilespmem:s25+$0xFFFFFFD0];
	v5 =	vpop (erf)  }
0x429: {  	s8 =	simm.s32 $0x9540;
	v5 =	vadd.f32 $1.000000000e+00, v5  }
0x42a: {  	v11 =	vld [tilespmem:s8+$0x0];
	v6 =	vmul.f32 $1.442695020e+00, v6  }
0x42b: {  	(erf) = vrcp.f32 v5  }
0x42c: {  	(erf) = vpow2.f32 v6  }
0x42d: {  	v6 =	vsub.f32 $0.0e+00, v8;
	v5 =	vpop (erf)  }
0x42e: {  	v12 =	vld [tilespmem:s8+$0xFFFFFFC0];
	v5 =	vadd.f32 $1.000000000e+00, v5  }
0x42f: {  	s13 =	simm.s32 $0x3;
	v13 =	vsub.f32 $0.0e+00, v11;
	v6 =	vmul.f32 $1.442695020e+00, v6  }
0x430: {  	v14 =	vmov s13;
	(erf) = vrcp.f32 v5  }
0x431: {  	v5 =	vand.u32 $0x7F, v14;
	(erf) = vpow2.f32 v6;
	v6 =	vmul.f32 $1.442695020e+00, v13  }
0x432: {  	v13 =	vadd.s32 v0, v5  }
0x433: {  	v14 =	vsub.f32 $0.0e+00, v12;
	(erf) = vpow2.f32 v6  }
0x434: {  	s16 =	simm.s32 $0x2;
	v15 =	vpop (erf)  }
0x435: {  	v14 =	vmul.f32 $1.442695020e+00, v14;
	v6 =	vpop (erf);
	v7 =	vmul.f32 v15, v7;
	v15 =	vmov s16  }
0x436: {  	v17 =	vadd.f32 $1.000000000e+00, v6;
	v6 =	vand.u32 $0x7E, v15  }
0x437: {  	(erf) = vpow2.f32 v14;
	[tilespmem:v13+s24+$0x0] =	vst.idx.msk $0xffff, v7;
	v7 =	vadd.s32 v0, v6  }
0x438: {  	(erf) = vrcp.f32 v17;
	v13 =	vld [tilespmem:s10+$0x10]  }
0x439: {  	v14 =	vpop (erf)  }
0x43a: {  	v10 =	vmul.f32 v14, v10;
	v14 =	vpop (erf)  }
0x43b: {  	v14 =	vadd.f32 $1.000000000e+00, v14  }
0x43c: {  	[tilespmem:v7+s24+$0x0] =	vst.idx.msk $0xffff, v10;
	v7 =	vpop (erf)  }
0x43d: {  	v10 =	vsub.f32 $0.0e+00, v13;
	v15 =	vld [tilespmem:s10+$0xFFFFFFD0];
	(erf) = vrcp.f32 v14;
	v7 =	vadd.f32 $1.000000000e+00, v7;
	_ =	sdelay $0x1  }
0x43e: {  	s6 =	simm.s32 $0x95C0;
	v10 =	vmul.f32 $1.442695020e+00, v10  }
0x43f: {  	v18 =	vld [tilespmem:s6+$0x0];
	v14 =	vadd.s32 v1, v16;
	v17 =	vpop (erf);
	(erf) = vrcp.f32 v7  }
0x440: {  	v7 =	vpop (erf);
	(erf) = vpow2.f32 v10  }
0x441: {  	v10 =	vadd.f32 $1.000000000e+00, v17;
	v7 =	vmul.f32 v7, v9;
	v9 =	vsub.f32 $0.0e+00, v15  }
0x442: {  	v19 =	vld [tilespmem:s6+$0xFFFFFFC0]  }
0x443: {  	v17 =	vadd.s32 v1, v4;
	v9 =	vmul.f32 $1.442695020e+00, v9  }
0x444: {  	v20 =	vsub.f32 $0.0e+00, v18;
	(erf) = vrcp.f32 v10;
	[tilespmem:v14+s24+$0x0] =	vst.idx.msk $0xffff, v7  }
0x445: {  	v14 =	vld [tilespmem:s25+$0x20];
	v10 =	vpop (erf);
	(erf) = vpow2.f32 v9  }
0x446: {  	s7 =	simm.s32 $0x5;
	v9 =	vmul.f32 $1.442695020e+00, v20;
	v8 =	vmul.f32 v10, v8  }
0x447: {  	v21 =	vsub.f32 $0.0e+00, v19;
	v7 =	vmov s7  }
0x448: {  	v7 =	vand.u32 $0x7F, v7;
	v10 =	vpop (erf);
	(erf) = vpow2.f32 v9;
	[tilespmem:v17+s24+$0x0] =	vst.idx.msk $0xffff, v8  }
0x449: {  	v20 =	vadd.s32 v0, v7;
	v9 =	vmul.f32 $1.442695020e+00, v21;
	v10 =	vmul.f32 v10, v11;
	v11 =	vld [tilespmem:s25+$0xFFFFFFE0]  }
0x44a: {  	v17 =	vsub.f32 $0.0e+00, v14  }
0x44b: {  	s26 =	simm.s32 $0x4;
	(erf) = vpow2.f32 v9;
	v8 =	vpop (erf)  }
0x44c: {  	v21 =	vadd.f32 $1.000000000e+00, v8;
	v8 =	vmov s26;
	v9 =	vmul.f32 $1.442695020e+00, v17  }
0x44d: {  	v8 =	vand.u32 $0x7E, v8  }
0x44e: {  	[tilespmem:v20+s24+$0x0] =	vst.idx.msk $0xffff, v10;
	(erf) = vrcp.f32 v21;
	v10 =	vadd.s32 v0, v8;
	v21 =	vsub.f32 $0.0e+00, v11  }
0x44f: {  	v17 =	vld [tilespmem:s8+$0x10];
	(erf) = vpow2.f32 v9  }
0x450: {  	v9 =	vpop (erf)  }
0x451: {  	v20 =	vpop (erf);
	v9 =	vmul.f32 v9, v12  }
0x452: {  	v12 =	vadd.f32 $1.000000000e+00, v20;
	v20 =	vmul.f32 $1.442695020e+00, v21;
	v21 =	vpop (erf)  }
0x453: {  	[tilespmem:v10+s24+$0x0] =	vst.idx.msk $0xffff, v9;
	v9 =	vadd.f32 $1.000000000e+00, v21  }
0x454: {  	v22 =	vsub.f32 $0.0e+00, v17;
	v23 =	vld [tilespmem:s8+$0xFFFFFFD0]  }
0x455: {  	s7 =	simm.s32 $0x9640;
	(erf) = vrcp.f32 v12  }
0x456: {  	v26 =	vld [tilespmem:s7+$0xFFFFFFC0];
	v10 =	vmul.f32 $1.442695020e+00, v22;
	v12 =	vadd.s32 v1, v5;
	(erf) = vpow2.f32 v20;
	v20 =	vpop (erf)  }
0x457: {  	v25 =	vld [tilespmem:s7+$0x0];
	(erf) = vrcp.f32 v9;
	v9 =	vpop (erf)  }
0x458: {  	(erf) = vpow2.f32 v10;
	v10 =	vadd.f32 $1.000000000e+00, v20;
	v20 =	vpop (erf)  }
0x459: {  	v9 =	vmul.f32 v9, v13;
	v13 =	vadd.f32 $1.000000000e+00, v20;
	v20 =	vsub.f32 $0.0e+00, v23;
	_ =	sdelay $0x1  }
0x45a: {  	v21 =	vsub.f32 $0.0e+00, v26;
	(erf) = vrcp.f32 v10;
	[tilespmem:v12+s24+$0x0] =	vst.idx.msk $0xffff, v9;
	v12 =	vmul.f32 $1.442695020e+00, v20  }
0x45b: {  	s9 =	simm.s32 $0x7;
	v10 =	vadd.s32 v1, v6;
	(erf) = vrcp.f32 v13;
	v13 =	vsub.f32 $0.0e+00, v25  }
0x45c: {  	v9 =	vmov s9  }
0x45d: {  	v27 =	vld [tilespmem:s10+$0x20];
	v9 =	vand.u32 $0x7F, v9;
	v20 =	vpop (erf);
	v13 =	vmul.f32 $1.442695020e+00, v13  }
0x45e: {  	v22 =	vadd.s32 v0, v9;
	(erf) = vpow2.f32 v12;
	v15 =	vmul.f32 v20, v15;
	v12 =	vpop (erf)  }
0x45f: {  	v20 =	vmul.f32 $1.442695020e+00, v21;
	v21 =	vpop (erf);
	v12 =	vadd.f32 $1.000000000e+00, v12  }
0x460: {  	s28 =	simm.s32 $0x6;
	(erf) = vpow2.f32 v13;
	[tilespmem:v10+s24+$0x0] =	vst.idx.msk $0xffff, v15;
	v15 =	vmul.f32 v21, v18  }
0x461: {  	v24 =	vmov s28;
	v13 =	vpop (erf)  }
0x462: {  	v28 =	vsub.f32 $0.0e+00, v27;
	(erf) = vpow2.f32 v20;
	v18 =	vld [tilespmem:s10+$0xFFFFFFE0];
	v13 =	vadd.f32 $1.000000000e+00, v13  }
0x463: {  	v10 =	vand.u32 $0x7E, v24;
	v21 =	vadd.s32 v2, v16;
	(erf) = vrcp.f32 v12;
	[tilespmem:v22+s24+$0x0] =	vst.idx.msk $0xffff, v15;
	v12 =	vpop (erf)  }
0x464: {  	v20 =	vmul.f32 $1.442695020e+00, v28;
	(erf) = vrcp.f32 v13;
	v13 =	vadd.s32 v0, v10;
	v30 =	vld [tilespmem:s6+$0x10];
	v15 =	vpop (erf)  }
0x465: {  	v14 =	vmul.f32 v15, v14;
	v15 =	vmul.f32 v12, v19  }
0x466: {  	(erf) = vpow2.f32 v20  }
0x467: {  	v12 =	vpop (erf);
	v19 =	vsub.f32 $0.0e+00, v18  }
0x468: {  	[tilespmem:v21+s24+$0x0] =	vst.idx.msk $0xffff, v14;
	v14 =	vadd.f32 $1.000000000e+00, v12  }
0x469: {  	[tilespmem:v13+s24+$0x0] =	vst.idx.msk $0xffff, v15;
	v13 =	vmul.f32 $1.442695020e+00, v19;
	v19 =	vsub.f32 $0.0e+00, v30;
	v15 =	vpop (erf)  }
0x46a: {  	v12 =	vld [tilespmem:s25+$0x30];
	(erf) = vrcp.f32 v14;
	v15 =	vadd.f32 $1.000000000e+00, v15  }
0x46b: {  	v21 =	vld [tilespmem:s6+$0xFFFFFFD0];
	(erf) = vpow2.f32 v13;
	v13 =	vmul.f32 $1.442695020e+00, v19  }
0x46c: {  	v14 =	vadd.s32 v2, v4;
	v20 =	vpop (erf)  }
0x46d: {  	s9 =	simm.s32 $0x96C0;
	v22 =	vpop (erf)  }
0x46e: {  	v19 =	vadd.s32 v1, v7;
	(erf) = vrcp.f32 v15;
	v11 =	vmul.f32 v22, v11;
	v22 =	vld [tilespmem:s9+$0x0];
	v15 =	vpop (erf)  }
0x46f: {  	v24 =	vadd.f32 $1.000000000e+00, v20;
	v20 =	vld [tilespmem:s9+$0xFFFFFFC0];
	(erf) = vpow2.f32 v13;
	v28 =	vsub.f32 $0.0e+00, v12;
	v13 =	vpop (erf)  }
0x470: {  	v29 =	vsub.f32 $0.0e+00, v21;
	v15 =	vmul.f32 v15, v17;
	v17 =	vadd.f32 $1.000000000e+00, v13  }
0x471: {  	[tilespmem:v14+s24+$0x0] =	vst.idx.msk $0xffff, v11;
	(erf) = vrcp.f32 v24;
	v11 =	vmul.f32 $1.442695020e+00, v28  }
0x472: {  	s12 =	simm.s32 $0x8;
	(erf) = vrcp.f32 v17;
	v17 =	vmul.f32 $1.442695020e+00, v29  }
0x473: {  	v14 =	vmov s12;
	[tilespmem:v19+s24+$0x0] =	vst.idx.msk $0xffff, v15;
	v19 =	vsub.f32 $0.0e+00, v22;
	(erf) = vpow2.f32 v11  }
0x474: {  	s29 =	simm.s32 $0x9;
	v15 =	vadd.s32 v1, v8;
	v24 =	vld [tilespmem:s8+$0x20];
	(erf) = vpow2.f32 v17;
	v17 =	vsub.f32 $0.0e+00, v20  }
0x475: {  	v28 =	vpop (erf);
	v11 =	vand.u32 $0x7E, v14;
	v14 =	vmov s29;
	v19 =	vmul.f32 $1.442695020e+00, v19  }
0x476: {  	v13 =	vld [tilespmem:s25+$0xFFFFFFF0];
	v29 =	vpop (erf);
	v14 =	vand.u32 $0x7F, v14;
	v17 =	vmul.f32 $1.442695020e+00, v17  }
0x477: {  	v23 =	vmul.f32 v28, v23;
	v28 =	vadd.s32 v0, v14;
	v31 =	vpop (erf);
	(erf) = vpow2.f32 v19  }
0x478: {  	(erf) = vpow2.f32 v17;
	v17 =	vmul.f32 v31, v25  }
0x479: {  	[tilespmem:v15+s24+$0x0] =	vst.idx.msk $0xffff, v23;
	v15 =	vadd.s32 v0, v11;
	v33 =	vsub.f32 $0.0e+00, v24  }
0x47a: {  	v29 =	vadd.f32 $1.000000000e+00, v29;
	v19 =	vpop (erf)  }
0x47b: {  	v32 =	vsub.f32 $0.0e+00, v13;
	v23 =	vld [tilespmem:s8+$0xFFFFFFE0];
	v19 =	vadd.f32 $1.000000000e+00, v19;
	v25 =	vpop (erf);
	v31 =	vmul.f32 $1.442695020e+00, v33  }
0x47c: {  	(erf) = vrcp.f32 v29;
	v25 =	vmul.f32 v25, v26;
	[tilespmem:v28+s24+$0x0] =	vst.idx.msk $0xffff, v17;
	v17 =	vpop (erf)  }
0x47d: {  	v61 =	vadd.s32 v2, v5;
	(erf) = vrcp.f32 v19;
	v19 =	vmul.f32 $1.442695020e+00, v32;
	v28 =	vpop (erf)  }
0x47e: {  	v26 =	vld [tilespmem:s7+$0x10];
	[tilespmem:v15+s24+$0x0] =	vst.idx.msk $0xffff, v25;
	(erf) = vpow2.f32 v31;
	v15 =	vpop (erf)  }
0x47f: {  	(erf) = vpow2.f32 v19;
	v19 =	vadd.f32 $1.000000000e+00, v15  }
0x480: {  	v17 =	vmul.f32 v17, v27;
	v27 =	vadd.f32 $1.000000000e+00, v28;
	v28 =	vsub.f32 $0.0e+00, v23;
	_ =	sdelay $0x1  }
0x481: {  	v25 =	vld [tilespmem:s7+$0xFFFFFFD0];
	[tilespmem:v61+s24+$0x0] =	vst.idx.msk $0xffff, v17;
	(erf) = vrcp.f32 v27;
	v17 =	vmul.f32 $1.442695020e+00, v28  }
0x482: {  	v15 =	vld [tilespmem:s10+$0x30];
	v27 =	vsub.f32 $0.0e+00, v26;
	(erf) = vrcp.f32 v19;
	v19 =	vpop (erf)  }
0x483: {  	(erf) = vpow2.f32 v17;
	v17 =	vadd.f32 $1.000000000e+00, v19  }
0x484: {  	v27 =	vmul.f32 $1.442695020e+00, v27  }
0x485: {  	v31 =	vadd.s32 v2, v6;
	v19 =	vpop (erf)  }
0x486: {  	v62 =	vadd.s32 v1, v9;
	v19 =	vadd.f32 $1.000000000e+00, v19;
	v28 =	vpop (erf)  }
0x487: {  	s12 =	simm.s32 $0xA;
	v34 =	vsub.f32 $0.0e+00, v25;
	v63 =	vsub.f32 $0.0e+00, v15;
	(erf) = vrcp.f32 v17;
	v17 =	vpop (erf)  }
0x488: {  	s26 =	simm.s32 $0x9740;
	v18 =	vmul.f32 v28, v18;
	v28 =	vmov s12;
	(erf) = vpow2.f32 v27;
	v27 =	vpop (erf)  }
0x489: {  	v29 =	vld [tilespmem:s26+$0x0];
	v32 =	vmul.f32 $1.442695020e+00, v63;
	v35 =	vmul.f32 v17, v30;
	v36 =	vadd.f32 $1.000000000e+00, v27  }
0x48a: {  	[tilespmem:v31+s24+$0x0] =	vst.idx.msk $0xffff, v18;
	(erf) = vrcp.f32 v19;
	v18 =	vmul.f32 $1.442695020e+00, v34;
	v17 =	vadd.s32 v3, v16;
	v27 =	vld [tilespmem:s26+$0xFFFFFFC0];
	v19 =	vpop (erf)  }
0x48b: {  	s13 =	simm.s32 $0xE;
	s25 =	simm.s32 $0xC;
	v30 =	vadd.s32 v1, v10;
	v16 =	vld [tilespmem:s10+$0xFFFFFFF0];
	s10 =	simm.s32 $0x9740;
	[tilespmem:v62+s24+$0x0] =	vst.idx.msk $0xffff, v35;
	v31 =	vadd.f32 $1.000000000e+00, v19;
	v19 =	vpop (erf);
	(erf) = vrcp.f32 v36  }
.LBB2_19:
0x48c: {  	p0 =	slt.u32 s13, $0x7E;
	v28 =	vand.u32 $0x7E, v28;
	v34 =	vpop (erf);
	(erf) = vpow2.f32 v32;
	v36 =	vmul.f32 v19, v12  }
0x48d: {  	s16 =	sadd.s32 $0x1, s12;
	v33 =	vld [tilespmem:s6+$0x20];
	v19 =	vmovc v5;
	v5 =	vmovc v7;
	v7 =	vmov v9;
	v9 =	vmov v14;
	v32 =	vmov v23;
	s12 =	smov.u32 s25;
	s25 =	smov.u32 s13  }
0x48e: {  	v23 =	vsub.f32 $0.0e+00, v29;
	v14 =	vmov s16;
	(erf) = vpow2.f32 v18;
	v18 =	vpop (erf)  }
0x48f: {  	v37 =	vmul.f32 v34, v21;
	v35 =	vsub.f32 $0.0e+00, v27;
	v14 =	vand.u32 $0x7F, v14;
	[tilespmem:v17+s24+$0x0] =	vst.idx.msk $0xffff, v36;
	v17 =	vmovc v26  }
0x490: {  	v12 =	vmovc v15;
	v21 =	vmovc v25;
	v18 =	vadd.f32 $1.000000000e+00, v18;
	v23 =	vmul.f32 $1.442695020e+00, v23;
	v26 =	vadd.s32 v0, v14  }
0x491: {  	v15 =	vmul.f32 $1.442695020e+00, v35;
	v25 =	vpop (erf);
	[tilespmem:v30+s24+$0x0] =	vst.idx.msk $0xffff, v37;
	v30 =	vsub.f32 $0.0e+00, v16;
	(erf) = vrcp.f32 v31  }
0x492: {  	v31 =	vadd.s32 v0, v28;
	(erf) = vpow2.f32 v23;
	v34 =	vpop (erf);
	v23 =	vld [tilespmem:s6+$0xFFFFFFE0];
	v35 =	vsub.f32 $0.0e+00, v33  }
0x493: {  	v36 =	vmul.f32 v25, v22;
	v22 =	vmovc v29;
	(erf) = vpow2.f32 v15;
	v37 =	vadd.f32 $1.000000000e+00, v34  }
0x494: {  	v29 =	vpop (erf);
	v34 =	vmul.f32 $1.442695020e+00, v35;
	v35 =	vadd.s32 v2, v5;
	(erf) = vrcp.f32 v18  }
0x495: {  	v29 =	vmul.f32 v29, v20;
	[tilespmem:v26+s24+$0x0] =	vst.idx.msk $0xffff, v36;
	(erf) = vrcp.f32 v37;
	v15 =	vpop (erf);
	v20 =	vmov v27  }
0x496: {  	v27 =	vmul.f32 $1.442695020e+00, v30;
	v26 =	vld [tilespmem:s9+$0x10];
	(erf) = vpow2.f32 v34;
	v25 =	vpop (erf)  }
0x497: {  	v15 =	vmul.f32 v15, v24;
	[tilespmem:v31+s24+$0x0] =	vst.idx.msk $0xffff, v29;
	v18 =	vpop (erf);
	v29 =	vsub.f32 $0.0e+00, v23;
	v30 =	vadd.f32 $1.000000000e+00, v25  }
0x498: {  	v25 =	vld [tilespmem:s9+$0xFFFFFFD0];
	v18 =	vadd.f32 $1.000000000e+00, v18;
	(erf) = vpow2.f32 v27;
	v27 =	vadd.s32 v3, v4;
	v4 =	vmovc v6;
	v6 =	vmovc v8  }
0x499: {  	v8 =	vmovc v10;
	v10 =	vmovc v11;
	v11 =	vmov v28;
	v29 =	vmul.f32 $1.442695020e+00, v29;
	[tilespmem:v35+s24+$0x0] =	vst.idx.msk $0xffff, v15;
	(erf) = vrcp.f32 v30  }
0x49a: {  	v24 =	vmov v33;
	(erf) = vrcp.f32 v18;
	v18 =	vadd.s32 v2, v6;
	v15 =	vld [tilespmem:s8+$0x30];
	v28 =	vpop (erf)  }
0x49b: {  	v30 =	vpop (erf);
	v31 =	vsub.f32 $0.0e+00, v26;
	(erf) = vpow2.f32 v29;
	v28 =	vmul.f32 v28, v13  }
0x49c: {  	v13 =	vmov v16;
	v29 =	vadd.f32 $1.000000000e+00, v30;
	v30 =	vpop (erf)  }
0x49d: {  	v16 =	vadd.f32 $1.000000000e+00, v30;
	v36 =	vmul.f32 $1.442695020e+00, v31;
	v31 =	vadd.s32 v1, v9;
	v33 =	vpop (erf);
	[tilespmem:v27+s24+$0x0] =	vst.idx.msk $0xffff, v28  }
.Ltmp11:
0x49e: {  	s26 =	sadd.s32 $0x80, s26;
	v34 =	vsub.f32 $0.0e+00, v25;
	(erf) = vrcp.f32 v29;
	v35 =	vpop (erf);
	v32 =	vmul.f32 v33, v32;
	(pc) =	sbr.rel @p0 .LBB2_19-.Ltmp11, $4  }
0x49f: {  	v28 =	vmov s12;
	v29 =	vld [tilespmem:s26+$0x0];
	(erf) = vpow2.f32 v36;
	v30 =	vpop (erf);
	v33 =	vsub.f32 $0.0e+00, v15  }
0x4a0: {  	v35 =	vmul.f32 v35, v17;
	v17 =	vadd.s32 v3, v19;
	v27 =	vld [tilespmem:s26+$0xFFFFFFC0];
	v36 =	vadd.f32 $1.000000000e+00, v30;
	[tilespmem:v18+s24+$0x0] =	vst.idx.msk $0xffff, v32  }
0x4a1: {  	v30 =	vadd.s32 v1, v10;
	(erf) = vrcp.f32 v16;
	v16 =	vld [tilespmem:s8+$0xFFFFFFF0];
	v32 =	vmul.f32 $1.442695020e+00, v33;
	v19 =	vpop (erf);
	s8 =	smov.u32 s6;
	s6 =	smov.u32 s7;
	s7 =	smov.u32 s9  }
0x4a2: {  	s13 =	sadd.s32 $0x2, s13;
	v18 =	vmul.f32 $1.442695020e+00, v34;
	s9 =	smov.u32 s10;
	s10 =	smov.u32 s26;
	[tilespmem:v31+s24+$0x0] =	vst.idx.msk $0xffff, v35;
	(erf) = vrcp.f32 v36;
	v31 =	vadd.f32 $1.000000000e+00, v19;
	v19 =	vpop (erf)  }
0x4a3: {  	s12 =	sadd.s32 $0x1, s12  }
0x4a4: {  	v33 =	vld [tilespmem:s6+$0x20];
	(erf) = vpow2.f32 v32;
	v43 =	vsub.f32 $0.0e+00, v29;
	v34 =	vmov s12  }
0x4a5: {  	(erf) = vpow2.f32 v18;
	v18 =	vand.u32 $0x7F, v34  }
0x4a6: {  	v44 =	vpop (erf);
	v35 =	vsub.f32 $0.0e+00, v27;
	v32 =	vmul.f32 $1.442695020e+00, v43;
	v36 =	vadd.s32 v0, v18  }
0x4a7: {  	v37 =	vpop (erf);
	v21 =	vmul.f32 v44, v21;
	(erf) = vrcp.f32 v31  }
0x4a8: {  	v45 =	vmul.f32 $1.442695020e+00, v35;
	v46 =	vpop (erf);
	(erf) = vpow2.f32 v32  }
0x4a9: {  	v47 =	vadd.f32 $1.000000000e+00, v37;
	[tilespmem:v30+s24+$0x0] =	vst.idx.msk $0xffff, v21;
	v48 =	vpop (erf);
	v49 =	vsub.f32 $0.0e+00, v33;
	v22 =	vmul.f32 v46, v22  }
0x4aa: {  	v50 =	vsub.f32 $0.0e+00, v16;
	v34 =	vld [tilespmem:s6+$0xFFFFFFE0];
	(erf) = vpow2.f32 v45;
	v21 =	vadd.f32 $1.000000000e+00, v48  }
0x4ab: {  	v30 =	vmul.f32 $1.442695020e+00, v49;
	(erf) = vrcp.f32 v47;
	[tilespmem:v36+s24+$0x0] =	vst.idx.msk $0xffff, v22  }
0x4ac: {  	v51 =	vpop (erf);
	(erf) = vrcp.f32 v21;
	v22 =	vmul.f32 $1.442695020e+00, v50;
	v32 =	vld [tilespmem:s9+$0x10]  }
0x4ad: {  	v52 =	vadd.s32 v2, v7;
	v21 =	vand.u32 $0x7E, v28;
	v53 =	vpop (erf);
	(erf) = vpow2.f32 v30  }
0x4ae: {  	v54 =	vadd.s32 v0, v21;
	v55 =	vpop (erf)  }
0x4af: {  	v20 =	vmul.f32 v51, v20;
	v57 =	vsub.f32 $0.0e+00, v34;
	v56 =	vpop (erf);
	v36 =	vadd.f32 $1.000000000e+00, v55  }
0x4b0: {  	v24 =	vmul.f32 v53, v24;
	(erf) = vpow2.f32 v22;
	v31 =	vadd.f32 $1.000000000e+00, v56;
	v22 =	vpop (erf)  }
0x4b1: {  	v58 =	vmul.f32 $1.442695020e+00, v57;
	(erf) = vrcp.f32 v36;
	v59 =	vpop (erf);
	v60 =	vsub.f32 $0.0e+00, v32  }
0x4b2: {  	[tilespmem:v52+s24+$0x0] =	vst.idx.msk $0xffff, v24;
	(erf) = vrcp.f32 v31;
	v61 =	vadd.f32 $1.000000000e+00, v59  }
0x4b3: {  	v40 =	vadd.s32 v1, v14;
	[tilespmem:v54+s24+$0x0] =	vst.idx.msk $0xffff, v20;
	v20 =	vld [tilespmem:s8+$0x30];
	(erf) = vpow2.f32 v58;
	v62 =	vpop (erf);
	v63 =	vmul.f32 $1.442695020e+00, v60  }
0x4b4: {  	v35 =	vld [tilespmem:s9+$0xFFFFFFD0];
	v41 =	vpop (erf);
	(erf) = vrcp.f32 v61  }
0x4b5: {  	v42 =	vpop (erf);
	(erf) = vpow2.f32 v63  }
0x4b6: {  	v28 =	vadd.f32 $1.000000000e+00, v62;
	v43 =	vpop (erf);
	v24 =	vmul.f32 v42, v26  }
0x4b7: {  	v44 =	vadd.f32 $1.000000000e+00, v43  }
0x4b8: {  	v45 =	vadd.s32 v2, v8;
	v46 =	vsub.f32 $0.0e+00, v20;
	(erf) = vrcp.f32 v28;
	[tilespmem:v40+s24+$0x0] =	vst.idx.msk $0xffff, v24  }
0x4b9: {  	s28 =	sadd.s32 $0x1, s25;
	v48 =	vpop (erf);
	v47 =	vsub.f32 $0.0e+00, v35;
	(erf) = vrcp.f32 v44;
	v31 =	vld [tilespmem:s7+$0x20]  }
0x4ba: {  	v38 =	vadd.s32 v1, v11;
	v49 =	vmov s28;
	v37 =	vmul.f32 $1.442695020e+00, v46;
	v26 =	vpop (erf)  }
0x4bb: {  	v36 =	vmul.f32 v41, v23;
	v23 =	vand.u32 $0x7F, v49;
	v39 =	vmul.f32 $1.442695020e+00, v47;
	v40 =	vpop (erf)  }
0x4bc: {  	v50 =	vmov s25;
	v41 =	vadd.s32 v0, v23;
	(erf) = vpow2.f32 v37;
	v51 =	vpop (erf)  }
0x4bd: {  	v59 =	vadd.s32 v2, v9;
	[tilespmem:v45+s24+$0x0] =	vst.idx.msk $0xffff, v36;
	v52 =	vadd.f32 $1.000000000e+00, v48;
	(erf) = vpow2.f32 v39;
	v53 =	vpop (erf)  }
0x4be: {  	v28 =	vld [tilespmem:s8+$0xFFFFFFF0];
	v25 =	vmul.f32 v40, v25;
	v37 =	vadd.f32 $1.000000000e+00, v51;
	v55 =	vsub.f32 $0.0e+00, v31;
	v54 =	vpop (erf)  }
0x4bf: {  	(erf) = vrcp.f32 v52;
	v56 =	vmul.f32 v53, v29;
	v57 =	vadd.f32 $1.000000000e+00, v54  }
0x4c0: {  	v24 =	vand.u32 $0x7E, v50;
	[tilespmem:v38+s24+$0x0] =	vst.idx.msk $0xffff, v25;
	(erf) = vrcp.f32 v37;
	v58 =	vmul.f32 $1.442695020e+00, v55  }
0x4c1: {  	v60 =	vadd.s32 v0, v24;
	v38 =	vld [tilespmem:s7+$0xFFFFFFE0];
	v61 =	vpop (erf);
	[tilespmem:v41+s24+$0x0] =	vst.idx.msk $0xffff, v56;
	(erf) = vrcp.f32 v57  }
0x4c2: {  	v62 =	vpop (erf);
	v40 =	vld [tilespmem:s10+$0x10];
	(erf) = vpow2.f32 v58  }
0x4c3: {  	v63 =	vsub.f32 $0.0e+00, v28;
	v29 =	vmul.f32 v62, v33  }
0x4c4: {  	v39 =	vmul.f32 v61, v27  }
0x4c5: {  	v41 =	vmul.f32 $1.442695020e+00, v63;
	v42 =	vpop (erf);
	[tilespmem:v59+s24+$0x0] =	vst.idx.msk $0xffff, v29  }
0x4c6: {  	[tilespmem:v60+s24+$0x0] =	vst.idx.msk $0xffff, v39;
	v44 =	vsub.f32 $0.0e+00, v38;
	v43 =	vpop (erf);
	v45 =	vadd.f32 $1.000000000e+00, v42;
	v25 =	vld [tilespmem:s6+$0x30]  }
0x4c7: {  	v36 =	vld [tilespmem:s10+$0xFFFFFFD0];
	(erf) = vpow2.f32 v41;
	v46 =	vadd.f32 $1.000000000e+00, v43;
	v47 =	vsub.f32 $0.0e+00, v40  }
0x4c8: {  	v29 =	vmul.f32 $1.442695020e+00, v44;
	(erf) = vrcp.f32 v45;
	v27 =	vpop (erf)  }
0x4c9: {  	v48 =	vadd.s32 v1, v18;
	(erf) = vrcp.f32 v46;
	v49 =	vpop (erf);
	v30 =	vmul.f32 $1.442695020e+00, v47  }
0x4ca: {  	(erf) = vpow2.f32 v29;
	v51 =	vpop (erf)  }
0x4cb: {  	v50 =	vadd.s32 v2, v10;
	(erf) = vpow2.f32 v30;
	v53 =	vsub.f32 $0.0e+00, v25;
	v52 =	vpop (erf)  }
0x4cc: {  	v42 =	vsub.f32 $0.0e+00, v36;
	v29 =	vmul.f32 v51, v32;
	v30 =	vadd.f32 $1.000000000e+00, v52  }
0x4cd: {  	v54 =	vmul.f32 v49, v34;
	v55 =	vmul.f32 $1.442695020e+00, v53  }
0x4ce: {  	v56 =	vmul.f32 $1.442695020e+00, v42;
	[tilespmem:v48+s24+$0x0] =	vst.idx.msk $0xffff, v29;
	(erf) = vrcp.f32 v30  }
0x4cf: {  	v32 =	vld [tilespmem:s9+$0x20];
	(erf) = vpow2.f32 v55  }
0x4d0: {  	[tilespmem:v50+s24+$0x0] =	vst.idx.msk $0xffff, v54;
	v57 =	vpop (erf);
	(erf) = vpow2.f32 v56  }
0x4d1: {  	v29 =	vld [tilespmem:s6+$0xFFFFFFF0];
	v30 =	vpop (erf)  }
0x4d2: {  	v58 =	vpop (erf)  }
0x4d3: {  	v59 =	vadd.s32 v1, v21;
	v33 =	vadd.f32 $1.000000000e+00, v57;
	v60 =	vpop (erf)  }
0x4d4: {  	v48 =	vadd.s32 v2, v14;
	v61 =	vadd.f32 $1.000000000e+00, v60;
	v62 =	vpop (erf);
	v63 =	vsub.f32 $0.0e+00, v32  }
0x4d5: {  	(erf) = vrcp.f32 v33;
	v34 =	vmul.f32 v58, v35;
	v46 =	vadd.f32 $1.000000000e+00, v62  }
0x4d6: {  	v45 =	vsub.f32 $0.0e+00, v29;
	v47 =	vmul.f32 $1.442695020e+00, v63;
	(erf) = vrcp.f32 v61  }
0x4d7: {  	(erf) = vrcp.f32 v46;
	v49 =	vpop (erf)  }
0x4d8: {  	[tilespmem:v59+s24+$0x0] =	vst.idx.msk $0xffff, v34;
	v50 =	vmul.f32 $1.442695020e+00, v45;
	(erf) = vpow2.f32 v47;
	v51 =	vpop (erf)  }
0x4d9: {  	v37 =	vld [tilespmem:s9+$0xFFFFFFE0];
	v31 =	vmul.f32 v49, v31;
	v52 =	vpop (erf);
	v53 =	vadd.f32 $1.000000000e+00, v51  }
0x4da: {  	(erf) = vpow2.f32 v50;
	v54 =	vadd.f32 $1.000000000e+00, v52  }
0x4db: {  	[tilespmem:v48+s24+$0x0] =	vst.idx.msk $0xffff, v31;
	(erf) = vrcp.f32 v53  }
0x4dc: {  	v31 =	vld [tilespmem:s7+$0x30];
	(erf) = vrcp.f32 v54;
	_ =	sdelay $0x1  }
0x4dd: {  	v55 =	vsub.f32 $0.0e+00, v37;
	v34 =	vpop (erf)  }
0x4de: {  	v56 =	vpop (erf)  }
0x4df: {  	v57 =	vadd.s32 v1, v23;
	v33 =	vmul.f32 $1.442695020e+00, v55;
	v58 =	vpop (erf)  }
0x4e0: {  	v59 =	vadd.s32 v2, v11;
	v43 =	vpop (erf);
	v44 =	vsub.f32 $0.0e+00, v31  }
0x4e1: {  	(erf) = vpow2.f32 v33;
	v60 =	vadd.f32 $1.000000000e+00, v43  }
0x4e2: {  	v61 =	vadd.s32 v1, v24;
	v40 =	vmul.f32 v58, v40;
	v62 =	vmul.f32 $1.442695020e+00, v44;
	v63 =	vpop (erf)  }
0x4e3: {  	v35 =	vmul.f32 v56, v38;
	(erf) = vrcp.f32 v60;
	v33 =	vpop (erf)  }
0x4e4: {  	[tilespmem:v57+s24+$0x0] =	vst.idx.msk $0xffff, v40;
	(erf) = vpow2.f32 v62;
	v47 =	vpop (erf)  }
0x4e5: {  	[tilespmem:v59+s24+$0x0] =	vst.idx.msk $0xffff, v35;
	v35 =	vld [tilespmem:s10+$0x20];
	v36 =	vmul.f32 v47, v36  }
0x4e6: {  	v38 =	vld [tilespmem:s7+$0xFFFFFFF0]  }
0x4e7: {  	[tilespmem:v61+s24+$0x0] =	vst.idx.msk $0xffff, v36  }
0x4e8: {  	v36 =	vld [tilespmem:s10+$0xFFFFFFE0];
	_ =	sdelay $0x1  }
0x4e9: {  	v48 =	vadd.f32 $1.000000000e+00, v63;
	v49 =	vpop (erf);
	v50 =	vsub.f32 $0.0e+00, v35  }
0x4ea: {  	v51 =	vsub.f32 $0.0e+00, v38;
	v40 =	vadd.f32 $1.000000000e+00, v49  }
0x4eb: {  	v53 =	vadd.s32 v2, v18;
	(erf) = vrcp.f32 v48;
	v52 =	vmul.f32 $1.442695020e+00, v50;
	v54 =	vpop (erf)  }
0x4ec: {  	v55 =	vmul.f32 $1.442695020e+00, v51;
	(erf) = vrcp.f32 v40;
	v56 =	vpop (erf);
	v57 =	vsub.f32 $0.0e+00, v36  }
0x4ed: {  	(erf) = vpow2.f32 v52;
	v32 =	vmul.f32 v54, v32;
	v58 =	vadd.f32 $1.000000000e+00, v56  }
0x4ee: {  	(erf) = vpow2.f32 v55;
	v59 =	vmul.f32 $1.442695020e+00, v57  }
0x4ef: {  	(erf) = vrcp.f32 v58  }
0x4f0: {  	[tilespmem:v53+s24+$0x0] =	vst.idx.msk $0xffff, v32;
	(erf) = vpow2.f32 v59  }
0x4f1: {  	v32 =	vld [tilespmem:s9+$0x30];
	_ =	sdelay $0x2  }
0x4f2: {  	v39 =	vpop (erf)  }
0x4f3: {  	v60 =	vpop (erf)  }
0x4f4: {  	v61 =	vadd.s32 v2, v21;
	v62 =	vpop (erf);
	v63 =	vsub.f32 $0.0e+00, v32  }
0x4f5: {  	v42 =	vadd.f32 $1.000000000e+00, v62;
	v48 =	vpop (erf)  }
0x4f6: {  	v43 =	vmul.f32 $1.442695020e+00, v63;
	v45 =	vpop (erf)  }
0x4f7: {  	v37 =	vmul.f32 v60, v37;
	v49 =	vadd.f32 $1.000000000e+00, v48;
	(erf) = vrcp.f32 v42;
	v50 =	vpop (erf)  }
0x4f8: {  	(erf) = vpow2.f32 v43;
	v42 =	vadd.f32 $1.000000000e+00, v50  }
0x4f9: {  	[tilespmem:v61+s24+$0x0] =	vst.idx.msk $0xffff, v37;
	(erf) = vrcp.f32 v49  }
0x4fa: {  	v37 =	vld [tilespmem:s9+$0xFFFFFFF0];
	(erf) = vrcp.f32 v42;
	_ =	sdelay $0x4  }
0x4fb: {  	v52 =	vadd.s32 v2, v23;
	v51 =	vsub.f32 $0.0e+00, v37  }
0x4fc: {  	v53 =	vpop (erf)  }
0x4fd: {  	v54 =	vadd.s32 v2, v24;
	v40 =	vmul.f32 $1.442695020e+00, v51;
	v43 =	vpop (erf)  }
0x4fe: {  	v35 =	vmul.f32 v53, v35;
	v42 =	vpop (erf)  }
0x4ff: {  	(erf) = vpow2.f32 v40;
	v55 =	vpop (erf)  }
0x500: {  	[tilespmem:v52+s24+$0x0] =	vst.idx.msk $0xffff, v35;
	v56 =	vmul.f32 v55, v36  }
0x501: {  	v36 =	vld [tilespmem:s10+$0x30]  }
0x502: {  	[tilespmem:v54+s24+$0x0] =	vst.idx.msk $0xffff, v56  }
0x503: {  	v35 =	vld [tilespmem:s10+$0xFFFFFFF0];
	_ =	sdelay $0x2  }
0x504: {  	v57 =	vsub.f32 $0.0e+00, v36  }
0x505: {  	v58 =	vadd.f32 $1.000000000e+00, v43  }
0x506: {  	v59 =	vpop (erf);
	v40 =	vmul.f32 $1.442695020e+00, v57;
	v60 =	vsub.f32 $0.0e+00, v35  }
0x507: {  	(erf) = vrcp.f32 v58;
	v61 =	vadd.f32 $1.000000000e+00, v59  }
0x508: {  	(erf) = vpow2.f32 v40;
	v62 =	vmul.f32 $1.442695020e+00, v60  }
0x509: {  	(erf) = vrcp.f32 v61  }
0x50a: {  	(erf) = vpow2.f32 v62;
	_ =	sdelay $0x5  }
0x50b: {  	v63 =	vpop (erf)  }
0x50c: {  	v4 =	vadd.s32 v3, v4;
	v46 =	vpop (erf)  }
0x50d: {  	v5 =	vadd.s32 v3, v5;
	v47 =	vpop (erf)  }
0x50e: {  	v12 =	vmul.f32 v19, v12;
	v6 =	vadd.s32 v3, v6;
	v48 =	vadd.f32 $1.000000000e+00, v46;
	v49 =	vpop (erf)  }
0x50f: {  	v13 =	vmul.f32 v22, v13;
	v50 =	vadd.s32 v3, v7;
	v51 =	vadd.f32 $1.000000000e+00, v49  }
0x510: {  	[tilespmem:v17+s24+$0x0] =	vst.idx.msk $0xffff, v12;
	v53 =	vadd.s32 v3, v8;
	v52 =	vmul.f32 v26, v15;
	(erf) = vrcp.f32 v48  }
0x511: {  	[tilespmem:v4+s24+$0x0] =	vst.idx.msk $0xffff, v13;
	v4 =	vmul.f32 v27, v16;
	v54 =	vadd.s32 v3, v9;
	(erf) = vrcp.f32 v51  }
0x512: {  	[tilespmem:v5+s24+$0x0] =	vst.idx.msk $0xffff, v52;
	v5 =	vmul.f32 v30, v20;
	v55 =	vadd.s32 v3, v10  }
0x513: {  	[tilespmem:v6+s24+$0x0] =	vst.idx.msk $0xffff, v4;
	v4 =	vmul.f32 v34, v28;
	v56 =	vadd.s32 v3, v14  }
0x514: {  	[tilespmem:v50+s24+$0x0] =	vst.idx.msk $0xffff, v5;
	v5 =	vmul.f32 v33, v25;
	v57 =	vadd.s32 v3, v11  }
0x515: {  	v58 =	vadd.s32 v3, v18;
	[tilespmem:v53+s24+$0x0] =	vst.idx.msk $0xffff, v4;
	v4 =	vmul.f32 v39, v29  }
0x516: {  	v59 =	vadd.s32 v3, v21;
	[tilespmem:v54+s24+$0x0] =	vst.idx.msk $0xffff, v5;
	v5 =	vmul.f32 v45, v31  }
0x517: {  	[tilespmem:v55+s24+$0x0] =	vst.idx.msk $0xffff, v4;
	v4 =	vmul.f32 v42, v38;
	v60 =	vadd.s32 v3, v23  }
0x518: {  	[tilespmem:v56+s24+$0x0] =	vst.idx.msk $0xffff, v5;
	v5 =	vmul.f32 v63, v32;
	v61 =	vadd.s32 v3, v24  }
0x519: {  	[tilespmem:v57+s24+$0x0] =	vst.idx.msk $0xffff, v4;
	v4 =	vmul.f32 v47, v37;
	v62 =	vpop (erf)  }
0x51a: {  	[tilespmem:v58+s24+$0x0] =	vst.idx.msk $0xffff, v5;
	v5 =	vmul.f32 v62, v36;
	v63 =	vpop (erf)  }
0x51b: {  	s1 =	sshll.u32 s1, $0x11;
	s0 =	sadd.s32 s5, s0;
	[tilespmem:v59+s24+$0x0] =	vst.idx.msk $0xffff, v4;
	v4 =	vmul.f32 v63, v35  }
0x51c: {  	s0 =	sshll.u32 s0, $0x7;
	s1 =	sadd.s32 s2, s1;
	[tilespmem:v60+s24+$0x0] =	vst.idx.msk $0xffff, v5  }
0x51d: {  	s29 =	simm.s32 $0x11A00;
	s1 =	sadd.s32 s0, s1;
	[tilespmem:v61+s24+$0x0] =	vst.idx.msk $0xffff, v4  }
0x51e: {  	[hbm4b:s1+s3] =	stream.linear.scatter [tilespmem:s29], [sflag:$0x8], $0x80, $0x38;
	[tilespmem:$0x13C00] =	vst v63  }
0x51f: {  	s6 =	simm.s32 $0x11A88;
	s7 =	sadd.s32 $0x10, s1  }
0x520: {  	[hbm4b:s7+s3] =	stream.linear.scatter [tilespmem:s6], [sflag:$0x8], $0x80, $0x38;
	[tilespmem:$0x13C00] =	vst v63  }
0x521: {  	s13 =	simm.s32 $0x11C20;
	s8 =	simm.s32 $0x11B10;
	s9 =	sadd.s32 $0x20, s1  }
0x522: {  	[hbm4b:s9+s3] =	stream.linear.scatter [tilespmem:s8], [sflag:$0x8], $0x80, $0x38;
	[tilespmem:$0x13C00] =	vst v63  }
0x523: {  	s0 =	simm.s32 $0x440;
	s12 =	sadd.s32 $0x30, s1;
	s10 =	simm.s32 $0x11B98  }
0x524: {  	[hbm4b:s12+s3] =	stream.linear.scatter [tilespmem:s10], [sflag:$0x8], $0x80, $0x38;
	[tilespmem:$0x13C00] =	vst v63  }
0x525: {  	s16 =	sadd.s32 $0x40, s1;
	s26 =	sadd.s32 $0x50, s1;
	s28 =	simm.s32 $0x11D30  }
0x526: {  	[hbm4b:s16+s3] =	stream.linear.scatter [tilespmem:s13], [sflag:$0x8], $0x80, $0x38;
	[tilespmem:$0x13C00] =	vst v63  }
0x527: {  	s25 =	simm.s32 $0x11CA8;
	s29 =	sadd.s32 $0x60, s1;
	s6 =	simm.s32 $0x2200  }
0x528: {  	[hbm4b:s26+s3] =	stream.linear.scatter [tilespmem:s25], [sflag:$0x8], $0x80, $0x38;
	[tilespmem:$0x13C00] =	vst v63  }
0x529: {  	s7 =	simm.s32 $0x11DB8;
	s8 =	sadd.s32 $0x70, s1;
	s1 =	sadd.s32 $0x4000, s1  }
0x52a: {  	[hbm4b:s29+s3] =	stream.linear.scatter [tilespmem:s28], [sflag:$0x8], $0x80, $0x38;
	[tilespmem:$0x13C00] =	vst v63  }
.LBB2_21:
0x52b: {  	[hbm4b:s8+s3] =	stream.linear.scatter [tilespmem:s7], [sflag:$0x8], $0x80, $0x38;
	[tilespmem:$0x13C00] =	vst v63  }
0x52c: {  	s7 =	smov.u32 s0;
	s0 =	smov.u32 s6  }
0x52d: {  	s9 =	sadd.s32 $0x1100, s6;
	s0 =	sshra.s32 s0, $0x2;
	s8 =	sadd.s32 $0x11A00, s7  }
0x52e: {  	[hbm4b:s1+s3] =	stream.linear.scatter [tilespmem:s8], [sflag:$0x8], $0x80, $0x38;
	[tilespmem:$0x13C00] =	vst v63  }
0x52f: {  	p0 =	sne.s32 s6, $0x7700;
	s6 =	sadd.s32 $0x11A88, s7;
	s8 =	sadd.s32 $0x10, s1  }
0x530: {  	[hbm4b:s8+s3] =	stream.linear.scatter [tilespmem:s6], [sflag:$0x8], $0x80, $0x38;
	[tilespmem:$0x13C00] =	vst v63  }
0x531: {  	s6 =	sadd.s32 $0x11B10, s7;
	s8 =	sadd.s32 $0x20, s1  }
0x532: {  	[hbm4b:s8+s3] =	stream.linear.scatter [tilespmem:s6], [sflag:$0x8], $0x80, $0x38;
	[tilespmem:$0x13C00] =	vst v63  }
0x533: {  	s6 =	sadd.s32 $0x11B98, s7;
	s8 =	sadd.s32 $0x30, s1  }
0x534: {  	[hbm4b:s8+s3] =	stream.linear.scatter [tilespmem:s6], [sflag:$0x8], $0x80, $0x38;
	[tilespmem:$0x13C00] =	vst v63  }
0x535: {  	s6 =	sadd.s32 $0x11C20, s7;
	s8 =	sadd.s32 $0x40, s1  }
0x536: {  	[hbm4b:s8+s3] =	stream.linear.scatter [tilespmem:s6], [sflag:$0x8], $0x80, $0x38;
	[tilespmem:$0x13C00] =	vst v63  }
.Ltmp12:
0x537: {  	s6 =	sadd.s32 $0x11CA8, s7;
	s8 =	sadd.s32 $0x50, s1;
	(pc) =	sbr.rel @p0 .LBB2_21-.Ltmp12, $4  }
0x538: {  	[hbm4b:s8+s3] =	stream.linear.scatter [tilespmem:s6], [sflag:$0x8], $0x80, $0x38;
	[tilespmem:$0x13C00] =	vst v63  }
0x539: {  	s6 =	sadd.s32 $0x11D30, s7;
	s8 =	sadd.s32 $0x60, s1;
	s7 =	sadd.s32 $0x11DB8, s7  }
0x53a: {  	[hbm4b:s8+s3] =	stream.linear.scatter [tilespmem:s6], [sflag:$0x8], $0x80, $0x38;
	[tilespmem:$0x13C00] =	vst v63  }
0x53b: {  	s8 =	sadd.s32 $0x70, s1;
	s1 =	sadd.s32 $0x4000, s1;
	s6 =	smov.u32 s9  }
0x53c: {  	[hbm4b:s8+s3] =	stream.linear.scatter [tilespmem:s7], [sflag:$0x8], $0x80, $0x38;
	[tilespmem:$0x13C00] =	vst v63  }
0x53d: {  	s6 =	sadd.s32 $0x11A00, s0  }
0x53e: {  	[hbm4b:s1+s3] =	stream.linear.scatter [tilespmem:s6], [sflag:$0x8], $0x80, $0x38;
	[tilespmem:$0x13C00] =	vst v63  }
0x53f: {  	s25 =	sadd.s32 $0x11A88, s0;
	s26 =	sadd.s32 $0x10, s1  }
0x540: {  	[hbm4b:s26+s3] =	stream.linear.scatter [tilespmem:s25], [sflag:$0x8], $0x80, $0x38;
	[tilespmem:$0x13C00] =	vst v63  }
0x541: {  	s28 =	sadd.s32 $0x11B10, s0;
	s29 =	sadd.s32 $0x20, s1  }
0x542: {  	[hbm4b:s29+s3] =	stream.linear.scatter [tilespmem:s28], [sflag:$0x8], $0x80, $0x38;
	[tilespmem:$0x13C00] =	vst v63  }
0x543: {  	s8 =	sadd.s32 $0x11B98, s0;
	s9 =	sadd.s32 $0x30, s1  }
0x544: {  	[hbm4b:s9+s3] =	stream.linear.scatter [tilespmem:s8], [sflag:$0x8], $0x80, $0x38;
	[tilespmem:$0x13C00] =	vst v63  }
0x545: {  	s10 =	sadd.s32 $0x11C20, s0;
	s12 =	sadd.s32 $0x40, s1  }
0x546: {  	[hbm4b:s12+s3] =	stream.linear.scatter [tilespmem:s10], [sflag:$0x8], $0x80, $0x38;
	[tilespmem:$0x13C00] =	vst v63  }
0x547: {  	s13 =	sadd.s32 $0x11CA8, s0;
	s16 =	sadd.s32 $0x50, s1;
	p0 =	seq.s32 s30, $0x19  }
0x548: {  	[hbm4b:s16+s3] =	stream.linear.scatter [tilespmem:s13], [sflag:$0x8], $0x80, $0x38;
	[tilespmem:$0x13C00] =	vst v63  }
.Ltmp13:
0x549: {  	_ = 	snop;
	(pc) =	sbr.rel @p0 .LBB2_24-.Ltmp13, $4  }
0x54a: {  	s25 =	sadd.s32 $0x11D30, s0;
	s26 =	sadd.s32 $0x60, s1  }
0x54b: {  	[hbm4b:s26+s3] =	stream.linear.scatter [tilespmem:s25], [sflag:$0x8], $0x80, $0x38;
	[tilespmem:$0x13C00] =	vst v63  }
0x54c: {  	s28 =	sadd.s32 $0x11DB8, s0;
	s29 =	sadd.s32 $0x70, s1  }
0x54d: {  	[hbm4b:s29+s3] =	stream.linear.scatter [tilespmem:s28], [sflag:$0x8], $0x80, $0x38;
	[tilespmem:$0x13C00] =	vst v63  }
0x54e: {  	s0 =	sadd.s32 $0x5, s31  }
0x54f: {  	s1 =	smulhi.u32 $0x4EC4EC4F, s0;
	_ =	sdelay $0x1  }
0x550: {  	s6 =	sshrl.u32 s1, $0x3  }
0x551: {  	s6 =	smul.u32 $0x1A, s6  }
.Ltmp14:
0x552: {  	_ = 	snop;
	(pc) =	sbr.rel .LBB2_2-.Ltmp14, $4  }
0x553: {  	s1 =	sshll.u32 s1, $0x4;
	s0 =	ssub.s32 s0, s6  }
0x554: {  	s1 =	sand.u32 $0x3FFFFF80, s1;
	s0 =	sshll.u32 s0, $0x9  }
0x555: {  	s31 =	simm.s32 $0x5400;
	s30 =	sadd.s32 $0x1, s30;
	s0 =	sadd.s32 s1, s0  }
0x556: {  	[tilespmem:s31], [sflag:$0x2] =	stream.indirect.gather [hbm4b:s4+s11], $0x40, s0, s11, $0xb8;
	[tilespmem:$0x13C00] =	vst v63  }
.LBB2_25:
0x557: {  	_ =	sfence.sel $0x180000  }
0x558: {  	[bflag:$0x0] =	sbarrier.arrive $0xFFFF  }
0x559: {  	_ =	strace $0x90000047  }
0x55a: {  	s0 =	stileid.u32;
	[bflag:$0x2] =	sbarrier.arrive $0xFFFF  }
0x55b: {  	p0 =	sne.s32 s0, $0x0;
	s0 =	rddreg [dreg:$0x2]  }
0x55c: {  	s0 =	sadd.s32 @!p0 $0x100000, s0  }
0x55d: {  	[sflag:s0] =	ssyncadd.tile.s32 @!p0 $0x1;
	_ =	shalt  }
.Lfunc_end2:
_tile_overlayer_lowered:
.L_overlay_start_2:
0x55e: {  	(tag) =	ssettag $0x2  }
0x55f: {  	s0 =	rddreg [dreg:$0x0];
	s2 =	stileid.u32  }
0x560: {  	s1 =	rddreg [dreg:$0x1];
	p0 =	sne.s32 s2, $0x0  }
0x561: {  	s3 =	rddreg [dreg:$0x2];
	[bflag:$0x3] =	sbarrier.arrive $0xFFFF;
	s2 =	simm.s32 @!p0 $0x1C09  }
0x562: {  	[timem:s3], [sflag:s2] =	dma.local @!p0 [hbm:s0], s1  }
0x563: {  	s0 =	simm.s32 @!p0 $0x9  }
0x564: {  	_ =	swait.ge @!p0 [sflag:s0], s1  }
0x565: {  	s1 =	ssub.s32 @!p0 $0x0, s1;
	[sflag:s0] =	ssyncset.done @!p0 $0x0  }
0x566: {  	[sflag:s0] =	ssyncadd.s32 @!p0 s1  }
0x567: {  	[bflag:$0x3] =	sbarrier.arrive $0xFFFF  }
0x568: {  	_ =	shalt  }

</sc_bundles>
